<compile_context>
chip_gen: v7x
topology: tpu7x:2x2x1
jax: 0.10.2.dev20260603
libtpu: 0.0.44.dev20260713+nightly
codegen_flags: <defaults>
</compile_context>

<pallas_src>
import functools

import jax
import jax.numpy as jnp
from jax import lax
from jax.experimental import pallas as pl
from jax.experimental.pallas import tpu as pltpu
from jax.experimental.pallas import tpu_sc as plsc

NSC = 2
NTILE = 16
WIN = 80


def _make_deg_kernel(n2, nwin):
    rows_t = n2 // NTILE
    mesh = plsc.VectorSubcoreMesh(core_axis_name="c", subcore_axis_name="s")

    @functools.partial(
        pl.kernel,
        out_type=jax.ShapeDtypeStruct((NSC, n2), jnp.float32),
        mesh=mesh,
        scratch_types=[
            pltpu.VMEM((nwin, WIN), jnp.int32),
            pltpu.VMEM((rows_t,), jnp.float32),
            pltpu.VMEM((WIN,), jnp.float32),
            pltpu.VMEM_SHARED((n2,), jnp.float32),
        ],
    )
    def deg_kernel(dst_hbm, out_hbm, idx_v, zero_v, ones_v, cnt_sh):
        c = lax.axis_index("c")
        s = lax.axis_index("s")
        w = c * NTILE + s

        def zbody(i, _):
            zero_v[pl.ds(i * 16, 16)] = jnp.zeros((16,), jnp.float32)
            return 0

        lax.fori_loop(0, rows_t // 16, zbody, 0)

        def obody(i, _):
            ones_v[pl.ds(i * 16, 16)] = jnp.ones((16,), jnp.float32)
            return 0

        lax.fori_loop(0, WIN // 16, obody, 0)

        pltpu.sync_copy(dst_hbm.at[w], idx_v)
        pltpu.sync_copy(zero_v, cnt_sh.at[pl.ds(s * rows_t, rows_t)])
        plsc.subcore_barrier()

        def body(j, _):
            pltpu.sync_copy(ones_v, cnt_sh.at[idx_v.at[j]], add=True)
            return 0

        lax.fori_loop(0, nwin, body, 0)
        plsc.subcore_barrier()
        pltpu.sync_copy(cnt_sh.at[pl.ds(s * rows_t, rows_t)],
                        out_hbm.at[c, pl.ds(s * rows_t, rows_t)])

    return deg_kernel


def _make_agg_kernel(n2, nwin):
    rows_t = n2 // NTILE
    mesh = plsc.VectorSubcoreMesh(core_axis_name="c", subcore_axis_name="s")

    CH = 24
    ntrip = nwin // 3

    @functools.partial(
        pl.kernel,
        out_type=jax.ShapeDtypeStruct((NSC, n2, 128), jnp.float32),
        mesh=mesh,
        scratch_types=[
            pltpu.VMEM((nwin * WIN,), jnp.int32),
            pltpu.VMEM((CH, WIN), jnp.int32),
            pltpu.VMEM((WIN, 128), jnp.float32),
            pltpu.VMEM((WIN, 128), jnp.float32),
            pltpu.VMEM((WIN, 128), jnp.float32),
            pltpu.SemaphoreType.DMA,
            pltpu.SemaphoreType.DMA,
            pltpu.SemaphoreType.DMA,
            pltpu.SemaphoreType.DMA,
            pltpu.SemaphoreType.DMA,
            pltpu.SemaphoreType.DMA,
            pltpu.VMEM_SHARED((n2, 128), jnp.float32),
        ],
    )
    def agg_kernel(g_hbm, src_hbm, dst_hbm, out_hbm, src_v, dst_v,
                   r0, r1, r2, m0, m1, m2, c0, c1, c2, s_sh):
        c = lax.axis_index("c")
        s = lax.axis_index("s")
        row0 = s * rows_t
        bufs = (r0, r1, r2)
        gsem = (m0, m1, m2)
        ssem = (c0, c1, c2)

        pltpu.sync_copy(src_hbm.at[c, s], src_v)

        @pl.when(c == 0)
        def _():
            pltpu.sync_copy(g_hbm.at[pl.ds(row0, rows_t)],
                            s_sh.at[pl.ds(row0, rows_t)])

        @pl.when(c == 1)
        def _():
            def zb(i, _):
                r0[i // 8, pl.ds((i % 8) * 16, 16)] = jnp.zeros((16,),
                                                               jnp.float32)
                return 0

            lax.fori_loop(0, WIN * 8, zb, 0)
            for m in range(rows_t // WIN):
                pltpu.sync_copy(r0, s_sh.at[pl.ds(row0 + m * WIN, WIN)])

        plsc.subcore_barrier()

        def gather(j, k):
            return pltpu.async_copy(
                g_hbm.at[src_v.at[pl.ds(j * WIN, WIN)]], bufs[k], gsem[k])

        def gwait(j, k):
            pltpu.make_async_copy(
                g_hbm.at[src_v.at[pl.ds(j * WIN, WIN)]], bufs[k],
                gsem[k]).wait()

        def swait(k):
            pltpu.make_async_copy(bufs[k], s_sh.at[dst_v.at[0]],
                                  ssem[k]).wait()

        gather(0, 0)
        gather(1, 1)

        def body(t, _):
            j0 = 3 * t
            tm = t % (CH // 3)
            for k in range(3):
                if k == 0:
                    @pl.when(t > 0)
                    def _():
                        swait(2)

                    @pl.when(tm == 0)
                    def _():
                        pltpu.sync_copy(
                            dst_hbm.at[c, s, pl.ds((t // (CH // 3)) * CH, CH)],
                            dst_v)
                else:
                    swait(k - 1)
                gwait(j0 + k, k)
                pltpu.async_copy(bufs[k], s_sh.at[dst_v.at[3 * tm + k]],
                                 ssem[k], add=True)
                gather(j0 + k + 2, (k + 2) % 3)
            return 0

        lax.fori_loop(0, ntrip, body, 0)
        base = (3 * ntrip // CH) * CH
        for jt in range(3 * ntrip, nwin):
            k = jt % 3
            swait((jt - 1) % 3)
            gwait(jt, k)
            pltpu.async_copy(bufs[k], s_sh.at[dst_v.at[jt - base]],
                             ssem[k], add=True)
        swait((nwin - 1) % 3)

        plsc.subcore_barrier()
        pltpu.sync_copy(s_sh.at[pl.ds(row0, rows_t)],
                        out_hbm.at[c, pl.ds(row0, rows_t)])

    return agg_kernel


def _first_layer(x, w, d01, n2, nrb, rb):

    def body(x_ref, w_ref, d_ref, o_ref):
        dinv = lax.rsqrt(d_ref[:, 0:1] + d_ref[:, 1:2] + 1.0)
        o_ref[...] = (
            jnp.dot(x_ref[...], w_ref[...], preferred_element_type=jnp.float32)
            * dinv
        )

    return pl.pallas_call(
        body,
        grid=(nrb,),
        in_specs=[
            pl.BlockSpec((rb, 128), lambda i: (i, 0)),
            pl.BlockSpec((128, 128), lambda i: (0, 0)),
            pl.BlockSpec((rb, 2), lambda i: (i, 0)),
        ],
        out_specs=pl.BlockSpec((rb, 128), lambda i: (i, 0)),
        out_shape=jax.ShapeDtypeStruct((n2, 128), jnp.float32),
    )(x, w, d01)


def _mid_layer(s1, b, w, d01, n2, nrb, rb):

    def body(sa_ref, sb_ref, d_ref, b_ref, w_ref, o_ref):
        dinv = lax.rsqrt(d_ref[:, 0:1] + d_ref[:, 1:2] + 1.0)
        h = (sa_ref[0] + sb_ref[0]) * dinv + b_ref[...]
        h = jnp.maximum(h, 0.0)
        o_ref[...] = (
            jnp.dot(h, w_ref[...], preferred_element_type=jnp.float32) * dinv
        )

    return pl.pallas_call(
        body,
        grid=(nrb,),
        in_specs=[
            pl.BlockSpec((1, rb, 128), lambda i: (0, i, 0)),
            pl.BlockSpec((1, rb, 128), lambda i: (1, i, 0)),
            pl.BlockSpec((rb, 2), lambda i: (i, 0)),
            pl.BlockSpec((1, 128), lambda i: (0, 0)),
            pl.BlockSpec((128, 128), lambda i: (0, 0)),
        ],
        out_specs=pl.BlockSpec((rb, 128), lambda i: (i, 0)),
        out_shape=jax.ShapeDtypeStruct((n2, 128), jnp.float32),
    )(s1, s1, d01, b.reshape(1, 128), w)


def _final_layer(s2, b, w3p, b3p, d01, n, nrb, rb):
    inv_n = 1.0 / n

    def body(sa_ref, sb_ref, d_ref, b_ref, w_ref, b3_ref, o_ref, acc_ref):
        i = pl.program_id(0)
        dinv = lax.rsqrt(d_ref[:, 0:1] + d_ref[:, 1:2] + 1.0)
        h = (sa_ref[0] + sb_ref[0]) * dinv + b_ref[...]
        h = jnp.maximum(h, 0.0)
        colsum = jnp.sum(h, axis=0, keepdims=True)

        @pl.when(i == 0)
        def _():
            acc_ref[...] = jnp.zeros_like(acc_ref)

        acc_ref[0:1, :] = acc_ref[0:1, :] + colsum

        @pl.when(i == nrb - 1)
        def _():
            pooled = acc_ref[0:1, :] * inv_n
            o_ref[...] = (
                jnp.dot(pooled, w_ref[...], preferred_element_type=jnp.float32)
                + b3_ref[...]
            )

    return pl.pallas_call(
        body,
        grid=(nrb,),
        in_specs=[
            pl.BlockSpec((1, rb, 128), lambda i: (0, i, 0)),
            pl.BlockSpec((1, rb, 128), lambda i: (1, i, 0)),
            pl.BlockSpec((rb, 2), lambda i: (i, 0)),
            pl.BlockSpec((1, 128), lambda i: (0, 0)),
            pl.BlockSpec((128, 128), lambda i: (0, 0)),
            pl.BlockSpec((1, 128), lambda i: (0, 0)),
        ],
        out_specs=pl.BlockSpec((1, 128), lambda i: (0, 0)),
        out_shape=jax.ShapeDtypeStruct((1, 128), jnp.float32),
        scratch_shapes=[pltpu.VMEM((8, 128), jnp.float32)],
    )(s2, s2, d01, b.reshape(1, 128), w3p, b3p)


def kernel(x, edge_index, W1, b1, W2, b2, W3, b3):
    n, d_in = x.shape
    e = edge_index.shape[1]
    c_out = W3.shape[1]
    assert d_in == 128 and W1.shape[1] == 128 and W2.shape[1] == 128
    assert e % (NSC * NTILE * WIN) == 0 and n % NTILE == 0

    src = edge_index[0]
    dst = edge_index[1]

    n2 = ((n + NTILE * 16 - 1) // (NTILE * 16)) * NTILE * 16
    ew = e // (NSC * NTILE)
    nwin = ew // WIN
    dst_deg = dst.reshape(NSC * NTILE, nwin, WIN)
    src_agg = src.reshape(NSC, NTILE, ew)
    nwin_pad = ((nwin + 23) // 24) * 24
    dst_agg = jnp.pad(dst.reshape(NSC, NTILE, nwin, WIN),
                      ((0, 0), (0, 0), (0, nwin_pad - nwin), (0, 0)))

    w3p = jnp.pad(W3, ((0, 0), (0, 128 - c_out)))
    b3p = jnp.pad(b3, (0, 128 - c_out)).reshape(1, 128)

    deg_parts = _make_deg_kernel(n2, nwin)(dst_deg)
    d01 = deg_parts[:, :n].T

    rb = 2000 if n % 2000 == 0 else 8 * (n // 8)
    nrb = n // rb

    agg = _make_agg_kernel(n2, nwin)

    g1 = _first_layer(x, W1, d01, n2, nrb, rb)
    s1 = agg(g1, src_agg, dst_agg)
    g2 = _mid_layer(s1, b1, W2, d01, n2, nrb, rb)
    s2 = agg(g2, src_agg, dst_agg)
    out = _final_layer(s2, b2, w3p, b3p, d01, n, nrb, rb)
    return out[:, :c_out]

# --- scband reference (transcript-rebuilt; emitter-appended) ---
"""Pipeline reference for scband-simple-gnn-40931038331301 (READ-ONLY COPY).

The authoritative reference and input builder live on the scoring server;
editing this copy changes nothing except your own understanding.
"""

import jax, jax.numpy as jnp
import numpy as np

N = 10000
E = 320000
D = 128
H = 128
C = 40


def setup_inputs(seed: int = 0) -> dict:
    key = jax.random.key(seed)
    ks = jax.random.split(key, 8)
    x = jax.random.normal(ks[0], (N, D), dtype=jnp.float32)
    edge_index = jax.random.randint(ks[1], (2, E), 0, N, dtype=jnp.int32)
    W1 = jax.random.normal(ks[2], (D, H), dtype=jnp.float32) / np.sqrt(D)
    b1 = jnp.zeros((H,), dtype=jnp.float32)
    W2 = jax.random.normal(ks[3], (H, H), dtype=jnp.float32) / np.sqrt(H)
    b2 = jnp.zeros((H,), dtype=jnp.float32)
    W3 = jax.random.normal(ks[4], (H, C), dtype=jnp.float32) / np.sqrt(H)
    b3 = jnp.zeros((C,), dtype=jnp.float32)
    return {"x": x, "edge_index": edge_index, "W1": W1, "b1": b1, "W2": W2, "b2": b2, "W3": W3, "b3": b3}


def _gcn_conv(h, edge_index, W, b):
    # PyG GCNConv: linear transform, add self-loops, symmetric normalization, scatter-add aggregate, add bias
    h = h @ W
    loop = jnp.arange(N, dtype=edge_index.dtype)
    src = jnp.concatenate([edge_index[0], loop])
    dst = jnp.concatenate([edge_index[1], loop])
    ones = jnp.ones_like(dst, dtype=h.dtype)
    deg = jax.ops.segment_sum(ones, dst, num_segments=N)
    dinv = jnp.where(deg > 0, deg ** -0.5, 0.0)
    norm = dinv[src] * dinv[dst]
    msg = h[src] * norm[:, None]
    out = jax.ops.segment_sum(msg, dst, num_segments=N)
    return out + b


def reference(x, edge_index, W1, b1, W2, b2, W3, b3):
    h = _gcn_conv(x, edge_index, W1, b1)
    h = jax.nn.relu(h)
    h = _gcn_conv(h, edge_index, W2, b2)
    h = jax.nn.relu(h)
    # batch is None path: global mean over all nodes
    h = jnp.mean(h, axis=0, keepdims=True)
    out = h @ W3 + b3
    return out

if __name__ == "__main__":
    import jax
    _d = setup_inputs()
    print(jax.jit(kernel)(*tuple(_d.values())))

</pallas_src>

<mosaic_0001>
#map = affine_map<(d0, d1) -> (0, 0, 0)>
#map1 = affine_map<(d0, d1) -> (0, 0)>
module attributes {stable_mosaic.version = 14 : i64} {
  func.func @deg_kernel(%arg0: i32, %arg1: i32, %arg2: memref<32x125x80xi32, #tpu.memory_space<hbm>>, %arg3: memref<2x10240xf32, #tpu.memory_space<hbm>>, %arg4: memref<125x80xi32, #tpu.memory_space<vmem>>, %arg5: memref<640xf32, #tpu.memory_space<vmem>>, %arg6: memref<80xf32, #tpu.memory_space<vmem>>, %arg7: memref<10240xf32, #tpu.memory_space<vmem_shared>>) attributes {dimension_semantics = [#tpu.dimension_semantics<core_parallel>, #tpu.dimension_semantics<subcore_parallel>], iteration_bounds = array<i64: 2, 16>, scalar_prefetch = 0 : i64, scratch_operands = 4 : i64, tpu.core_type = #tpu.core_type<sc_vector_subcore>, window_params = [{transform_indices = #map}, {transform_indices = #map1}]} {
    %mul3A = arith.constant 16 : i32
    %mul3A_0 = arith.muli %arg0, %mul3A : i32
    %add3A = arith.addi %mul3A_0, %arg1 : i32
    %scan3A = arith.constant 0 : i32
    %scan3A_1 = arith.constant 0 : i32
    %scan3A_2 = arith.constant 40 : i32
    %scan3A_3 = arith.addi %scan3A_1, %scan3A_2 : i32
    %scan3A_4 = arith.constant 1 : i32
    %scan3A_5 = scf.for %scan3A_28 = %scan3A_1 to %scan3A_3 step %scan3A_4 iter_args(%scan3A_29 = %scan3A) -> (i32)  : i32 {
      %broadcast_in_dim3A = arith.constant 0.000000e+00 : f32
      %broadcast_in_dim3A_30 = vector.broadcast %broadcast_in_dim3A : f32 to vector<16xf32>
      %mul3A_31 = arith.constant 16 : i32
      %mul3A_32 = arith.muli %scan3A_28, %mul3A_31 : i32
      %swap3A = arith.index_cast %mul3A_32 : i32 to index
      %swap3A_33 = tpu.vector_load %arg5[%swap3A] {strides = array<i32>} : memref<640xf32, #tpu.memory_space<vmem>>, vector<16xf32>,
      %swap3A_34 = vector.shape_cast %swap3A_33 : vector<16xf32> to vector<16xf32>
      %swap3A_35 = vector.shape_cast %broadcast_in_dim3A_30 : vector<16xf32> to vector<16xf32>
      tpu.vector_store %arg5[%swap3A], %swap3A_35 {strides = array<i32>} : memref<640xf32, #tpu.memory_space<vmem>>, vector<16xf32>,
      %scan3A_36 = arith.constant 0 : i32
      scf.yield %scan3A_36 : i32
    }
    %scan3A_6 = arith.constant 40 : i32
    %scan3A_7 = arith.constant 0 : i32
    %scan3A_8 = arith.constant 0 : i32
    %scan3A_9 = arith.constant 5 : i32
    %scan3A_10 = arith.addi %scan3A_8, %scan3A_9 : i32
    %scan3A_11 = arith.constant 1 : i32
    %scan3A_12 = scf.for %scan3A_28 = %scan3A_8 to %scan3A_10 step %scan3A_11 iter_args(%scan3A_29 = %scan3A_7) -> (i32)  : i32 {
      %broadcast_in_dim3A = arith.constant 1.000000e+00 : f32
      %broadcast_in_dim3A_30 = vector.broadcast %broadcast_in_dim3A : f32 to vector<16xf32>
      %mul3A_31 = arith.constant 16 : i32
      %mul3A_32 = arith.muli %scan3A_28, %mul3A_31 : i32
      %swap3A = arith.index_cast %mul3A_32 : i32 to index
      %swap3A_33 = tpu.vector_load %arg6[%swap3A] {strides = array<i32>} : memref<80xf32, #tpu.memory_space<vmem>>, vector<16xf32>,
      %swap3A_34 = vector.shape_cast %swap3A_33 : vector<16xf32> to vector<16xf32>
      %swap3A_35 = vector.shape_cast %broadcast_in_dim3A_30 : vector<16xf32> to vector<16xf32>
      tpu.vector_store %arg6[%swap3A], %swap3A_35 {strides = array<i32>} : memref<80xf32, #tpu.memory_space<vmem>>, vector<16xf32>,
      %scan3A_36 = arith.constant 0 : i32
      scf.yield %scan3A_36 : i32
    }
    %scan3A_13 = arith.constant 5 : i32
    "tpu.region"() ({
      %run_scoped3A = tpu.sem_alloc : memref<!tpu.dma_semaphore, #tpu.memory_space<semaphore_mem>>
      %dma_start3A = arith.constant 0 : i32
      %dma_start3A_28 = arith.constant 0 : i32
      %dma_start3A_29 = tpu.memref_slice %arg2[%add3A, %dma_start3A, %dma_start3A_28] : memref<32x125x80xi32, #tpu.memory_space<hbm>> -> memref<1x125x80xi32, #tpu.memory_space<hbm>>
      %dma_start3A_30 = tpu.memref_squeeze %dma_start3A_29 : memref<1x125x80xi32, #tpu.memory_space<hbm>> -> memref<125x80xi32, #tpu.memory_space<hbm>>
      %dma_start3A_31 = arith.constant 0 : i32
      %dma_start3A_32 = arith.constant 0 : i32
      %dma_start3A_33 = tpu.memref_slice %arg2[%add3A, %dma_start3A_31, %dma_start3A_32] : memref<32x125x80xi32, #tpu.memory_space<hbm>> -> memref<1x125x80xi32, #tpu.memory_space<hbm>>
      %dma_start3A_34 = tpu.memref_squeeze %dma_start3A_33 : memref<1x125x80xi32, #tpu.memory_space<hbm>> -> memref<125x80xi32, #tpu.memory_space<hbm>>
      tpu.enqueue_dma source(%dma_start3A_34 : memref<125x80xi32, #tpu.memory_space<hbm>>) target(%arg4 : memref<125x80xi32, #tpu.memory_space<vmem>>) target_semaphore(%run_scoped3A : memref<!tpu.dma_semaphore, #tpu.memory_space<semaphore_mem>>)
      %dma_wait3A = arith.constant 0 : i32
      %dma_wait3A_35 = arith.constant 0 : i32
      %dma_wait3A_36 = tpu.memref_slice %arg2[%add3A, %dma_wait3A, %dma_wait3A_35] : memref<32x125x80xi32, #tpu.memory_space<hbm>> -> memref<1x125x80xi32, #tpu.memory_space<hbm>>
      %dma_wait3A_37 = tpu.memref_squeeze %dma_wait3A_36 : memref<1x125x80xi32, #tpu.memory_space<hbm>> -> memref<125x80xi32, #tpu.memory_space<hbm>>
      %dma_wait3A_38 = arith.constant 0 : i32
      %dma_wait3A_39 = arith.constant 0 : i32
      %dma_wait3A_40 = tpu.memref_slice %arg2[%add3A, %dma_wait3A_38, %dma_wait3A_39] : memref<32x125x80xi32, #tpu.memory_space<hbm>> -> memref<1x125x80xi32, #tpu.memory_space<hbm>>
      %dma_wait3A_41 = tpu.memref_squeeze %dma_wait3A_40 : memref<1x125x80xi32, #tpu.memory_space<hbm>> -> memref<125x80xi32, #tpu.memory_space<hbm>>
      tpu.wait_dma2 semaphore(%run_scoped3A : memref<!tpu.dma_semaphore, #tpu.memory_space<semaphore_mem>>) src(%dma_wait3A_41 : memref<125x80xi32, #tpu.memory_space<hbm>>) dst(%arg4 : memref<125x80xi32, #tpu.memory_space<vmem>>)
      tpu.yield
    }) : () -> ()
    %mul3A_14 = arith.constant 640 : i32
    %mul3A_15 = arith.muli %arg1, %mul3A_14 : i32
    "tpu.region"() ({
      %run_scoped3A = tpu.sem_alloc : memref<!tpu.dma_semaphore, #tpu.memory_space<semaphore_mem>>
      %dma_start3A = tpu.memref_slice %arg7[%mul3A_15] : memref<10240xf32, #tpu.memory_space<vmem_shared>> -> memref<640xf32, #tpu.memory_space<vmem_shared>>
      %dma_start3A_28 = tpu.memref_slice %arg7[%mul3A_15] : memref<10240xf32, #tpu.memory_space<vmem_shared>> -> memref<640xf32, #tpu.memory_space<vmem_shared>>
      tpu.enqueue_dma source(%arg5 : memref<640xf32, #tpu.memory_space<vmem>>) target(%dma_start3A_28 : memref<640xf32, #tpu.memory_space<vmem_shared>>) target_semaphore(%run_scoped3A : memref<!tpu.dma_semaphore, #tpu.memory_space<semaphore_mem>>)
      %dma_wait3A = tpu.memref_slice %arg7[%mul3A_15] : memref<10240xf32, #tpu.memory_space<vmem_shared>> -> memref<640xf32, #tpu.memory_space<vmem_shared>>
      %dma_wait3A_29 = tpu.memref_slice %arg7[%mul3A_15] : memref<10240xf32, #tpu.memory_space<vmem_shared>> -> memref<640xf32, #tpu.memory_space<vmem_shared>>
      tpu.wait_dma2 semaphore(%run_scoped3A : memref<!tpu.dma_semaphore, #tpu.memory_space<semaphore_mem>>) src(%arg5 : memref<640xf32, #tpu.memory_space<vmem>>) dst(%dma_wait3A_29 : memref<640xf32, #tpu.memory_space<vmem_shared>>)
      tpu.yield
    }) : () -> ()
    %barrier3A = arith.constant 0 : index
    tpu.barrier barrier_id(%barrier3A)
    %scan3A_16 = arith.constant 0 : i32
    %scan3A_17 = arith.constant 0 : i32
    %scan3A_18 = arith.constant 125 : i32
    %scan3A_19 = arith.addi %scan3A_17, %scan3A_18 : i32
    %scan3A_20 = arith.constant 1 : i32
    %scan3A_21 = scf.for %scan3A_28 = %scan3A_17 to %scan3A_19 step %scan3A_20 iter_args(%scan3A_29 = %scan3A_16) -> (i32)  : i32 {
      "tpu.region"() ({
        %run_scoped3A = tpu.sem_alloc : memref<!tpu.dma_semaphore, #tpu.memory_space<semaphore_mem>>
        %dma_start3A = arith.constant 0 : i32
        %dma_start3A_31 = tpu.memref_slice %arg4[%scan3A_28, %dma_start3A] : memref<125x80xi32, #tpu.memory_space<vmem>> -> memref<1x80xi32, #tpu.memory_space<vmem>>
        %dma_start3A_32 = tpu.memref_squeeze %dma_start3A_31 : memref<1x80xi32, #tpu.memory_space<vmem>> -> memref<80xi32, #tpu.memory_space<vmem>>
        %dma_start3A_33 = arith.constant 0 : i32
        %dma_start3A_34 = tpu.memref_slice %arg7[%dma_start3A_33] : memref<10240xf32, #tpu.memory_space<vmem_shared>> -> memref<10240xf32, #tpu.memory_space<vmem_shared>>
        tpu.enqueue_indirect_dma source(%arg6 : memref<80xf32, #tpu.memory_space<vmem>>) target(%dma_start3A_34 : memref<10240xf32, #tpu.memory_space<vmem_shared>>) offsets(%dma_start3A_32 : memref<80xi32, #tpu.memory_space<vmem>>) semaphore(%run_scoped3A : memref<!tpu.dma_semaphore, #tpu.memory_space<semaphore_mem>>) {add = true}
        %dma_wait3A = arith.constant 0 : i32
        %dma_wait3A_35 = tpu.memref_slice %arg4[%scan3A_28, %dma_wait3A] : memref<125x80xi32, #tpu.memory_space<vmem>> -> memref<1x80xi32, #tpu.memory_space<vmem>>
        %dma_wait3A_36 = tpu.memref_squeeze %dma_wait3A_35 : memref<1x80xi32, #tpu.memory_space<vmem>> -> memref<80xi32, #tpu.memory_space<vmem>>
        %dma_wait3A_37 = arith.constant 0 : i32
        %dma_wait3A_38 = tpu.memref_slice %arg7[%dma_wait3A_37] : memref<10240xf32, #tpu.memory_space<vmem_shared>> -> memref<10240xf32, #tpu.memory_space<vmem_shared>>
        tpu.wait_indirect_dma semaphore(%run_scoped3A : memref<!tpu.dma_semaphore, #tpu.memory_space<semaphore_mem>>) src(%arg6 : memref<80xf32, #tpu.memory_space<vmem>>) dst(%dma_wait3A_38 : memref<10240xf32, #tpu.memory_space<vmem_shared>>)
        tpu.yield
      }) : () -> ()
      %scan3A_30 = arith.constant 0 : i32
      scf.yield %scan3A_30 : i32
    }
    %scan3A_22 = arith.constant 125 : i32
    %barrier3A_23 = arith.constant 0 : index
    tpu.barrier barrier_id(%barrier3A_23)
    %mul3A_24 = arith.constant 640 : i32
    %mul3A_25 = arith.muli %arg1, %mul3A_24 : i32
    %mul3A_26 = arith.constant 640 : i32
    %mul3A_27 = arith.muli %arg1, %mul3A_26 : i32
    "tpu.region"() ({
      %run_scoped3A = tpu.sem_alloc : memref<!tpu.dma_semaphore, #tpu.memory_space<semaphore_mem>>
      %dma_start3A = tpu.memref_slice %arg3[%arg0, %mul3A_27] : memref<2x10240xf32, #tpu.memory_space<hbm>> -> memref<1x640xf32, #tpu.memory_space<hbm>>
      %dma_start3A_28 = tpu.memref_squeeze %dma_start3A : memref<1x640xf32, #tpu.memory_space<hbm>> -> memref<640xf32, #tpu.memory_space<hbm>>
      %dma_start3A_29 = tpu.memref_slice %arg7[%mul3A_25] : memref<10240xf32, #tpu.memory_space<vmem_shared>> -> memref<640xf32, #tpu.memory_space<vmem_shared>>
      tpu.enqueue_dma source(%dma_start3A_29 : memref<640xf32, #tpu.memory_space<vmem_shared>>) target(%dma_start3A_28 : memref<640xf32, #tpu.memory_space<hbm>>) target_semaphore(%run_scoped3A : memref<!tpu.dma_semaphore, #tpu.memory_space<semaphore_mem>>)
      %dma_wait3A = tpu.memref_slice %arg3[%arg0, %mul3A_27] : memref<2x10240xf32, #tpu.memory_space<hbm>> -> memref<1x640xf32, #tpu.memory_space<hbm>>
      %dma_wait3A_30 = tpu.memref_squeeze %dma_wait3A : memref<1x640xf32, #tpu.memory_space<hbm>> -> memref<640xf32, #tpu.memory_space<hbm>>
      %dma_wait3A_31 = tpu.memref_slice %arg7[%mul3A_25] : memref<10240xf32, #tpu.memory_space<vmem_shared>> -> memref<640xf32, #tpu.memory_space<vmem_shared>>
      tpu.wait_dma2 semaphore(%run_scoped3A : memref<!tpu.dma_semaphore, #tpu.memory_space<semaphore_mem>>) src(%dma_wait3A_31 : memref<640xf32, #tpu.memory_space<vmem_shared>>) dst(%dma_wait3A_30 : memref<640xf32, #tpu.memory_space<hbm>>)
      tpu.yield
    }) : () -> ()
    return
  }
}

#map = affine_map<(d0, d1) -> (0, 0)>
#map1 = affine_map<(d0, d1) -> (0, 0, 0)>
#map2 = affine_map<(d0, d1) -> (0, 0, 0, 0)>
module attributes {stable_mosaic.version = 14 : i64} {
  func.func @agg_kernel(%arg0: i32, %arg1: i32, %arg2: memref<10240x128xf32, #tpu.memory_space<hbm>>, %arg3: memref<2x16x10000xi32, #tpu.memory_space<hbm>>, %arg4: memref<2x16x144x80xi32, #tpu.memory_space<hbm>>, %arg5: memref<2x10240x128xf32, #tpu.memory_space<hbm>>, %arg6: memref<10000xi32, #tpu.memory_space<vmem>>, %arg7: memref<24x80xi32, #tpu.memory_space<vmem>>, %arg8: memref<80x128xf32, #tpu.memory_space<vmem>>, %arg9: memref<80x128xf32, #tpu.memory_space<vmem>>, %arg10: memref<80x128xf32, #tpu.memory_space<vmem>>, %arg11: memref<!tpu.dma_semaphore, #tpu.memory_space<semaphore_mem>>, %arg12: memref<!tpu.dma_semaphore, #tpu.memory_space<semaphore_mem>>, %arg13: memref<!tpu.dma_semaphore, #tpu.memory_space<semaphore_mem>>, %arg14: memref<!tpu.dma_semaphore, #tpu.memory_space<semaphore_mem>>, %arg15: memref<!tpu.dma_semaphore, #tpu.memory_space<semaphore_mem>>, %arg16: memref<!tpu.dma_semaphore, #tpu.memory_space<semaphore_mem>>, %arg17: memref<10240x128xf32, #tpu.memory_space<vmem_shared>>) attributes {dimension_semantics = [#tpu.dimension_semantics<core_parallel>, #tpu.dimension_semantics<subcore_parallel>], iteration_bounds = array<i64: 2, 16>, scalar_prefetch = 0 : i64, scratch_operands = 12 : i64, tpu.core_type = #tpu.core_type<sc_vector_subcore>, window_params = [{transform_indices = #map}, {transform_indices = #map1}, {transform_indices = #map2}, {transform_indices = #map1}]} {
    %mul3A = arith.constant 640 : i32
    %mul3A_0 = arith.muli %arg1, %mul3A : i32
    "tpu.region"() ({
      %run_scoped3A = tpu.sem_alloc : memref<!tpu.dma_semaphore, #tpu.memory_space<semaphore_mem>>
      %dma_start3A_68 = arith.constant 0 : i32
      %dma_start3A_69 = tpu.memref_slice %arg3[%arg0, %arg1, %dma_start3A_68] : memref<2x16x10000xi32, #tpu.memory_space<hbm>> -> memref<1x1x10000xi32, #tpu.memory_space<hbm>>
      %dma_start3A_70 = tpu.memref_squeeze %dma_start3A_69 : memref<1x1x10000xi32, #tpu.memory_space<hbm>> -> memref<10000xi32, #tpu.memory_space<hbm>>
      %dma_start3A_71 = arith.constant 0 : i32
      %dma_start3A_72 = tpu.memref_slice %arg3[%arg0, %arg1, %dma_start3A_71] : memref<2x16x10000xi32, #tpu.memory_space<hbm>> -> memref<1x1x10000xi32, #tpu.memory_space<hbm>>
      %dma_start3A_73 = tpu.memref_squeeze %dma_start3A_72 : memref<1x1x10000xi32, #tpu.memory_space<hbm>> -> memref<10000xi32, #tpu.memory_space<hbm>>
      tpu.enqueue_dma source(%dma_start3A_73 : memref<10000xi32, #tpu.memory_space<hbm>>) target(%arg6 : memref<10000xi32, #tpu.memory_space<vmem>>) target_semaphore(%run_scoped3A : memref<!tpu.dma_semaphore, #tpu.memory_space<semaphore_mem>>)
      %dma_wait3A_74 = arith.constant 0 : i32
      %dma_wait3A_75 = tpu.memref_slice %arg3[%arg0, %arg1, %dma_wait3A_74] : memref<2x16x10000xi32, #tpu.memory_space<hbm>> -> memref<1x1x10000xi32, #tpu.memory_space<hbm>>
      %dma_wait3A_76 = tpu.memref_squeeze %dma_wait3A_75 : memref<1x1x10000xi32, #tpu.memory_space<hbm>> -> memref<10000xi32, #tpu.memory_space<hbm>>
      %dma_wait3A_77 = arith.constant 0 : i32
      %dma_wait3A_78 = tpu.memref_slice %arg3[%arg0, %arg1, %dma_wait3A_77] : memref<2x16x10000xi32, #tpu.memory_space<hbm>> -> memref<1x1x10000xi32, #tpu.memory_space<hbm>>
      %dma_wait3A_79 = tpu.memref_squeeze %dma_wait3A_78 : memref<1x1x10000xi32, #tpu.memory_space<hbm>> -> memref<10000xi32, #tpu.memory_space<hbm>>
      tpu.wait_dma2 semaphore(%run_scoped3A : memref<!tpu.dma_semaphore, #tpu.memory_space<semaphore_mem>>) src(%dma_wait3A_79 : memref<10000xi32, #tpu.memory_space<hbm>>) dst(%arg6 : memref<10000xi32, #tpu.memory_space<vmem>>)
      tpu.yield
    }) : () -> ()
    %eq3A = arith.constant 0 : i32
    %eq3A_1 = arith.cmpi eq, %arg0, %eq3A : i32
    %convert_element_type3A = arith.extui %eq3A_1 : i1 to i32
    %cond3A = arith.constant 0 : i32
    %cond3A_2 = arith.cmpi ne, %convert_element_type3A, %cond3A : i32
    scf.if %cond3A_2 {
      "tpu.region"() ({
        %run_scoped3A = tpu.sem_alloc : memref<!tpu.dma_semaphore, #tpu.memory_space<semaphore_mem>>
        %dma_start3A_68 = arith.constant 0 : i32
        %dma_start3A_69 = tpu.memref_slice %arg17[%mul3A_0, %dma_start3A_68] : memref<10240x128xf32, #tpu.memory_space<vmem_shared>> -> memref<640x128xf32, #tpu.memory_space<vmem_shared>>
        %dma_start3A_70 = arith.constant 0 : i32
        %dma_start3A_71 = tpu.memref_slice %arg2[%mul3A_0, %dma_start3A_70] : memref<10240x128xf32, #tpu.memory_space<hbm>> -> memref<640x128xf32, #tpu.memory_space<hbm>>
        tpu.enqueue_dma source(%dma_start3A_71 : memref<640x128xf32, #tpu.memory_space<hbm>>) target(%dma_start3A_69 : memref<640x128xf32, #tpu.memory_space<vmem_shared>>) target_semaphore(%run_scoped3A : memref<!tpu.dma_semaphore, #tpu.memory_space<semaphore_mem>>)
        %dma_wait3A_72 = arith.constant 0 : i32
        %dma_wait3A_73 = tpu.memref_slice %arg17[%mul3A_0, %dma_wait3A_72] : memref<10240x128xf32, #tpu.memory_space<vmem_shared>> -> memref<640x128xf32, #tpu.memory_space<vmem_shared>>
        %dma_wait3A_74 = arith.constant 0 : i32
        %dma_wait3A_75 = tpu.memref_slice %arg2[%mul3A_0, %dma_wait3A_74] : memref<10240x128xf32, #tpu.memory_space<hbm>> -> memref<640x128xf32, #tpu.memory_space<hbm>>
        tpu.wait_dma2 semaphore(%run_scoped3A : memref<!tpu.dma_semaphore, #tpu.memory_space<semaphore_mem>>) src(%dma_wait3A_75 : memref<640x128xf32, #tpu.memory_space<hbm>>) dst(%dma_wait3A_73 : memref<640x128xf32, #tpu.memory_space<vmem_shared>>)
        tpu.yield
      }) : () -> ()
    } else {
    }
    %eq3A_3 = arith.constant 1 : i32
    %eq3A_4 = arith.cmpi eq, %arg0, %eq3A_3 : i32
    %convert_element_type3A_5 = arith.extui %eq3A_4 : i1 to i32
    %cond3A_6 = arith.constant 0 : i32
    %cond3A_7 = arith.cmpi ne, %convert_element_type3A_5, %cond3A_6 : i32
    scf.if %cond3A_7 {
      %scan3A_68 = arith.constant 0 : i32
      %scan3A_69 = arith.constant 0 : i32
      %scan3A_70 = arith.constant 640 : i32
      %scan3A_71 = arith.addi %scan3A_69, %scan3A_70 : i32
      %scan3A_72 = arith.constant 1 : i32
      %scan3A_73 = scf.for %scan3A_90 = %scan3A_69 to %scan3A_71 step %scan3A_72 iter_args(%scan3A_91 = %scan3A_68) -> (i32)  : i32 {
        %broadcast_in_dim3A = arith.constant 0.000000e+00 : f32
        %broadcast_in_dim3A_92 = vector.broadcast %broadcast_in_dim3A : f32 to vector<16xf32>
        %jit3A = arith.constant 8 : i32
        %div3A = arith.divsi %scan3A_90, %jit3A : i32
        %sign3A = arith.constant 0 : i32
        %sign3A_93 = arith.cmpi sgt, %scan3A_90, %sign3A : i32
        %sign3A_94 = arith.extui %sign3A_93 : i1 to i32
        %sign3A_95 = arith.constant 0 : i32
        %sign3A_96 = arith.cmpi slt, %scan3A_90, %sign3A_95 : i32
        %sign3A_97 = arith.extui %sign3A_96 : i1 to i32
        %sign3A_98 = arith.subi %sign3A_94, %sign3A_97 : i32
        %sign3A_99 = arith.constant 0 : i32
        %sign3A_100 = arith.cmpi sgt, %jit3A, %sign3A_99 : i32
        %sign3A_101 = arith.extui %sign3A_100 : i1 to i32
        %sign3A_102 = arith.constant 0 : i32
        %sign3A_103 = arith.cmpi slt, %jit3A, %sign3A_102 : i32
        %sign3A_104 = arith.extui %sign3A_103 : i1 to i32
        %sign3A_105 = arith.subi %sign3A_101, %sign3A_104 : i32
        %ne3A = arith.cmpi ne, %sign3A_98, %sign3A_105 : i32
        %rem3A = arith.remsi %scan3A_90, %jit3A : i32
        %ne3A_106 = arith.constant 0 : i32
        %ne3A_107 = arith.cmpi ne, %rem3A, %ne3A_106 : i32
        %and3A = arith.andi %ne3A, %ne3A_107 : i1
        %sub3A = arith.constant 1 : i32
        %sub3A_108 = arith.subi %div3A, %sub3A : i32
        %select_n3A = arith.select %and3A, %sub3A_108, %div3A : i32
        %jit3A_109 = arith.constant 8 : i32
        %eq3A_110 = arith.constant 0 : i32
        %eq3A_111 = arith.cmpi eq, %jit3A_109, %eq3A_110 : i32
        %jit3A_112 = arith.constant 1 : i32
        %select_n3A_113 = arith.select %eq3A_111, %jit3A_112, %jit3A_109 : i32
        %rem3A_114 = arith.remsi %scan3A_90, %select_n3A_113 : i32
        %ne3A_115 = arith.constant 0 : i32
        %ne3A_116 = arith.cmpi ne, %rem3A_114, %ne3A_115 : i32
        %lt3A = arith.constant 0 : i32
        %lt3A_117 = arith.cmpi slt, %rem3A_114, %lt3A : i32
        %lt3A_118 = arith.constant 0 : i32
        %lt3A_119 = arith.cmpi slt, %select_n3A_113, %lt3A_118 : i32
        %ne3A_120 = arith.xori %lt3A_117, %lt3A_119 : i1
        %and3A_121 = arith.andi %ne3A_120, %ne3A_116 : i1
        %add3A_122 = arith.addi %rem3A_114, %select_n3A_113 : i32
        %select_n3A_123 = arith.select %and3A_121, %add3A_122, %rem3A_114 : i32
        %mul3A_124 = arith.constant 16 : i32
        %mul3A_125 = arith.muli %select_n3A_123, %mul3A_124 : i32
        %swap3A = arith.index_cast %select_n3A : i32 to index
        %swap3A_126 = arith.index_cast %mul3A_125 : i32 to index
        %swap3A_127 = tpu.vector_load %arg8[%swap3A, %swap3A_126] {strides = array<i32>} : memref<80x128xf32, #tpu.memory_space<vmem>>, vector<1x16xf32>,
        %swap3A_128 = vector.shape_cast %swap3A_127 : vector<1x16xf32> to vector<16xf32>
        %swap3A_129 = vector.shape_cast %broadcast_in_dim3A_92 : vector<16xf32> to vector<1x16xf32>
        tpu.vector_store %arg8[%swap3A, %swap3A_126], %swap3A_129 {strides = array<i32>} : memref<80x128xf32, #tpu.memory_space<vmem>>, vector<1x16xf32>,
        %scan3A_130 = arith.constant 0 : i32
        scf.yield %scan3A_130 : i32
      }
      %scan3A_74 = arith.constant 640 : i32
      %add3A = arith.constant 0 : i32
      %add3A_75 = arith.addi %mul3A_0, %add3A : i32
      "tpu.region"() ({
        %run_scoped3A = tpu.sem_alloc : memref<!tpu.dma_semaphore, #tpu.memory_space<semaphore_mem>>
        %dma_start3A_90 = arith.constant 0 : i32
        %dma_start3A_91 = tpu.memref_slice %arg17[%add3A_75, %dma_start3A_90] : memref<10240x128xf32, #tpu.memory_space<vmem_shared>> -> memref<80x128xf32, #tpu.memory_space<vmem_shared>>
        %dma_start3A_92 = arith.constant 0 : i32
        %dma_start3A_93 = tpu.memref_slice %arg17[%add3A_75, %dma_start3A_92] : memref<10240x128xf32, #tpu.memory_space<vmem_shared>> -> memref<80x128xf32, #tpu.memory_space<vmem_shared>>
        tpu.enqueue_dma source(%arg8 : memref<80x128xf32, #tpu.memory_space<vmem>>) target(%dma_start3A_93 : memref<80x128xf32, #tpu.memory_space<vmem_shared>>) target_semaphore(%run_scoped3A : memref<!tpu.dma_semaphore, #tpu.memory_space<semaphore_mem>>)
        %dma_wait3A_94 = arith.constant 0 : i32
        %dma_wait3A_95 = tpu.memref_slice %arg17[%add3A_75, %dma_wait3A_94] : memref<10240x128xf32, #tpu.memory_space<vmem_shared>> -> memref<80x128xf32, #tpu.memory_space<vmem_shared>>
        %dma_wait3A_96 = arith.constant 0 : i32
        %dma_wait3A_97 = tpu.memref_slice %arg17[%add3A_75, %dma_wait3A_96] : memref<10240x128xf32, #tpu.memory_space<vmem_shared>> -> memref<80x128xf32, #tpu.memory_space<vmem_shared>>
        tpu.wait_dma2 semaphore(%run_scoped3A : memref<!tpu.dma_semaphore, #tpu.memory_space<semaphore_mem>>) src(%arg8 : memref<80x128xf32, #tpu.memory_space<vmem>>) dst(%dma_wait3A_97 : memref<80x128xf32, #tpu.memory_space<vmem_shared>>)
        tpu.yield
      }) : () -> ()
      %add3A_76 = arith.constant 80 : i32
      %add3A_77 = arith.addi %mul3A_0, %add3A_76 : i32
      "tpu.region"() ({
        %run_scoped3A = tpu.sem_alloc : memref<!tpu.dma_semaphore, #tpu.memory_space<semaphore_mem>>
        %dma_start3A_90 = arith.constant 0 : i32
        %dma_start3A_91 = tpu.memref_slice %arg17[%add3A_77, %dma_start3A_90] : memref<10240x128xf32, #tpu.memory_space<vmem_shared>> -> memref<80x128xf32, #tpu.memory_space<vmem_shared>>
        %dma_start3A_92 = arith.constant 0 : i32
        %dma_start3A_93 = tpu.memref_slice %arg17[%add3A_77, %dma_start3A_92] : memref<10240x128xf32, #tpu.memory_space<vmem_shared>> -> memref<80x128xf32, #tpu.memory_space<vmem_shared>>
        tpu.enqueue_dma source(%arg8 : memref<80x128xf32, #tpu.memory_space<vmem>>) target(%dma_start3A_93 : memref<80x128xf32, #tpu.memory_space<vmem_shared>>) target_semaphore(%run_scoped3A : memref<!tpu.dma_semaphore, #tpu.memory_space<semaphore_mem>>)
        %dma_wait3A_94 = arith.constant 0 : i32
        %dma_wait3A_95 = tpu.memref_slice %arg17[%add3A_77, %dma_wait3A_94] : memref<10240x128xf32, #tpu.memory_space<vmem_shared>> -> memref<80x128xf32, #tpu.memory_space<vmem_shared>>
        %dma_wait3A_96 = arith.constant 0 : i32
        %dma_wait3A_97 = tpu.memref_slice %arg17[%add3A_77, %dma_wait3A_96] : memref<10240x128xf32, #tpu.memory_space<vmem_shared>> -> memref<80x128xf32, #tpu.memory_space<vmem_shared>>
        tpu.wait_dma2 semaphore(%run_scoped3A : memref<!tpu.dma_semaphore, #tpu.memory_space<semaphore_mem>>) src(%arg8 : memref<80x128xf32, #tpu.memory_space<vmem>>) dst(%dma_wait3A_97 : memref<80x128xf32, #tpu.memory_space<vmem_shared>>)
        tpu.yield
      }) : () -> ()
      %add3A_78 = arith.constant 160 : i32
      %add3A_79 = arith.addi %mul3A_0, %add3A_78 : i32
      "tpu.region"() ({
        %run_scoped3A = tpu.sem_alloc : memref<!tpu.dma_semaphore, #tpu.memory_space<semaphore_mem>>
        %dma_start3A_90 = arith.constant 0 : i32
        %dma_start3A_91 = tpu.memref_slice %arg17[%add3A_79, %dma_start3A_90] : memref<10240x128xf32, #tpu.memory_space<vmem_shared>> -> memref<80x128xf32, #tpu.memory_space<vmem_shared>>
        %dma_start3A_92 = arith.constant 0 : i32
        %dma_start3A_93 = tpu.memref_slice %arg17[%add3A_79, %dma_start3A_92] : memref<10240x128xf32, #tpu.memory_space<vmem_shared>> -> memref<80x128xf32, #tpu.memory_space<vmem_shared>>
        tpu.enqueue_dma source(%arg8 : memref<80x128xf32, #tpu.memory_space<vmem>>) target(%dma_start3A_93 : memref<80x128xf32, #tpu.memory_space<vmem_shared>>) target_semaphore(%run_scoped3A : memref<!tpu.dma_semaphore, #tpu.memory_space<semaphore_mem>>)
        %dma_wait3A_94 = arith.constant 0 : i32
        %dma_wait3A_95 = tpu.memref_slice %arg17[%add3A_79, %dma_wait3A_94] : memref<10240x128xf32, #tpu.memory_space<vmem_shared>> -> memref<80x128xf32, #tpu.memory_space<vmem_shared>>
        %dma_wait3A_96 = arith.constant 0 : i32
        %dma_wait3A_97 = tpu.memref_slice %arg17[%add3A_79, %dma_wait3A_96] : memref<10240x128xf32, #tpu.memory_space<vmem_shared>> -> memref<80x128xf32, #tpu.memory_space<vmem_shared>>
        tpu.wait_dma2 semaphore(%run_scoped3A : memref<!tpu.dma_semaphore, #tpu.memory_space<semaphore_mem>>) src(%arg8 : memref<80x128xf32, #tpu.memory_space<vmem>>) dst(%dma_wait3A_97 : memref<80x128xf32, #tpu.memory_space<vmem_shared>>)
        tpu.yield
      }) : () -> ()
      %add3A_80 = arith.constant 240 : i32
      %add3A_81 = arith.addi %mul3A_0, %add3A_80 : i32
      "tpu.region"() ({
        %run_scoped3A = tpu.sem_alloc : memref<!tpu.dma_semaphore, #tpu.memory_space<semaphore_mem>>
        %dma_start3A_90 = arith.constant 0 : i32
        %dma_start3A_91 = tpu.memref_slice %arg17[%add3A_81, %dma_start3A_90] : memref<10240x128xf32, #tpu.memory_space<vmem_shared>> -> memref<80x128xf32, #tpu.memory_space<vmem_shared>>
        %dma_start3A_92 = arith.constant 0 : i32
        %dma_start3A_93 = tpu.memref_slice %arg17[%add3A_81, %dma_start3A_92] : memref<10240x128xf32, #tpu.memory_space<vmem_shared>> -> memref<80x128xf32, #tpu.memory_space<vmem_shared>>
        tpu.enqueue_dma source(%arg8 : memref<80x128xf32, #tpu.memory_space<vmem>>) target(%dma_start3A_93 : memref<80x128xf32, #tpu.memory_space<vmem_shared>>) target_semaphore(%run_scoped3A : memref<!tpu.dma_semaphore, #tpu.memory_space<semaphore_mem>>)
        %dma_wait3A_94 = arith.constant 0 : i32
        %dma_wait3A_95 = tpu.memref_slice %arg17[%add3A_81, %dma_wait3A_94] : memref<10240x128xf32, #tpu.memory_space<vmem_shared>> -> memref<80x128xf32, #tpu.memory_space<vmem_shared>>
        %dma_wait3A_96 = arith.constant 0 : i32
        %dma_wait3A_97 = tpu.memref_slice %arg17[%add3A_81, %dma_wait3A_96] : memref<10240x128xf32, #tpu.memory_space<vmem_shared>> -> memref<80x128xf32, #tpu.memory_space<vmem_shared>>
        tpu.wait_dma2 semaphore(%run_scoped3A : memref<!tpu.dma_semaphore, #tpu.memory_space<semaphore_mem>>) src(%arg8 : memref<80x128xf32, #tpu.memory_space<vmem>>) dst(%dma_wait3A_97 : memref<80x128xf32, #tpu.memory_space<vmem_shared>>)
        tpu.yield
      }) : () -> ()
      %add3A_82 = arith.constant 320 : i32
      %add3A_83 = arith.addi %mul3A_0, %add3A_82 : i32
      "tpu.region"() ({
        %run_scoped3A = tpu.sem_alloc : memref<!tpu.dma_semaphore, #tpu.memory_space<semaphore_mem>>
        %dma_start3A_90 = arith.constant 0 : i32
        %dma_start3A_91 = tpu.memref_slice %arg17[%add3A_83, %dma_start3A_90] : memref<10240x128xf32, #tpu.memory_space<vmem_shared>> -> memref<80x128xf32, #tpu.memory_space<vmem_shared>>
        %dma_start3A_92 = arith.constant 0 : i32
        %dma_start3A_93 = tpu.memref_slice %arg17[%add3A_83, %dma_start3A_92] : memref<10240x128xf32, #tpu.memory_space<vmem_shared>> -> memref<80x128xf32, #tpu.memory_space<vmem_shared>>
        tpu.enqueue_dma source(%arg8 : memref<80x128xf32, #tpu.memory_space<vmem>>) target(%dma_start3A_93 : memref<80x128xf32, #tpu.memory_space<vmem_shared>>) target_semaphore(%run_scoped3A : memref<!tpu.dma_semaphore, #tpu.memory_space<semaphore_mem>>)
        %dma_wait3A_94 = arith.constant 0 : i32
        %dma_wait3A_95 = tpu.memref_slice %arg17[%add3A_83, %dma_wait3A_94] : memref<10240x128xf32, #tpu.memory_space<vmem_shared>> -> memref<80x128xf32, #tpu.memory_space<vmem_shared>>
        %dma_wait3A_96 = arith.constant 0 : i32
        %dma_wait3A_97 = tpu.memref_slice %arg17[%add3A_83, %dma_wait3A_96] : memref<10240x128xf32, #tpu.memory_space<vmem_shared>> -> memref<80x128xf32, #tpu.memory_space<vmem_shared>>
        tpu.wait_dma2 semaphore(%run_scoped3A : memref<!tpu.dma_semaphore, #tpu.memory_space<semaphore_mem>>) src(%arg8 : memref<80x128xf32, #tpu.memory_space<vmem>>) dst(%dma_wait3A_97 : memref<80x128xf32, #tpu.memory_space<vmem_shared>>)
        tpu.yield
      }) : () -> ()
      %add3A_84 = arith.constant 400 : i32
      %add3A_85 = arith.addi %mul3A_0, %add3A_84 : i32
      "tpu.region"() ({
        %run_scoped3A = tpu.sem_alloc : memref<!tpu.dma_semaphore, #tpu.memory_space<semaphore_mem>>
        %dma_start3A_90 = arith.constant 0 : i32
        %dma_start3A_91 = tpu.memref_slice %arg17[%add3A_85, %dma_start3A_90] : memref<10240x128xf32, #tpu.memory_space<vmem_shared>> -> memref<80x128xf32, #tpu.memory_space<vmem_shared>>
        %dma_start3A_92 = arith.constant 0 : i32
        %dma_start3A_93 = tpu.memref_slice %arg17[%add3A_85, %dma_start3A_92] : memref<10240x128xf32, #tpu.memory_space<vmem_shared>> -> memref<80x128xf32, #tpu.memory_space<vmem_shared>>
        tpu.enqueue_dma source(%arg8 : memref<80x128xf32, #tpu.memory_space<vmem>>) target(%dma_start3A_93 : memref<80x128xf32, #tpu.memory_space<vmem_shared>>) target_semaphore(%run_scoped3A : memref<!tpu.dma_semaphore, #tpu.memory_space<semaphore_mem>>)
        %dma_wait3A_94 = arith.constant 0 : i32
        %dma_wait3A_95 = tpu.memref_slice %arg17[%add3A_85, %dma_wait3A_94] : memref<10240x128xf32, #tpu.memory_space<vmem_shared>> -> memref<80x128xf32, #tpu.memory_space<vmem_shared>>
        %dma_wait3A_96 = arith.constant 0 : i32
        %dma_wait3A_97 = tpu.memref_slice %arg17[%add3A_85, %dma_wait3A_96] : memref<10240x128xf32, #tpu.memory_space<vmem_shared>> -> memref<80x128xf32, #tpu.memory_space<vmem_shared>>
        tpu.wait_dma2 semaphore(%run_scoped3A : memref<!tpu.dma_semaphore, #tpu.memory_space<semaphore_mem>>) src(%arg8 : memref<80x128xf32, #tpu.memory_space<vmem>>) dst(%dma_wait3A_97 : memref<80x128xf32, #tpu.memory_space<vmem_shared>>)
        tpu.yield
      }) : () -> ()
      %add3A_86 = arith.constant 480 : i32
      %add3A_87 = arith.addi %mul3A_0, %add3A_86 : i32
      "tpu.region"() ({
        %run_scoped3A = tpu.sem_alloc : memref<!tpu.dma_semaphore, #tpu.memory_space<semaphore_mem>>
        %dma_start3A_90 = arith.constant 0 : i32
        %dma_start3A_91 = tpu.memref_slice %arg17[%add3A_87, %dma_start3A_90] : memref<10240x128xf32, #tpu.memory_space<vmem_shared>> -> memref<80x128xf32, #tpu.memory_space<vmem_shared>>
        %dma_start3A_92 = arith.constant 0 : i32
        %dma_start3A_93 = tpu.memref_slice %arg17[%add3A_87, %dma_start3A_92] : memref<10240x128xf32, #tpu.memory_space<vmem_shared>> -> memref<80x128xf32, #tpu.memory_space<vmem_shared>>
        tpu.enqueue_dma source(%arg8 : memref<80x128xf32, #tpu.memory_space<vmem>>) target(%dma_start3A_93 : memref<80x128xf32, #tpu.memory_space<vmem_shared>>) target_semaphore(%run_scoped3A : memref<!tpu.dma_semaphore, #tpu.memory_space<semaphore_mem>>)
        %dma_wait3A_94 = arith.constant 0 : i32
        %dma_wait3A_95 = tpu.memref_slice %arg17[%add3A_87, %dma_wait3A_94] : memref<10240x128xf32, #tpu.memory_space<vmem_shared>> -> memref<80x128xf32, #tpu.memory_space<vmem_shared>>
        %dma_wait3A_96 = arith.constant 0 : i32
        %dma_wait3A_97 = tpu.memref_slice %arg17[%add3A_87, %dma_wait3A_96] : memref<10240x128xf32, #tpu.memory_space<vmem_shared>> -> memref<80x128xf32, #tpu.memory_space<vmem_shared>>
        tpu.wait_dma2 semaphore(%run_scoped3A : memref<!tpu.dma_semaphore, #tpu.memory_space<semaphore_mem>>) src(%arg8 : memref<80x128xf32, #tpu.memory_space<vmem>>) dst(%dma_wait3A_97 : memref<80x128xf32, #tpu.memory_space<vmem_shared>>)
        tpu.yield
      }) : () -> ()
      %add3A_88 = arith.constant 560 : i32
      %add3A_89 = arith.addi %mul3A_0, %add3A_88 : i32
      "tpu.region"() ({
        %run_scoped3A = tpu.sem_alloc : memref<!tpu.dma_semaphore, #tpu.memory_space<semaphore_mem>>
        %dma_start3A_90 = arith.constant 0 : i32
        %dma_start3A_91 = tpu.memref_slice %arg17[%add3A_89, %dma_start3A_90] : memref<10240x128xf32, #tpu.memory_space<vmem_shared>> -> memref<80x128xf32, #tpu.memory_space<vmem_shared>>
        %dma_start3A_92 = arith.constant 0 : i32
        %dma_start3A_93 = tpu.memref_slice %arg17[%add3A_89, %dma_start3A_92] : memref<10240x128xf32, #tpu.memory_space<vmem_shared>> -> memref<80x128xf32, #tpu.memory_space<vmem_shared>>
        tpu.enqueue_dma source(%arg8 : memref<80x128xf32, #tpu.memory_space<vmem>>) target(%dma_start3A_93 : memref<80x128xf32, #tpu.memory_space<vmem_shared>>) target_semaphore(%run_scoped3A : memref<!tpu.dma_semaphore, #tpu.memory_space<semaphore_mem>>)
        %dma_wait3A_94 = arith.constant 0 : i32
        %dma_wait3A_95 = tpu.memref_slice %arg17[%add3A_89, %dma_wait3A_94] : memref<10240x128xf32, #tpu.memory_space<vmem_shared>> -> memref<80x128xf32, #tpu.memory_space<vmem_shared>>
        %dma_wait3A_96 = arith.constant 0 : i32
        %dma_wait3A_97 = tpu.memref_slice %arg17[%add3A_89, %dma_wait3A_96] : memref<10240x128xf32, #tpu.memory_space<vmem_shared>> -> memref<80x128xf32, #tpu.memory_space<vmem_shared>>
        tpu.wait_dma2 semaphore(%run_scoped3A : memref<!tpu.dma_semaphore, #tpu.memory_space<semaphore_mem>>) src(%arg8 : memref<80x128xf32, #tpu.memory_space<vmem>>) dst(%dma_wait3A_97 : memref<80x128xf32, #tpu.memory_space<vmem_shared>>)
        tpu.yield
      }) : () -> ()
    } else {
    }
    %barrier3A = arith.constant 0 : index
    tpu.barrier barrier_id(%barrier3A)
    %dma_start3A = arith.constant 0 : i32
    %dma_start3A_8 = tpu.memref_slice %arg6[%dma_start3A] : memref<10000xi32, #tpu.memory_space<vmem>> -> memref<80xi32, #tpu.memory_space<vmem>>
    %dma_start3A_9 = arith.constant 0 : i32
    %dma_start3A_10 = arith.constant 0 : i32
    %dma_start3A_11 = tpu.memref_slice %arg2[%dma_start3A_9, %dma_start3A_10] : memref<10240x128xf32, #tpu.memory_space<hbm>> -> memref<10240x128xf32, #tpu.memory_space<hbm>>
    tpu.enqueue_indirect_dma source(%dma_start3A_11 : memref<10240x128xf32, #tpu.memory_space<hbm>>) target(%arg8 : memref<80x128xf32, #tpu.memory_space<vmem>>) offsets(%dma_start3A_8 : memref<80xi32, #tpu.memory_space<vmem>>) semaphore(%arg11 : memref<!tpu.dma_semaphore, #tpu.memory_space<semaphore_mem>>)
    %dma_start3A_12 = arith.constant 80 : i32
    %dma_start3A_13 = tpu.memref_slice %arg6[%dma_start3A_12] : memref<10000xi32, #tpu.memory_space<vmem>> -> memref<80xi32, #tpu.memory_space<vmem>>
    %dma_start3A_14 = arith.constant 0 : i32
    %dma_start3A_15 = arith.constant 0 : i32
    %dma_start3A_16 = tpu.memref_slice %arg2[%dma_start3A_14, %dma_start3A_15] : memref<10240x128xf32, #tpu.memory_space<hbm>> -> memref<10240x128xf32, #tpu.memory_space<hbm>>
    tpu.enqueue_indirect_dma source(%dma_start3A_16 : memref<10240x128xf32, #tpu.memory_space<hbm>>) target(%arg9 : memref<80x128xf32, #tpu.memory_space<vmem>>) offsets(%dma_start3A_13 : memref<80xi32, #tpu.memory_space<vmem>>) semaphore(%arg12 : memref<!tpu.dma_semaphore, #tpu.memory_space<semaphore_mem>>)
    %scan3A = arith.constant 0 : i32
    %scan3A_17 = arith.constant 0 : i32
    %scan3A_18 = arith.constant 41 : i32
    %scan3A_19 = arith.addi %scan3A_17, %scan3A_18 : i32
    %scan3A_20 = arith.constant 1 : i32
    %scan3A_21 = scf.for %scan3A_68 = %scan3A_17 to %scan3A_19 step %scan3A_20 iter_args(%scan3A_69 = %scan3A) -> (i32)  : i32 {
      %mul3A_70 = arith.constant 3 : i32
      %mul3A_71 = arith.muli %mul3A_70, %scan3A_68 : i32
      %jit3A = arith.constant 8 : i32
      %eq3A_72 = arith.constant 0 : i32
      %eq3A_73 = arith.cmpi eq, %jit3A, %eq3A_72 : i32
      %jit3A_74 = arith.constant 1 : i32
      %select_n3A = arith.select %eq3A_73, %jit3A_74, %jit3A : i32
      %rem3A = arith.remsi %scan3A_68, %select_n3A : i32
      %ne3A = arith.constant 0 : i32
      %ne3A_75 = arith.cmpi ne, %rem3A, %ne3A : i32
      %lt3A = arith.constant 0 : i32
      %lt3A_76 = arith.cmpi slt, %rem3A, %lt3A : i32
      %lt3A_77 = arith.constant 0 : i32
      %lt3A_78 = arith.cmpi slt, %select_n3A, %lt3A_77 : i32
      %ne3A_79 = arith.xori %lt3A_76, %lt3A_78 : i1
      %and3A = arith.andi %ne3A_79, %ne3A_75 : i1
      %add3A = arith.addi %rem3A, %select_n3A : i32
      %select_n3A_80 = arith.select %and3A, %add3A, %rem3A : i32
      %gt3A = arith.constant 0 : i32
      %gt3A_81 = arith.cmpi sgt, %scan3A_68, %gt3A : i32
      %convert_element_type3A_82 = arith.extui %gt3A_81 : i1 to i32
      %cond3A_83 = arith.constant 0 : i32
      %cond3A_84 = arith.cmpi ne, %convert_element_type3A_82, %cond3A_83 : i32
      scf.if %cond3A_84 {
        %dma_wait3A_189 = arith.constant 0 : i32
        %dma_wait3A_190 = arith.constant 0 : i32
        %dma_wait3A_191 = tpu.memref_slice %arg7[%dma_wait3A_189, %dma_wait3A_190] : memref<24x80xi32, #tpu.memory_space<vmem>> -> memref<1x80xi32, #tpu.memory_space<vmem>>
        %dma_wait3A_192 = tpu.memref_squeeze %dma_wait3A_191 : memref<1x80xi32, #tpu.memory_space<vmem>> -> memref<80xi32, #tpu.memory_space<vmem>>
        %dma_wait3A_193 = arith.constant 0 : i32
        %dma_wait3A_194 = arith.constant 0 : i32
        %dma_wait3A_195 = tpu.memref_slice %arg17[%dma_wait3A_193, %dma_wait3A_194] : memref<10240x128xf32, #tpu.memory_space<vmem_shared>> -> memref<10240x128xf32, #tpu.memory_space<vmem_shared>>
        tpu.wait_indirect_dma semaphore(%arg16 : memref<!tpu.dma_semaphore, #tpu.memory_space<semaphore_mem>>) src(%arg10 : memref<80x128xf32, #tpu.memory_space<vmem>>) dst(%dma_wait3A_195 : memref<10240x128xf32, #tpu.memory_space<vmem_shared>>)
      } else {
      }
      %eq3A_85 = arith.constant 0 : i32
      %eq3A_86 = arith.cmpi eq, %select_n3A_80, %eq3A_85 : i32
      %convert_element_type3A_87 = arith.extui %eq3A_86 : i1 to i32
      %cond3A_88 = arith.constant 0 : i32
      %cond3A_89 = arith.cmpi ne, %convert_element_type3A_87, %cond3A_88 : i32
      scf.if %cond3A_89 {
        %jit3A_189 = arith.constant 8 : i32
        %div3A = arith.divsi %scan3A_68, %jit3A_189 : i32
        %sign3A = arith.constant 0 : i32
        %sign3A_190 = arith.cmpi sgt, %scan3A_68, %sign3A : i32
        %sign3A_191 = arith.extui %sign3A_190 : i1 to i32
        %sign3A_192 = arith.constant 0 : i32
        %sign3A_193 = arith.cmpi slt, %scan3A_68, %sign3A_192 : i32
        %sign3A_194 = arith.extui %sign3A_193 : i1 to i32
        %sign3A_195 = arith.subi %sign3A_191, %sign3A_194 : i32
        %sign3A_196 = arith.constant 0 : i32
        %sign3A_197 = arith.cmpi sgt, %jit3A_189, %sign3A_196 : i32
        %sign3A_198 = arith.extui %sign3A_197 : i1 to i32
        %sign3A_199 = arith.constant 0 : i32
        %sign3A_200 = arith.cmpi slt, %jit3A_189, %sign3A_199 : i32
        %sign3A_201 = arith.extui %sign3A_200 : i1 to i32
        %sign3A_202 = arith.subi %sign3A_198, %sign3A_201 : i32
        %ne3A_203 = arith.cmpi ne, %sign3A_195, %sign3A_202 : i32
        %rem3A_204 = arith.remsi %scan3A_68, %jit3A_189 : i32
        %ne3A_205 = arith.constant 0 : i32
        %ne3A_206 = arith.cmpi ne, %rem3A_204, %ne3A_205 : i32
        %and3A_207 = arith.andi %ne3A_203, %ne3A_206 : i1
        %sub3A = arith.constant 1 : i32
        %sub3A_208 = arith.subi %div3A, %sub3A : i32
        %select_n3A_209 = arith.select %and3A_207, %sub3A_208, %div3A : i32
        %mul3A_210 = arith.constant 24 : i32
        %mul3A_211 = arith.muli %select_n3A_209, %mul3A_210 : i32
        "tpu.region"() ({
          %run_scoped3A = tpu.sem_alloc : memref<!tpu.dma_semaphore, #tpu.memory_space<semaphore_mem>>
          %dma_start3A_212 = arith.constant 0 : i32
          %dma_start3A_213 = tpu.memref_slice %arg4[%arg0, %arg1, %mul3A_211, %dma_start3A_212] : memref<2x16x144x80xi32, #tpu.memory_space<hbm>> -> memref<1x1x24x80xi32, #tpu.memory_space<hbm>>
          %dma_start3A_214 = tpu.memref_squeeze %dma_start3A_213 : memref<1x1x24x80xi32, #tpu.memory_space<hbm>> -> memref<24x80xi32, #tpu.memory_space<hbm>>
          %dma_start3A_215 = arith.constant 0 : i32
          %dma_start3A_216 = tpu.memref_slice %arg4[%arg0, %arg1, %mul3A_211, %dma_start3A_215] : memref<2x16x144x80xi32, #tpu.memory_space<hbm>> -> memref<1x1x24x80xi32, #tpu.memory_space<hbm>>
          %dma_start3A_217 = tpu.memref_squeeze %dma_start3A_216 : memref<1x1x24x80xi32, #tpu.memory_space<hbm>> -> memref<24x80xi32, #tpu.memory_space<hbm>>
          tpu.enqueue_dma source(%dma_start3A_217 : memref<24x80xi32, #tpu.memory_space<hbm>>) target(%arg7 : memref<24x80xi32, #tpu.memory_space<vmem>>) target_semaphore(%run_scoped3A : memref<!tpu.dma_semaphore, #tpu.memory_space<semaphore_mem>>)
          %dma_wait3A_218 = arith.constant 0 : i32
          %dma_wait3A_219 = tpu.memref_slice %arg4[%arg0, %arg1, %mul3A_211, %dma_wait3A_218] : memref<2x16x144x80xi32, #tpu.memory_space<hbm>> -> memref<1x1x24x80xi32, #tpu.memory_space<hbm>>
          %dma_wait3A_220 = tpu.memref_squeeze %dma_wait3A_219 : memref<1x1x24x80xi32, #tpu.memory_space<hbm>> -> memref<24x80xi32, #tpu.memory_space<hbm>>
          %dma_wait3A_221 = arith.constant 0 : i32
          %dma_wait3A_222 = tpu.memref_slice %arg4[%arg0, %arg1, %mul3A_211, %dma_wait3A_221] : memref<2x16x144x80xi32, #tpu.memory_space<hbm>> -> memref<1x1x24x80xi32, #tpu.memory_space<hbm>>
          %dma_wait3A_223 = tpu.memref_squeeze %dma_wait3A_222 : memref<1x1x24x80xi32, #tpu.memory_space<hbm>> -> memref<24x80xi32, #tpu.memory_space<hbm>>
          tpu.wait_dma2 semaphore(%run_scoped3A : memref<!tpu.dma_semaphore, #tpu.memory_space<semaphore_mem>>) src(%dma_wait3A_223 : memref<24x80xi32, #tpu.memory_space<hbm>>) dst(%arg7 : memref<24x80xi32, #tpu.memory_space<vmem>>)
          tpu.yield
        }) : () -> ()
      } else {
      }
      %add3A_90 = arith.constant 0 : i32
      %add3A_91 = arith.addi %mul3A_71, %add3A_90 : i32
      %mul3A_92 = arith.constant 80 : i32
      %mul3A_93 = arith.muli %add3A_91, %mul3A_92 : i32
      %dma_wait3A_94 = tpu.memref_slice %arg6[%mul3A_93] : memref<10000xi32, #tpu.memory_space<vmem>> -> memref<80xi32, #tpu.memory_space<vmem>>
      %dma_wait3A_95 = arith.constant 0 : i32
      %dma_wait3A_96 = arith.constant 0 : i32
      %dma_wait3A_97 = tpu.memref_slice %arg2[%dma_wait3A_95, %dma_wait3A_96] : memref<10240x128xf32, #tpu.memory_space<hbm>> -> memref<10240x128xf32, #tpu.memory_space<hbm>>
      tpu.wait_indirect_dma semaphore(%arg11 : memref<!tpu.dma_semaphore, #tpu.memory_space<semaphore_mem>>) src(%dma_wait3A_97 : memref<10240x128xf32, #tpu.memory_space<hbm>>) dst(%arg8 : memref<80x128xf32, #tpu.memory_space<vmem>>)
      %mul3A_98 = arith.constant 3 : i32
      %mul3A_99 = arith.muli %mul3A_98, %select_n3A_80 : i32
      %add3A_100 = arith.constant 0 : i32
      %add3A_101 = arith.addi %mul3A_99, %add3A_100 : i32
      %dma_start3A_102 = arith.constant 0 : i32
      %dma_start3A_103 = tpu.memref_slice %arg7[%add3A_101, %dma_start3A_102] : memref<24x80xi32, #tpu.memory_space<vmem>> -> memref<1x80xi32, #tpu.memory_space<vmem>>
      %dma_start3A_104 = tpu.memref_squeeze %dma_start3A_103 : memref<1x80xi32, #tpu.memory_space<vmem>> -> memref<80xi32, #tpu.memory_space<vmem>>
      %dma_start3A_105 = arith.constant 0 : i32
      %dma_start3A_106 = arith.constant 0 : i32
      %dma_start3A_107 = tpu.memref_slice %arg17[%dma_start3A_105, %dma_start3A_106] : memref<10240x128xf32, #tpu.memory_space<vmem_shared>> -> memref<10240x128xf32, #tpu.memory_space<vmem_shared>>
      tpu.enqueue_indirect_dma source(%arg8 : memref<80x128xf32, #tpu.memory_space<vmem>>) target(%dma_start3A_107 : memref<10240x128xf32, #tpu.memory_space<vmem_shared>>) offsets(%dma_start3A_104 : memref<80xi32, #tpu.memory_space<vmem>>) semaphore(%arg14 : memref<!tpu.dma_semaphore, #tpu.memory_space<semaphore_mem>>) {add = true}
      %add3A_108 = arith.constant 0 : i32
      %add3A_109 = arith.addi %mul3A_71, %add3A_108 : i32
      %add3A_110 = arith.constant 2 : i32
      %add3A_111 = arith.addi %add3A_109, %add3A_110 : i32
      %mul3A_112 = arith.constant 80 : i32
      %mul3A_113 = arith.muli %add3A_111, %mul3A_112 : i32
      %dma_start3A_114 = tpu.memref_slice %arg6[%mul3A_113] : memref<10000xi32, #tpu.memory_space<vmem>> -> memref<80xi32, #tpu.memory_space<vmem>>
      %dma_start3A_115 = arith.constant 0 : i32
      %dma_start3A_116 = arith.constant 0 : i32
      %dma_start3A_117 = tpu.memref_slice %arg2[%dma_start3A_115, %dma_start3A_116] : memref<10240x128xf32, #tpu.memory_space<hbm>> -> memref<10240x128xf32, #tpu.memory_space<hbm>>
      tpu.enqueue_indirect_dma source(%dma_start3A_117 : memref<10240x128xf32, #tpu.memory_space<hbm>>) target(%arg10 : memref<80x128xf32, #tpu.memory_space<vmem>>) offsets(%dma_start3A_114 : memref<80xi32, #tpu.memory_space<vmem>>) semaphore(%arg13 : memref<!tpu.dma_semaphore, #tpu.memory_space<semaphore_mem>>)
      %dma_wait3A_118 = arith.constant 0 : i32
      %dma_wait3A_119 = arith.constant 0 : i32
      %dma_wait3A_120 = tpu.memref_slice %arg7[%dma_wait3A_118, %dma_wait3A_119] : memref<24x80xi32, #tpu.memory_space<vmem>> -> memref<1x80xi32, #tpu.memory_space<vmem>>
      %dma_wait3A_121 = tpu.memref_squeeze %dma_wait3A_120 : memref<1x80xi32, #tpu.memory_space<vmem>> -> memref<80xi32, #tpu.memory_space<vmem>>
      %dma_wait3A_122 = arith.constant 0 : i32
      %dma_wait3A_123 = arith.constant 0 : i32
      %dma_wait3A_124 = tpu.memref_slice %arg17[%dma_wait3A_122, %dma_wait3A_123] : memref<10240x128xf32, #tpu.memory_space<vmem_shared>> -> memref<10240x128xf32, #tpu.memory_space<vmem_shared>>
      tpu.wait_indirect_dma semaphore(%arg14 : memref<!tpu.dma_semaphore, #tpu.memory_space<semaphore_mem>>) src(%arg8 : memref<80x128xf32, #tpu.memory_space<vmem>>) dst(%dma_wait3A_124 : memref<10240x128xf32, #tpu.memory_space<vmem_shared>>)
      %add3A_125 = arith.constant 1 : i32
      %add3A_126 = arith.addi %mul3A_71, %add3A_125 : i32
      %mul3A_127 = arith.constant 80 : i32
      %mul3A_128 = arith.muli %add3A_126, %mul3A_127 : i32
      %dma_wait3A_129 = tpu.memref_slice %arg6[%mul3A_128] : memref<10000xi32, #tpu.memory_space<vmem>> -> memref<80xi32, #tpu.memory_space<vmem>>
      %dma_wait3A_130 = arith.constant 0 : i32
      %dma_wait3A_131 = arith.constant 0 : i32
      %dma_wait3A_132 = tpu.memref_slice %arg2[%dma_wait3A_130, %dma_wait3A_131] : memref<10240x128xf32, #tpu.memory_space<hbm>> -> memref<10240x128xf32, #tpu.memory_space<hbm>>
      tpu.wait_indirect_dma semaphore(%arg12 : memref<!tpu.dma_semaphore, #tpu.memory_space<semaphore_mem>>) src(%dma_wait3A_132 : memref<10240x128xf32, #tpu.memory_space<hbm>>) dst(%arg9 : memref<80x128xf32, #tpu.memory_space<vmem>>)
      %mul3A_133 = arith.constant 3 : i32
      %mul3A_134 = arith.muli %mul3A_133, %select_n3A_80 : i32
      %add3A_135 = arith.constant 1 : i32
      %add3A_136 = arith.addi %mul3A_134, %add3A_135 : i32
      %dma_start3A_137 = arith.constant 0 : i32
      %dma_start3A_138 = tpu.memref_slice %arg7[%add3A_136, %dma_start3A_137] : memref<24x80xi32, #tpu.memory_space<vmem>> -> memref<1x80xi32, #tpu.memory_space<vmem>>
      %dma_start3A_139 = tpu.memref_squeeze %dma_start3A_138 : memref<1x80xi32, #tpu.memory_space<vmem>> -> memref<80xi32, #tpu.memory_space<vmem>>
      %dma_start3A_140 = arith.constant 0 : i32
      %dma_start3A_141 = arith.constant 0 : i32
      %dma_start3A_142 = tpu.memref_slice %arg17[%dma_start3A_140, %dma_start3A_141] : memref<10240x128xf32, #tpu.memory_space<vmem_shared>> -> memref<10240x128xf32, #tpu.memory_space<vmem_shared>>
      tpu.enqueue_indirect_dma source(%arg9 : memref<80x128xf32, #tpu.memory_space<vmem>>) target(%dma_start3A_142 : memref<10240x128xf32, #tpu.memory_space<vmem_shared>>) offsets(%dma_start3A_139 : memref<80xi32, #tpu.memory_space<vmem>>) semaphore(%arg15 : memref<!tpu.dma_semaphore, #tpu.memory_space<semaphore_mem>>) {add = true}
      %add3A_143 = arith.constant 1 : i32
      %add3A_144 = arith.addi %mul3A_71, %add3A_143 : i32
      %add3A_145 = arith.constant 2 : i32
      %add3A_146 = arith.addi %add3A_144, %add3A_145 : i32
      %mul3A_147 = arith.constant 80 : i32
      %mul3A_148 = arith.muli %add3A_146, %mul3A_147 : i32
      %dma_start3A_149 = tpu.memref_slice %arg6[%mul3A_148] : memref<10000xi32, #tpu.memory_space<vmem>> -> memref<80xi32, #tpu.memory_space<vmem>>
      %dma_start3A_150 = arith.constant 0 : i32
      %dma_start3A_151 = arith.constant 0 : i32
      %dma_start3A_152 = tpu.memref_slice %arg2[%dma_start3A_150, %dma_start3A_151] : memref<10240x128xf32, #tpu.memory_space<hbm>> -> memref<10240x128xf32, #tpu.memory_space<hbm>>
      tpu.enqueue_indirect_dma source(%dma_start3A_152 : memref<10240x128xf32, #tpu.memory_space<hbm>>) target(%arg8 : memref<80x128xf32, #tpu.memory_space<vmem>>) offsets(%dma_start3A_149 : memref<80xi32, #tpu.memory_space<vmem>>) semaphore(%arg11 : memref<!tpu.dma_semaphore, #tpu.memory_space<semaphore_mem>>)
      %dma_wait3A_153 = arith.constant 0 : i32
      %dma_wait3A_154 = arith.constant 0 : i32
      %dma_wait3A_155 = tpu.memref_slice %arg7[%dma_wait3A_153, %dma_wait3A_154] : memref<24x80xi32, #tpu.memory_space<vmem>> -> memref<1x80xi32, #tpu.memory_space<vmem>>
      %dma_wait3A_156 = tpu.memref_squeeze %dma_wait3A_155 : memref<1x80xi32, #tpu.memory_space<vmem>> -> memref<80xi32, #tpu.memory_space<vmem>>
      %dma_wait3A_157 = arith.constant 0 : i32
      %dma_wait3A_158 = arith.constant 0 : i32
      %dma_wait3A_159 = tpu.memref_slice %arg17[%dma_wait3A_157, %dma_wait3A_158] : memref<10240x128xf32, #tpu.memory_space<vmem_shared>> -> memref<10240x128xf32, #tpu.memory_space<vmem_shared>>
      tpu.wait_indirect_dma semaphore(%arg15 : memref<!tpu.dma_semaphore, #tpu.memory_space<semaphore_mem>>) src(%arg9 : memref<80x128xf32, #tpu.memory_space<vmem>>) dst(%dma_wait3A_159 : memref<10240x128xf32, #tpu.memory_space<vmem_shared>>)
      %add3A_160 = arith.constant 2 : i32
      %add3A_161 = arith.addi %mul3A_71, %add3A_160 : i32
      %mul3A_162 = arith.constant 80 : i32
      %mul3A_163 = arith.muli %add3A_161, %mul3A_162 : i32
      %dma_wait3A_164 = tpu.memref_slice %arg6[%mul3A_163] : memref<10000xi32, #tpu.memory_space<vmem>> -> memref<80xi32, #tpu.memory_space<vmem>>
      %dma_wait3A_165 = arith.constant 0 : i32
      %dma_wait3A_166 = arith.constant 0 : i32
      %dma_wait3A_167 = tpu.memref_slice %arg2[%dma_wait3A_165, %dma_wait3A_166] : memref<10240x128xf32, #tpu.memory_space<hbm>> -> memref<10240x128xf32, #tpu.memory_space<hbm>>
      tpu.wait_indirect_dma semaphore(%arg13 : memref<!tpu.dma_semaphore, #tpu.memory_space<semaphore_mem>>) src(%dma_wait3A_167 : memref<10240x128xf32, #tpu.memory_space<hbm>>) dst(%arg10 : memref<80x128xf32, #tpu.memory_space<vmem>>)
      %mul3A_168 = arith.constant 3 : i32
      %mul3A_169 = arith.muli %mul3A_168, %select_n3A_80 : i32
      %add3A_170 = arith.constant 2 : i32
      %add3A_171 = arith.addi %mul3A_169, %add3A_170 : i32
      %dma_start3A_172 = arith.constant 0 : i32
      %dma_start3A_173 = tpu.memref_slice %arg7[%add3A_171, %dma_start3A_172] : memref<24x80xi32, #tpu.memory_space<vmem>> -> memref<1x80xi32, #tpu.memory_space<vmem>>
      %dma_start3A_174 = tpu.memref_squeeze %dma_start3A_173 : memref<1x80xi32, #tpu.memory_space<vmem>> -> memref<80xi32, #tpu.memory_space<vmem>>
      %dma_start3A_175 = arith.constant 0 : i32
      %dma_start3A_176 = arith.constant 0 : i32
      %dma_start3A_177 = tpu.memref_slice %arg17[%dma_start3A_175, %dma_start3A_176] : memref<10240x128xf32, #tpu.memory_space<vmem_shared>> -> memref<10240x128xf32, #tpu.memory_space<vmem_shared>>
      tpu.enqueue_indirect_dma source(%arg10 : memref<80x128xf32, #tpu.memory_space<vmem>>) target(%dma_start3A_177 : memref<10240x128xf32, #tpu.memory_space<vmem_shared>>) offsets(%dma_start3A_174 : memref<80xi32, #tpu.memory_space<vmem>>) semaphore(%arg16 : memref<!tpu.dma_semaphore, #tpu.memory_space<semaphore_mem>>) {add = true}
      %add3A_178 = arith.constant 2 : i32
      %add3A_179 = arith.addi %mul3A_71, %add3A_178 : i32
      %add3A_180 = arith.constant 2 : i32
      %add3A_181 = arith.addi %add3A_179, %add3A_180 : i32
      %mul3A_182 = arith.constant 80 : i32
      %mul3A_183 = arith.muli %add3A_181, %mul3A_182 : i32
      %dma_start3A_184 = tpu.memref_slice %arg6[%mul3A_183] : memref<10000xi32, #tpu.memory_space<vmem>> -> memref<80xi32, #tpu.memory_space<vmem>>
      %dma_start3A_185 = arith.constant 0 : i32
      %dma_start3A_186 = arith.constant 0 : i32
      %dma_start3A_187 = tpu.memref_slice %arg2[%dma_start3A_185, %dma_start3A_186] : memref<10240x128xf32, #tpu.memory_space<hbm>> -> memref<10240x128xf32, #tpu.memory_space<hbm>>
      tpu.enqueue_indirect_dma source(%dma_start3A_187 : memref<10240x128xf32, #tpu.memory_space<hbm>>) target(%arg9 : memref<80x128xf32, #tpu.memory_space<vmem>>) offsets(%dma_start3A_184 : memref<80xi32, #tpu.memory_space<vmem>>) semaphore(%arg12 : memref<!tpu.dma_semaphore, #tpu.memory_space<semaphore_mem>>)
      %scan3A_188 = arith.constant 0 : i32
      scf.yield %scan3A_188 : i32
    }
    %scan3A_22 = arith.constant 41 : i32
    %dma_wait3A = arith.constant 0 : i32
    %dma_wait3A_23 = arith.constant 0 : i32
    %dma_wait3A_24 = tpu.memref_slice %arg7[%dma_wait3A, %dma_wait3A_23] : memref<24x80xi32, #tpu.memory_space<vmem>> -> memref<1x80xi32, #tpu.memory_space<vmem>>
    %dma_wait3A_25 = tpu.memref_squeeze %dma_wait3A_24 : memref<1x80xi32, #tpu.memory_space<vmem>> -> memref<80xi32, #tpu.memory_space<vmem>>
    %dma_wait3A_26 = arith.constant 0 : i32
    %dma_wait3A_27 = arith.constant 0 : i32
    %dma_wait3A_28 = tpu.memref_slice %arg17[%dma_wait3A_26, %dma_wait3A_27] : memref<10240x128xf32, #tpu.memory_space<vmem_shared>> -> memref<10240x128xf32, #tpu.memory_space<vmem_shared>>
    tpu.wait_indirect_dma semaphore(%arg16 : memref<!tpu.dma_semaphore, #tpu.memory_space<semaphore_mem>>) src(%arg10 : memref<80x128xf32, #tpu.memory_space<vmem>>) dst(%dma_wait3A_28 : memref<10240x128xf32, #tpu.memory_space<vmem_shared>>)
    %dma_wait3A_29 = arith.constant 9840 : i32
    %dma_wait3A_30 = tpu.memref_slice %arg6[%dma_wait3A_29] : memref<10000xi32, #tpu.memory_space<vmem>> -> memref<80xi32, #tpu.memory_space<vmem>>
    %dma_wait3A_31 = arith.constant 0 : i32
    %dma_wait3A_32 = arith.constant 0 : i32
    %dma_wait3A_33 = tpu.memref_slice %arg2[%dma_wait3A_31, %dma_wait3A_32] : memref<10240x128xf32, #tpu.memory_space<hbm>> -> memref<10240x128xf32, #tpu.memory_space<hbm>>
    tpu.wait_indirect_dma semaphore(%arg11 : memref<!tpu.dma_semaphore, #tpu.memory_space<semaphore_mem>>) src(%dma_wait3A_33 : memref<10240x128xf32, #tpu.memory_space<hbm>>) dst(%arg8 : memref<80x128xf32, #tpu.memory_space<vmem>>)
    %dma_start3A_34 = arith.constant 3 : i32
    %dma_start3A_35 = arith.constant 0 : i32
    %dma_start3A_36 = tpu.memref_slice %arg7[%dma_start3A_34, %dma_start3A_35] : memref<24x80xi32, #tpu.memory_space<vmem>> -> memref<1x80xi32, #tpu.memory_space<vmem>>
    %dma_start3A_37 = tpu.memref_squeeze %dma_start3A_36 : memref<1x80xi32, #tpu.memory_space<vmem>> -> memref<80xi32, #tpu.memory_space<vmem>>
    %dma_start3A_38 = arith.constant 0 : i32
    %dma_start3A_39 = arith.constant 0 : i32
    %dma_start3A_40 = tpu.memref_slice %arg17[%dma_start3A_38, %dma_start3A_39] : memref<10240x128xf32, #tpu.memory_space<vmem_shared>> -> memref<10240x128xf32, #tpu.memory_space<vmem_shared>>
    tpu.enqueue_indirect_dma source(%arg8 : memref<80x128xf32, #tpu.memory_space<vmem>>) target(%dma_start3A_40 : memref<10240x128xf32, #tpu.memory_space<vmem_shared>>) offsets(%dma_start3A_37 : memref<80xi32, #tpu.memory_space<vmem>>) semaphore(%arg14 : memref<!tpu.dma_semaphore, #tpu.memory_space<semaphore_mem>>) {add = true}
    %dma_wait3A_41 = arith.constant 0 : i32
    %dma_wait3A_42 = arith.constant 0 : i32
    %dma_wait3A_43 = tpu.memref_slice %arg7[%dma_wait3A_41, %dma_wait3A_42] : memref<24x80xi32, #tpu.memory_space<vmem>> -> memref<1x80xi32, #tpu.memory_space<vmem>>
    %dma_wait3A_44 = tpu.memref_squeeze %dma_wait3A_43 : memref<1x80xi32, #tpu.memory_space<vmem>> -> memref<80xi32, #tpu.memory_space<vmem>>
    %dma_wait3A_45 = arith.constant 0 : i32
    %dma_wait3A_46 = arith.constant 0 : i32
    %dma_wait3A_47 = tpu.memref_slice %arg17[%dma_wait3A_45, %dma_wait3A_46] : memref<10240x128xf32, #tpu.memory_space<vmem_shared>> -> memref<10240x128xf32, #tpu.memory_space<vmem_shared>>
    tpu.wait_indirect_dma semaphore(%arg14 : memref<!tpu.dma_semaphore, #tpu.memory_space<semaphore_mem>>) src(%arg8 : memref<80x128xf32, #tpu.memory_space<vmem>>) dst(%dma_wait3A_47 : memref<10240x128xf32, #tpu.memory_space<vmem_shared>>)
    %dma_wait3A_48 = arith.constant 9920 : i32
    %dma_wait3A_49 = tpu.memref_slice %arg6[%dma_wait3A_48] : memref<10000xi32, #tpu.memory_space<vmem>> -> memref<80xi32, #tpu.memory_space<vmem>>
    %dma_wait3A_50 = arith.constant 0 : i32
    %dma_wait3A_51 = arith.constant 0 : i32
    %dma_wait3A_52 = tpu.memref_slice %arg2[%dma_wait3A_50, %dma_wait3A_51] : memref<10240x128xf32, #tpu.memory_space<hbm>> -> memref<10240x128xf32, #tpu.memory_space<hbm>>
    tpu.wait_indirect_dma semaphore(%arg12 : memref<!tpu.dma_semaphore, #tpu.memory_space<semaphore_mem>>) src(%dma_wait3A_52 : memref<10240x128xf32, #tpu.memory_space<hbm>>) dst(%arg9 : memref<80x128xf32, #tpu.memory_space<vmem>>)
    %dma_start3A_53 = arith.constant 4 : i32
    %dma_start3A_54 = arith.constant 0 : i32
    %dma_start3A_55 = tpu.memref_slice %arg7[%dma_start3A_53, %dma_start3A_54] : memref<24x80xi32, #tpu.memory_space<vmem>> -> memref<1x80xi32, #tpu.memory_space<vmem>>
    %dma_start3A_56 = tpu.memref_squeeze %dma_start3A_55 : memref<1x80xi32, #tpu.memory_space<vmem>> -> memref<80xi32, #tpu.memory_space<vmem>>
    %dma_start3A_57 = arith.constant 0 : i32
    %dma_start3A_58 = arith.constant 0 : i32
    %dma_start3A_59 = tpu.memref_slice %arg17[%dma_start3A_57, %dma_start3A_58] : memref<10240x128xf32, #tpu.memory_space<vmem_shared>> -> memref<10240x128xf32, #tpu.memory_space<vmem_shared>>
    tpu.enqueue_indirect_dma source(%arg9 : memref<80x128xf32, #tpu.memory_space<vmem>>) target(%dma_start3A_59 : memref<10240x128xf32, #tpu.memory_space<vmem_shared>>) offsets(%dma_start3A_56 : memref<80xi32, #tpu.memory_space<vmem>>) semaphore(%arg15 : memref<!tpu.dma_semaphore, #tpu.memory_space<semaphore_mem>>) {add = true}
    %dma_wait3A_60 = arith.constant 0 : i32
    %dma_wait3A_61 = arith.constant 0 : i32
    %dma_wait3A_62 = tpu.memref_slice %arg7[%dma_wait3A_60, %dma_wait3A_61] : memref<24x80xi32, #tpu.memory_space<vmem>> -> memref<1x80xi32, #tpu.memory_space<vmem>>
    %dma_wait3A_63 = tpu.memref_squeeze %dma_wait3A_62 : memref<1x80xi32, #tpu.memory_space<vmem>> -> memref<80xi32, #tpu.memory_space<vmem>>
    %dma_wait3A_64 = arith.constant 0 : i32
    %dma_wait3A_65 = arith.constant 0 : i32
    %dma_wait3A_66 = tpu.memref_slice %arg17[%dma_wait3A_64, %dma_wait3A_65] : memref<10240x128xf32, #tpu.memory_space<vmem_shared>> -> memref<10240x128xf32, #tpu.memory_space<vmem_shared>>
    tpu.wait_indirect_dma semaphore(%arg15 : memref<!tpu.dma_semaphore, #tpu.memory_space<semaphore_mem>>) src(%arg9 : memref<80x128xf32, #tpu.memory_space<vmem>>) dst(%dma_wait3A_66 : memref<10240x128xf32, #tpu.memory_space<vmem_shared>>)
    %barrier3A_67 = arith.constant 0 : index
    tpu.barrier barrier_id(%barrier3A_67)
    "tpu.region"() ({
      %run_scoped3A = tpu.sem_alloc : memref<!tpu.dma_semaphore, #tpu.memory_space<semaphore_mem>>
      %dma_start3A_68 = arith.constant 0 : i32
      %dma_start3A_69 = tpu.memref_slice %arg5[%arg0, %mul3A_0, %dma_start3A_68] : memref<2x10240x128xf32, #tpu.memory_space<hbm>> -> memref<1x640x128xf32, #tpu.memory_space<hbm>>
      %dma_start3A_70 = tpu.memref_squeeze %dma_start3A_69 : memref<1x640x128xf32, #tpu.memory_space<hbm>> -> memref<640x128xf32, #tpu.memory_space<hbm>>
      %dma_start3A_71 = arith.constant 0 : i32
      %dma_start3A_72 = tpu.memref_slice %arg17[%mul3A_0, %dma_start3A_71] : memref<10240x128xf32, #tpu.memory_space<vmem_shared>> -> memref<640x128xf32, #tpu.memory_space<vmem_shared>>
      tpu.enqueue_dma source(%dma_start3A_72 : memref<640x128xf32, #tpu.memory_space<vmem_shared>>) target(%dma_start3A_70 : memref<640x128xf32, #tpu.memory_space<hbm>>) target_semaphore(%run_scoped3A : memref<!tpu.dma_semaphore, #tpu.memory_space<semaphore_mem>>)
      %dma_wait3A_73 = arith.constant 0 : i32
      %dma_wait3A_74 = tpu.memref_slice %arg5[%arg0, %mul3A_0, %dma_wait3A_73] : memref<2x10240x128xf32, #tpu.memory_space<hbm>> -> memref<1x640x128xf32, #tpu.memory_space<hbm>>
      %dma_wait3A_75 = tpu.memref_squeeze %dma_wait3A_74 : memref<1x640x128xf32, #tpu.memory_space<hbm>> -> memref<640x128xf32, #tpu.memory_space<hbm>>
      %dma_wait3A_76 = arith.constant 0 : i32
      %dma_wait3A_77 = tpu.memref_slice %arg17[%mul3A_0, %dma_wait3A_76] : memref<10240x128xf32, #tpu.memory_space<vmem_shared>> -> memref<640x128xf32, #tpu.memory_space<vmem_shared>>
      tpu.wait_dma2 semaphore(%run_scoped3A : memref<!tpu.dma_semaphore, #tpu.memory_space<semaphore_mem>>) src(%dma_wait3A_77 : memref<640x128xf32, #tpu.memory_space<vmem_shared>>) dst(%dma_wait3A_75 : memref<640x128xf32, #tpu.memory_space<hbm>>)
      tpu.yield
    }) : () -> ()
    return
  }
}

#map = affine_map<(d0, d1) -> (0, 0)>
#map1 = affine_map<(d0, d1) -> (0, 0, 0)>
#map2 = affine_map<(d0, d1) -> (0, 0, 0, 0)>
module attributes {stable_mosaic.version = 14 : i64} {
  func.func @agg_kernel(%arg0: i32, %arg1: i32, %arg2: memref<10240x128xf32, #tpu.memory_space<hbm>>, %arg3: memref<2x16x10000xi32, #tpu.memory_space<hbm>>, %arg4: memref<2x16x144x80xi32, #tpu.memory_space<hbm>>, %arg5: memref<2x10240x128xf32, #tpu.memory_space<hbm>>, %arg6: memref<10000xi32, #tpu.memory_space<vmem>>, %arg7: memref<24x80xi32, #tpu.memory_space<vmem>>, %arg8: memref<80x128xf32, #tpu.memory_space<vmem>>, %arg9: memref<80x128xf32, #tpu.memory_space<vmem>>, %arg10: memref<80x128xf32, #tpu.memory_space<vmem>>, %arg11: memref<!tpu.dma_semaphore, #tpu.memory_space<semaphore_mem>>, %arg12: memref<!tpu.dma_semaphore, #tpu.memory_space<semaphore_mem>>, %arg13: memref<!tpu.dma_semaphore, #tpu.memory_space<semaphore_mem>>, %arg14: memref<!tpu.dma_semaphore, #tpu.memory_space<semaphore_mem>>, %arg15: memref<!tpu.dma_semaphore, #tpu.memory_space<semaphore_mem>>, %arg16: memref<!tpu.dma_semaphore, #tpu.memory_space<semaphore_mem>>, %arg17: memref<10240x128xf32, #tpu.memory_space<vmem_shared>>) attributes {dimension_semantics = [#tpu.dimension_semantics<core_parallel>, #tpu.dimension_semantics<subcore_parallel>], iteration_bounds = array<i64: 2, 16>, scalar_prefetch = 0 : i64, scratch_operands = 12 : i64, tpu.core_type = #tpu.core_type<sc_vector_subcore>, window_params = [{transform_indices = #map}, {transform_indices = #map1}, {transform_indices = #map2}, {transform_indices = #map1}]} {
    %mul3A = arith.constant 640 : i32
    %mul3A_0 = arith.muli %arg1, %mul3A : i32
    "tpu.region"() ({
      %run_scoped3A = tpu.sem_alloc : memref<!tpu.dma_semaphore, #tpu.memory_space<semaphore_mem>>
      %dma_start3A_68 = arith.constant 0 : i32
      %dma_start3A_69 = tpu.memref_slice %arg3[%arg0, %arg1, %dma_start3A_68] : memref<2x16x10000xi32, #tpu.memory_space<hbm>> -> memref<1x1x10000xi32, #tpu.memory_space<hbm>>
      %dma_start3A_70 = tpu.memref_squeeze %dma_start3A_69 : memref<1x1x10000xi32, #tpu.memory_space<hbm>> -> memref<10000xi32, #tpu.memory_space<hbm>>
      %dma_start3A_71 = arith.constant 0 : i32
      %dma_start3A_72 = tpu.memref_slice %arg3[%arg0, %arg1, %dma_start3A_71] : memref<2x16x10000xi32, #tpu.memory_space<hbm>> -> memref<1x1x10000xi32, #tpu.memory_space<hbm>>
      %dma_start3A_73 = tpu.memref_squeeze %dma_start3A_72 : memref<1x1x10000xi32, #tpu.memory_space<hbm>> -> memref<10000xi32, #tpu.memory_space<hbm>>
      tpu.enqueue_dma source(%dma_start3A_73 : memref<10000xi32, #tpu.memory_space<hbm>>) target(%arg6 : memref<10000xi32, #tpu.memory_space<vmem>>) target_semaphore(%run_scoped3A : memref<!tpu.dma_semaphore, #tpu.memory_space<semaphore_mem>>)
      %dma_wait3A_74 = arith.constant 0 : i32
      %dma_wait3A_75 = tpu.memref_slice %arg3[%arg0, %arg1, %dma_wait3A_74] : memref<2x16x10000xi32, #tpu.memory_space<hbm>> -> memref<1x1x10000xi32, #tpu.memory_space<hbm>>
      %dma_wait3A_76 = tpu.memref_squeeze %dma_wait3A_75 : memref<1x1x10000xi32, #tpu.memory_space<hbm>> -> memref<10000xi32, #tpu.memory_space<hbm>>
      %dma_wait3A_77 = arith.constant 0 : i32
      %dma_wait3A_78 = tpu.memref_slice %arg3[%arg0, %arg1, %dma_wait3A_77] : memref<2x16x10000xi32, #tpu.memory_space<hbm>> -> memref<1x1x10000xi32, #tpu.memory_space<hbm>>
      %dma_wait3A_79 = tpu.memref_squeeze %dma_wait3A_78 : memref<1x1x10000xi32, #tpu.memory_space<hbm>> -> memref<10000xi32, #tpu.memory_space<hbm>>
      tpu.wait_dma2 semaphore(%run_scoped3A : memref<!tpu.dma_semaphore, #tpu.memory_space<semaphore_mem>>) src(%dma_wait3A_79 : memref<10000xi32, #tpu.memory_space<hbm>>) dst(%arg6 : memref<10000xi32, #tpu.memory_space<vmem>>)
      tpu.yield
    }) : () -> ()
    %eq3A = arith.constant 0 : i32
    %eq3A_1 = arith.cmpi eq, %arg0, %eq3A : i32
    %convert_element_type3A = arith.extui %eq3A_1 : i1 to i32
    %cond3A = arith.constant 0 : i32
    %cond3A_2 = arith.cmpi ne, %convert_element_type3A, %cond3A : i32
    scf.if %cond3A_2 {
      "tpu.region"() ({
        %run_scoped3A = tpu.sem_alloc : memref<!tpu.dma_semaphore, #tpu.memory_space<semaphore_mem>>
        %dma_start3A_68 = arith.constant 0 : i32
        %dma_start3A_69 = tpu.memref_slice %arg17[%mul3A_0, %dma_start3A_68] : memref<10240x128xf32, #tpu.memory_space<vmem_shared>> -> memref<640x128xf32, #tpu.memory_space<vmem_shared>>
        %dma_start3A_70 = arith.constant 0 : i32
        %dma_start3A_71 = tpu.memref_slice %arg2[%mul3A_0, %dma_start3A_70] : memref<10240x128xf32, #tpu.memory_space<hbm>> -> memref<640x128xf32, #tpu.memory_space<hbm>>
        tpu.enqueue_dma source(%dma_start3A_71 : memref<640x128xf32, #tpu.memory_space<hbm>>) target(%dma_start3A_69 : memref<640x128xf32, #tpu.memory_space<vmem_shared>>) target_semaphore(%run_scoped3A : memref<!tpu.dma_semaphore, #tpu.memory_space<semaphore_mem>>)
        %dma_wait3A_72 = arith.constant 0 : i32
        %dma_wait3A_73 = tpu.memref_slice %arg17[%mul3A_0, %dma_wait3A_72] : memref<10240x128xf32, #tpu.memory_space<vmem_shared>> -> memref<640x128xf32, #tpu.memory_space<vmem_shared>>
        %dma_wait3A_74 = arith.constant 0 : i32
        %dma_wait3A_75 = tpu.memref_slice %arg2[%mul3A_0, %dma_wait3A_74] : memref<10240x128xf32, #tpu.memory_space<hbm>> -> memref<640x128xf32, #tpu.memory_space<hbm>>
        tpu.wait_dma2 semaphore(%run_scoped3A : memref<!tpu.dma_semaphore, #tpu.memory_space<semaphore_mem>>) src(%dma_wait3A_75 : memref<640x128xf32, #tpu.memory_space<hbm>>) dst(%dma_wait3A_73 : memref<640x128xf32, #tpu.memory_space<vmem_shared>>)
        tpu.yield
      }) : () -> ()
    } else {
    }
    %eq3A_3 = arith.constant 1 : i32
    %eq3A_4 = arith.cmpi eq, %arg0, %eq3A_3 : i32
    %convert_element_type3A_5 = arith.extui %eq3A_4 : i1 to i32
    %cond3A_6 = arith.constant 0 : i32
    %cond3A_7 = arith.cmpi ne, %convert_element_type3A_5, %cond3A_6 : i32
    scf.if %cond3A_7 {
      %scan3A_68 = arith.constant 0 : i32
      %scan3A_69 = arith.constant 0 : i32
      %scan3A_70 = arith.constant 640 : i32
      %scan3A_71 = arith.addi %scan3A_69, %scan3A_70 : i32
      %scan3A_72 = arith.constant 1 : i32
      %scan3A_73 = scf.for %scan3A_90 = %scan3A_69 to %scan3A_71 step %scan3A_72 iter_args(%scan3A_91 = %scan3A_68) -> (i32)  : i32 {
        %broadcast_in_dim3A = arith.constant 0.000000e+00 : f32
        %broadcast_in_dim3A_92 = vector.broadcast %broadcast_in_dim3A : f32 to vector<16xf32>
        %jit3A = arith.constant 8 : i32
        %div3A = arith.divsi %scan3A_90, %jit3A : i32
        %sign3A = arith.constant 0 : i32
        %sign3A_93 = arith.cmpi sgt, %scan3A_90, %sign3A : i32
        %sign3A_94 = arith.extui %sign3A_93 : i1 to i32
        %sign3A_95 = arith.constant 0 : i32
        %sign3A_96 = arith.cmpi slt, %scan3A_90, %sign3A_95 : i32
        %sign3A_97 = arith.extui %sign3A_96 : i1 to i32
        %sign3A_98 = arith.subi %sign3A_94, %sign3A_97 : i32
        %sign3A_99 = arith.constant 0 : i32
        %sign3A_100 = arith.cmpi sgt, %jit3A, %sign3A_99 : i32
        %sign3A_101 = arith.extui %sign3A_100 : i1 to i32
        %sign3A_102 = arith.constant 0 : i32
        %sign3A_103 = arith.cmpi slt, %jit3A, %sign3A_102 : i32
        %sign3A_104 = arith.extui %sign3A_103 : i1 to i32
        %sign3A_105 = arith.subi %sign3A_101, %sign3A_104 : i32
        %ne3A = arith.cmpi ne, %sign3A_98, %sign3A_105 : i32
        %rem3A = arith.remsi %scan3A_90, %jit3A : i32
        %ne3A_106 = arith.constant 0 : i32
        %ne3A_107 = arith.cmpi ne, %rem3A, %ne3A_106 : i32
        %and3A = arith.andi %ne3A, %ne3A_107 : i1
        %sub3A = arith.constant 1 : i32
        %sub3A_108 = arith.subi %div3A, %sub3A : i32
        %select_n3A = arith.select %and3A, %sub3A_108, %div3A : i32
        %jit3A_109 = arith.constant 8 : i32
        %eq3A_110 = arith.constant 0 : i32
        %eq3A_111 = arith.cmpi eq, %jit3A_109, %eq3A_110 : i32
        %jit3A_112 = arith.constant 1 : i32
        %select_n3A_113 = arith.select %eq3A_111, %jit3A_112, %jit3A_109 : i32
        %rem3A_114 = arith.remsi %scan3A_90, %select_n3A_113 : i32
        %ne3A_115 = arith.constant 0 : i32
        %ne3A_116 = arith.cmpi ne, %rem3A_114, %ne3A_115 : i32
        %lt3A = arith.constant 0 : i32
        %lt3A_117 = arith.cmpi slt, %rem3A_114, %lt3A : i32
        %lt3A_118 = arith.constant 0 : i32
        %lt3A_119 = arith.cmpi slt, %select_n3A_113, %lt3A_118 : i32
        %ne3A_120 = arith.xori %lt3A_117, %lt3A_119 : i1
        %and3A_121 = arith.andi %ne3A_120, %ne3A_116 : i1
        %add3A_122 = arith.addi %rem3A_114, %select_n3A_113 : i32
        %select_n3A_123 = arith.select %and3A_121, %add3A_122, %rem3A_114 : i32
        %mul3A_124 = arith.constant 16 : i32
        %mul3A_125 = arith.muli %select_n3A_123, %mul3A_124 : i32
        %swap3A = arith.index_cast %select_n3A : i32 to index
        %swap3A_126 = arith.index_cast %mul3A_125 : i32 to index
        %swap3A_127 = tpu.vector_load %arg8[%swap3A, %swap3A_126] {strides = array<i32>} : memref<80x128xf32, #tpu.memory_space<vmem>>, vector<1x16xf32>,
        %swap3A_128 = vector.shape_cast %swap3A_127 : vector<1x16xf32> to vector<16xf32>
        %swap3A_129 = vector.shape_cast %broadcast_in_dim3A_92 : vector<16xf32> to vector<1x16xf32>
        tpu.vector_store %arg8[%swap3A, %swap3A_126], %swap3A_129 {strides = array<i32>} : memref<80x128xf32, #tpu.memory_space<vmem>>, vector<1x16xf32>,
        %scan3A_130 = arith.constant 0 : i32
        scf.yield %scan3A_130 : i32
      }
      %scan3A_74 = arith.constant 640 : i32
      %add3A = arith.constant 0 : i32
      %add3A_75 = arith.addi %mul3A_0, %add3A : i32
      "tpu.region"() ({
        %run_scoped3A = tpu.sem_alloc : memref<!tpu.dma_semaphore, #tpu.memory_space<semaphore_mem>>
        %dma_start3A_90 = arith.constant 0 : i32
        %dma_start3A_91 = tpu.memref_slice %arg17[%add3A_75, %dma_start3A_90] : memref<10240x128xf32, #tpu.memory_space<vmem_shared>> -> memref<80x128xf32, #tpu.memory_space<vmem_shared>>
        %dma_start3A_92 = arith.constant 0 : i32
        %dma_start3A_93 = tpu.memref_slice %arg17[%add3A_75, %dma_start3A_92] : memref<10240x128xf32, #tpu.memory_space<vmem_shared>> -> memref<80x128xf32, #tpu.memory_space<vmem_shared>>
        tpu.enqueue_dma source(%arg8 : memref<80x128xf32, #tpu.memory_space<vmem>>) target(%dma_start3A_93 : memref<80x128xf32, #tpu.memory_space<vmem_shared>>) target_semaphore(%run_scoped3A : memref<!tpu.dma_semaphore, #tpu.memory_space<semaphore_mem>>)
        %dma_wait3A_94 = arith.constant 0 : i32
        %dma_wait3A_95 = tpu.memref_slice %arg17[%add3A_75, %dma_wait3A_94] : memref<10240x128xf32, #tpu.memory_space<vmem_shared>> -> memref<80x128xf32, #tpu.memory_space<vmem_shared>>
        %dma_wait3A_96 = arith.constant 0 : i32
        %dma_wait3A_97 = tpu.memref_slice %arg17[%add3A_75, %dma_wait3A_96] : memref<10240x128xf32, #tpu.memory_space<vmem_shared>> -> memref<80x128xf32, #tpu.memory_space<vmem_shared>>
        tpu.wait_dma2 semaphore(%run_scoped3A : memref<!tpu.dma_semaphore, #tpu.memory_space<semaphore_mem>>) src(%arg8 : memref<80x128xf32, #tpu.memory_space<vmem>>) dst(%dma_wait3A_97 : memref<80x128xf32, #tpu.memory_space<vmem_shared>>)
        tpu.yield
      }) : () -> ()
      %add3A_76 = arith.constant 80 : i32
      %add3A_77 = arith.addi %mul3A_0, %add3A_76 : i32
      "tpu.region"() ({
        %run_scoped3A = tpu.sem_alloc : memref<!tpu.dma_semaphore, #tpu.memory_space<semaphore_mem>>
        %dma_start3A_90 = arith.constant 0 : i32
        %dma_start3A_91 = tpu.memref_slice %arg17[%add3A_77, %dma_start3A_90] : memref<10240x128xf32, #tpu.memory_space<vmem_shared>> -> memref<80x128xf32, #tpu.memory_space<vmem_shared>>
        %dma_start3A_92 = arith.constant 0 : i32
        %dma_start3A_93 = tpu.memref_slice %arg17[%add3A_77, %dma_start3A_92] : memref<10240x128xf32, #tpu.memory_space<vmem_shared>> -> memref<80x128xf32, #tpu.memory_space<vmem_shared>>
        tpu.enqueue_dma source(%arg8 : memref<80x128xf32, #tpu.memory_space<vmem>>) target(%dma_start3A_93 : memref<80x128xf32, #tpu.memory_space<vmem_shared>>) target_semaphore(%run_scoped3A : memref<!tpu.dma_semaphore, #tpu.memory_space<semaphore_mem>>)
        %dma_wait3A_94 = arith.constant 0 : i32
        %dma_wait3A_95 = tpu.memref_slice %arg17[%add3A_77, %dma_wait3A_94] : memref<10240x128xf32, #tpu.memory_space<vmem_shared>> -> memref<80x128xf32, #tpu.memory_space<vmem_shared>>
        %dma_wait3A_96 = arith.constant 0 : i32
        %dma_wait3A_97 = tpu.memref_slice %arg17[%add3A_77, %dma_wait3A_96] : memref<10240x128xf32, #tpu.memory_space<vmem_shared>> -> memref<80x128xf32, #tpu.memory_space<vmem_shared>>
        tpu.wait_dma2 semaphore(%run_scoped3A : memref<!tpu.dma_semaphore, #tpu.memory_space<semaphore_mem>>) src(%arg8 : memref<80x128xf32, #tpu.memory_space<vmem>>) dst(%dma_wait3A_97 : memref<80x128xf32, #tpu.memory_space<vmem_shared>>)
        tpu.yield
      }) : () -> ()
      %add3A_78 = arith.constant 160 : i32
      %add3A_79 = arith.addi %mul3A_0, %add3A_78 : i32
      "tpu.region"() ({
        %run_scoped3A = tpu.sem_alloc : memref<!tpu.dma_semaphore, #tpu.memory_space<semaphore_mem>>
        %dma_start3A_90 = arith.constant 0 : i32
        %dma_start3A_91 = tpu.memref_slice %arg17[%add3A_79, %dma_start3A_90] : memref<10240x128xf32, #tpu.memory_space<vmem_shared>> -> memref<80x128xf32, #tpu.memory_space<vmem_shared>>
        %dma_start3A_92 = arith.constant 0 : i32
        %dma_start3A_93 = tpu.memref_slice %arg17[%add3A_79, %dma_start3A_92] : memref<10240x128xf32, #tpu.memory_space<vmem_shared>> -> memref<80x128xf32, #tpu.memory_space<vmem_shared>>
        tpu.enqueue_dma source(%arg8 : memref<80x128xf32, #tpu.memory_space<vmem>>) target(%dma_start3A_93 : memref<80x128xf32, #tpu.memory_space<vmem_shared>>) target_semaphore(%run_scoped3A : memref<!tpu.dma_semaphore, #tpu.memory_space<semaphore_mem>>)
        %dma_wait3A_94 = arith.constant 0 : i32
        %dma_wait3A_95 = tpu.memref_slice %arg17[%add3A_79, %dma_wait3A_94] : memref<10240x128xf32, #tpu.memory_space<vmem_shared>> -> memref<80x128xf32, #tpu.memory_space<vmem_shared>>
        %dma_wait3A_96 = arith.constant 0 : i32
        %dma_wait3A_97 = tpu.memref_slice %arg17[%add3A_79, %dma_wait3A_96] : memref<10240x128xf32, #tpu.memory_space<vmem_shared>> -> memref<80x128xf32, #tpu.memory_space<vmem_shared>>
        tpu.wait_dma2 semaphore(%run_scoped3A : memref<!tpu.dma_semaphore, #tpu.memory_space<semaphore_mem>>) src(%arg8 : memref<80x128xf32, #tpu.memory_space<vmem>>) dst(%dma_wait3A_97 : memref<80x128xf32, #tpu.memory_space<vmem_shared>>)
        tpu.yield
      }) : () -> ()
      %add3A_80 = arith.constant 240 : i32
      %add3A_81 = arith.addi %mul3A_0, %add3A_80 : i32
      "tpu.region"() ({
        %run_scoped3A = tpu.sem_alloc : memref<!tpu.dma_semaphore, #tpu.memory_space<semaphore_mem>>
        %dma_start3A_90 = arith.constant 0 : i32
        %dma_start3A_91 = tpu.memref_slice %arg17[%add3A_81, %dma_start3A_90] : memref<10240x128xf32, #tpu.memory_space<vmem_shared>> -> memref<80x128xf32, #tpu.memory_space<vmem_shared>>
        %dma_start3A_92 = arith.constant 0 : i32
        %dma_start3A_93 = tpu.memref_slice %arg17[%add3A_81, %dma_start3A_92] : memref<10240x128xf32, #tpu.memory_space<vmem_shared>> -> memref<80x128xf32, #tpu.memory_space<vmem_shared>>
        tpu.enqueue_dma source(%arg8 : memref<80x128xf32, #tpu.memory_space<vmem>>) target(%dma_start3A_93 : memref<80x128xf32, #tpu.memory_space<vmem_shared>>) target_semaphore(%run_scoped3A : memref<!tpu.dma_semaphore, #tpu.memory_space<semaphore_mem>>)
        %dma_wait3A_94 = arith.constant 0 : i32
        %dma_wait3A_95 = tpu.memref_slice %arg17[%add3A_81, %dma_wait3A_94] : memref<10240x128xf32, #tpu.memory_space<vmem_shared>> -> memref<80x128xf32, #tpu.memory_space<vmem_shared>>
        %dma_wait3A_96 = arith.constant 0 : i32
        %dma_wait3A_97 = tpu.memref_slice %arg17[%add3A_81, %dma_wait3A_96] : memref<10240x128xf32, #tpu.memory_space<vmem_shared>> -> memref<80x128xf32, #tpu.memory_space<vmem_shared>>
        tpu.wait_dma2 semaphore(%run_scoped3A : memref<!tpu.dma_semaphore, #tpu.memory_space<semaphore_mem>>) src(%arg8 : memref<80x128xf32, #tpu.memory_space<vmem>>) dst(%dma_wait3A_97 : memref<80x128xf32, #tpu.memory_space<vmem_shared>>)
        tpu.yield
      }) : () -> ()
      %add3A_82 = arith.constant 320 : i32
      %add3A_83 = arith.addi %mul3A_0, %add3A_82 : i32
      "tpu.region"() ({
        %run_scoped3A = tpu.sem_alloc : memref<!tpu.dma_semaphore, #tpu.memory_space<semaphore_mem>>
        %dma_start3A_90 = arith.constant 0 : i32
        %dma_start3A_91 = tpu.memref_slice %arg17[%add3A_83, %dma_start3A_90] : memref<10240x128xf32, #tpu.memory_space<vmem_shared>> -> memref<80x128xf32, #tpu.memory_space<vmem_shared>>
        %dma_start3A_92 = arith.constant 0 : i32
        %dma_start3A_93 = tpu.memref_slice %arg17[%add3A_83, %dma_start3A_92] : memref<10240x128xf32, #tpu.memory_space<vmem_shared>> -> memref<80x128xf32, #tpu.memory_space<vmem_shared>>
        tpu.enqueue_dma source(%arg8 : memref<80x128xf32, #tpu.memory_space<vmem>>) target(%dma_start3A_93 : memref<80x128xf32, #tpu.memory_space<vmem_shared>>) target_semaphore(%run_scoped3A : memref<!tpu.dma_semaphore, #tpu.memory_space<semaphore_mem>>)
        %dma_wait3A_94 = arith.constant 0 : i32
        %dma_wait3A_95 = tpu.memref_slice %arg17[%add3A_83, %dma_wait3A_94] : memref<10240x128xf32, #tpu.memory_space<vmem_shared>> -> memref<80x128xf32, #tpu.memory_space<vmem_shared>>
        %dma_wait3A_96 = arith.constant 0 : i32
        %dma_wait3A_97 = tpu.memref_slice %arg17[%add3A_83, %dma_wait3A_96] : memref<10240x128xf32, #tpu.memory_space<vmem_shared>> -> memref<80x128xf32, #tpu.memory_space<vmem_shared>>
        tpu.wait_dma2 semaphore(%run_scoped3A : memref<!tpu.dma_semaphore, #tpu.memory_space<semaphore_mem>>) src(%arg8 : memref<80x128xf32, #tpu.memory_space<vmem>>) dst(%dma_wait3A_97 : memref<80x128xf32, #tpu.memory_space<vmem_shared>>)
        tpu.yield
      }) : () -> ()
      %add3A_84 = arith.constant 400 : i32
      %add3A_85 = arith.addi %mul3A_0, %add3A_84 : i32
      "tpu.region"() ({
        %run_scoped3A = tpu.sem_alloc : memref<!tpu.dma_semaphore, #tpu.memory_space<semaphore_mem>>
        %dma_start3A_90 = arith.constant 0 : i32
        %dma_start3A_91 = tpu.memref_slice %arg17[%add3A_85, %dma_start3A_90] : memref<10240x128xf32, #tpu.memory_space<vmem_shared>> -> memref<80x128xf32, #tpu.memory_space<vmem_shared>>
        %dma_start3A_92 = arith.constant 0 : i32
        %dma_start3A_93 = tpu.memref_slice %arg17[%add3A_85, %dma_start3A_92] : memref<10240x128xf32, #tpu.memory_space<vmem_shared>> -> memref<80x128xf32, #tpu.memory_space<vmem_shared>>
        tpu.enqueue_dma source(%arg8 : memref<80x128xf32, #tpu.memory_space<vmem>>) target(%dma_start3A_93 : memref<80x128xf32, #tpu.memory_space<vmem_shared>>) target_semaphore(%run_scoped3A : memref<!tpu.dma_semaphore, #tpu.memory_space<semaphore_mem>>)
        %dma_wait3A_94 = arith.constant 0 : i32
        %dma_wait3A_95 = tpu.memref_slice %arg17[%add3A_85, %dma_wait3A_94] : memref<10240x128xf32, #tpu.memory_space<vmem_shared>> -> memref<80x128xf32, #tpu.memory_space<vmem_shared>>
        %dma_wait3A_96 = arith.constant 0 : i32
        %dma_wait3A_97 = tpu.memref_slice %arg17[%add3A_85, %dma_wait3A_96] : memref<10240x128xf32, #tpu.memory_space<vmem_shared>> -> memref<80x128xf32, #tpu.memory_space<vmem_shared>>
        tpu.wait_dma2 semaphore(%run_scoped3A : memref<!tpu.dma_semaphore, #tpu.memory_space<semaphore_mem>>) src(%arg8 : memref<80x128xf32, #tpu.memory_space<vmem>>) dst(%dma_wait3A_97 : memref<80x128xf32, #tpu.memory_space<vmem_shared>>)
        tpu.yield
      }) : () -> ()
      %add3A_86 = arith.constant 480 : i32
      %add3A_87 = arith.addi %mul3A_0, %add3A_86 : i32
      "tpu.region"() ({
        %run_scoped3A = tpu.sem_alloc : memref<!tpu.dma_semaphore, #tpu.memory_space<semaphore_mem>>
        %dma_start3A_90 = arith.constant 0 : i32
        %dma_start3A_91 = tpu.memref_slice %arg17[%add3A_87, %dma_start3A_90] : memref<10240x128xf32, #tpu.memory_space<vmem_shared>> -> memref<80x128xf32, #tpu.memory_space<vmem_shared>>
        %dma_start3A_92 = arith.constant 0 : i32
        %dma_start3A_93 = tpu.memref_slice %arg17[%add3A_87, %dma_start3A_92] : memref<10240x128xf32, #tpu.memory_space<vmem_shared>> -> memref<80x128xf32, #tpu.memory_space<vmem_shared>>
        tpu.enqueue_dma source(%arg8 : memref<80x128xf32, #tpu.memory_space<vmem>>) target(%dma_start3A_93 : memref<80x128xf32, #tpu.memory_space<vmem_shared>>) target_semaphore(%run_scoped3A : memref<!tpu.dma_semaphore, #tpu.memory_space<semaphore_mem>>)
        %dma_wait3A_94 = arith.constant 0 : i32
        %dma_wait3A_95 = tpu.memref_slice %arg17[%add3A_87, %dma_wait3A_94] : memref<10240x128xf32, #tpu.memory_space<vmem_shared>> -> memref<80x128xf32, #tpu.memory_space<vmem_shared>>
        %dma_wait3A_96 = arith.constant 0 : i32
        %dma_wait3A_97 = tpu.memref_slice %arg17[%add3A_87, %dma_wait3A_96] : memref<10240x128xf32, #tpu.memory_space<vmem_shared>> -> memref<80x128xf32, #tpu.memory_space<vmem_shared>>
        tpu.wait_dma2 semaphore(%run_scoped3A : memref<!tpu.dma_semaphore, #tpu.memory_space<semaphore_mem>>) src(%arg8 : memref<80x128xf32, #tpu.memory_space<vmem>>) dst(%dma_wait3A_97 : memref<80x128xf32, #tpu.memory_space<vmem_shared>>)
        tpu.yield
      }) : () -> ()
      %add3A_88 = arith.constant 560 : i32
      %add3A_89 = arith.addi %mul3A_0, %add3A_88 : i32
      "tpu.region"() ({
        %run_scoped3A = tpu.sem_alloc : memref<!tpu.dma_semaphore, #tpu.memory_space<semaphore_mem>>
        %dma_start3A_90 = arith.constant 0 : i32
        %dma_start3A_91 = tpu.memref_slice %arg17[%add3A_89, %dma_start3A_90] : memref<10240x128xf32, #tpu.memory_space<vmem_shared>> -> memref<80x128xf32, #tpu.memory_space<vmem_shared>>
        %dma_start3A_92 = arith.constant 0 : i32
        %dma_start3A_93 = tpu.memref_slice %arg17[%add3A_89, %dma_start3A_92] : memref<10240x128xf32, #tpu.memory_space<vmem_shared>> -> memref<80x128xf32, #tpu.memory_space<vmem_shared>>
        tpu.enqueue_dma source(%arg8 : memref<80x128xf32, #tpu.memory_space<vmem>>) target(%dma_start3A_93 : memref<80x128xf32, #tpu.memory_space<vmem_shared>>) target_semaphore(%run_scoped3A : memref<!tpu.dma_semaphore, #tpu.memory_space<semaphore_mem>>)
        %dma_wait3A_94 = arith.constant 0 : i32
        %dma_wait3A_95 = tpu.memref_slice %arg17[%add3A_89, %dma_wait3A_94] : memref<10240x128xf32, #tpu.memory_space<vmem_shared>> -> memref<80x128xf32, #tpu.memory_space<vmem_shared>>
        %dma_wait3A_96 = arith.constant 0 : i32
        %dma_wait3A_97 = tpu.memref_slice %arg17[%add3A_89, %dma_wait3A_96] : memref<10240x128xf32, #tpu.memory_space<vmem_shared>> -> memref<80x128xf32, #tpu.memory_space<vmem_shared>>
        tpu.wait_dma2 semaphore(%run_scoped3A : memref<!tpu.dma_semaphore, #tpu.memory_space<semaphore_mem>>) src(%arg8 : memref<80x128xf32, #tpu.memory_space<vmem>>) dst(%dma_wait3A_97 : memref<80x128xf32, #tpu.memory_space<vmem_shared>>)
        tpu.yield
      }) : () -> ()
    } else {
    }
    %barrier3A = arith.constant 0 : index
    tpu.barrier barrier_id(%barrier3A)
    %dma_start3A = arith.constant 0 : i32
    %dma_start3A_8 = tpu.memref_slice %arg6[%dma_start3A] : memref<10000xi32, #tpu.memory_space<vmem>> -> memref<80xi32, #tpu.memory_space<vmem>>
    %dma_start3A_9 = arith.constant 0 : i32
    %dma_start3A_10 = arith.constant 0 : i32
    %dma_start3A_11 = tpu.memref_slice %arg2[%dma_start3A_9, %dma_start3A_10] : memref<10240x128xf32, #tpu.memory_space<hbm>> -> memref<10240x128xf32, #tpu.memory_space<hbm>>
    tpu.enqueue_indirect_dma source(%dma_start3A_11 : memref<10240x128xf32, #tpu.memory_space<hbm>>) target(%arg8 : memref<80x128xf32, #tpu.memory_space<vmem>>) offsets(%dma_start3A_8 : memref<80xi32, #tpu.memory_space<vmem>>) semaphore(%arg11 : memref<!tpu.dma_semaphore, #tpu.memory_space<semaphore_mem>>)
    %dma_start3A_12 = arith.constant 80 : i32
    %dma_start3A_13 = tpu.memref_slice %arg6[%dma_start3A_12] : memref<10000xi32, #tpu.memory_space<vmem>> -> memref<80xi32, #tpu.memory_space<vmem>>
    %dma_start3A_14 = arith.constant 0 : i32
    %dma_start3A_15 = arith.constant 0 : i32
    %dma_start3A_16 = tpu.memref_slice %arg2[%dma_start3A_14, %dma_start3A_15] : memref<10240x128xf32, #tpu.memory_space<hbm>> -> memref<10240x128xf32, #tpu.memory_space<hbm>>
    tpu.enqueue_indirect_dma source(%dma_start3A_16 : memref<10240x128xf32, #tpu.memory_space<hbm>>) target(%arg9 : memref<80x128xf32, #tpu.memory_space<vmem>>) offsets(%dma_start3A_13 : memref<80xi32, #tpu.memory_space<vmem>>) semaphore(%arg12 : memref<!tpu.dma_semaphore, #tpu.memory_space<semaphore_mem>>)
    %scan3A = arith.constant 0 : i32
    %scan3A_17 = arith.constant 0 : i32
    %scan3A_18 = arith.constant 41 : i32
    %scan3A_19 = arith.addi %scan3A_17, %scan3A_18 : i32
    %scan3A_20 = arith.constant 1 : i32
    %scan3A_21 = scf.for %scan3A_68 = %scan3A_17 to %scan3A_19 step %scan3A_20 iter_args(%scan3A_69 = %scan3A) -> (i32)  : i32 {
      %mul3A_70 = arith.constant 3 : i32
      %mul3A_71 = arith.muli %mul3A_70, %scan3A_68 : i32
      %jit3A = arith.constant 8 : i32
      %eq3A_72 = arith.constant 0 : i32
      %eq3A_73 = arith.cmpi eq, %jit3A, %eq3A_72 : i32
      %jit3A_74 = arith.constant 1 : i32
      %select_n3A = arith.select %eq3A_73, %jit3A_74, %jit3A : i32
      %rem3A = arith.remsi %scan3A_68, %select_n3A : i32
      %ne3A = arith.constant 0 : i32
      %ne3A_75 = arith.cmpi ne, %rem3A, %ne3A : i32
      %lt3A = arith.constant 0 : i32
      %lt3A_76 = arith.cmpi slt, %rem3A, %lt3A : i32
      %lt3A_77 = arith.constant 0 : i32
      %lt3A_78 = arith.cmpi slt, %select_n3A, %lt3A_77 : i32
      %ne3A_79 = arith.xori %lt3A_76, %lt3A_78 : i1
      %and3A = arith.andi %ne3A_79, %ne3A_75 : i1
      %add3A = arith.addi %rem3A, %select_n3A : i32
      %select_n3A_80 = arith.select %and3A, %add3A, %rem3A : i32
      %gt3A = arith.constant 0 : i32
      %gt3A_81 = arith.cmpi sgt, %scan3A_68, %gt3A : i32
      %convert_element_type3A_82 = arith.extui %gt3A_81 : i1 to i32
      %cond3A_83 = arith.constant 0 : i32
      %cond3A_84 = arith.cmpi ne, %convert_element_type3A_82, %cond3A_83 : i32
      scf.if %cond3A_84 {
        %dma_wait3A_189 = arith.constant 0 : i32
        %dma_wait3A_190 = arith.constant 0 : i32
        %dma_wait3A_191 = tpu.memref_slice %arg7[%dma_wait3A_189, %dma_wait3A_190] : memref<24x80xi32, #tpu.memory_space<vmem>> -> memref<1x80xi32, #tpu.memory_space<vmem>>
        %dma_wait3A_192 = tpu.memref_squeeze %dma_wait3A_191 : memref<1x80xi32, #tpu.memory_space<vmem>> -> memref<80xi32, #tpu.memory_space<vmem>>
        %dma_wait3A_193 = arith.constant 0 : i32
        %dma_wait3A_194 = arith.constant 0 : i32
        %dma_wait3A_195 = tpu.memref_slice %arg17[%dma_wait3A_193, %dma_wait3A_194] : memref<10240x128xf32, #tpu.memory_space<vmem_shared>> -> memref<10240x128xf32, #tpu.memory_space<vmem_shared>>
        tpu.wait_indirect_dma semaphore(%arg16 : memref<!tpu.dma_semaphore, #tpu.memory_space<semaphore_mem>>) src(%arg10 : memref<80x128xf32, #tpu.memory_space<vmem>>) dst(%dma_wait3A_195 : memref<10240x128xf32, #tpu.memory_space<vmem_shared>>)
      } else {
      }
      %eq3A_85 = arith.constant 0 : i32
      %eq3A_86 = arith.cmpi eq, %select_n3A_80, %eq3A_85 : i32
      %convert_element_type3A_87 = arith.extui %eq3A_86 : i1 to i32
      %cond3A_88 = arith.constant 0 : i32
      %cond3A_89 = arith.cmpi ne, %convert_element_type3A_87, %cond3A_88 : i32
      scf.if %cond3A_89 {
        %jit3A_189 = arith.constant 8 : i32
        %div3A = arith.divsi %scan3A_68, %jit3A_189 : i32
        %sign3A = arith.constant 0 : i32
        %sign3A_190 = arith.cmpi sgt, %scan3A_68, %sign3A : i32
        %sign3A_191 = arith.extui %sign3A_190 : i1 to i32
        %sign3A_192 = arith.constant 0 : i32
        %sign3A_193 = arith.cmpi slt, %scan3A_68, %sign3A_192 : i32
        %sign3A_194 = arith.extui %sign3A_193 : i1 to i32
        %sign3A_195 = arith.subi %sign3A_191, %sign3A_194 : i32
        %sign3A_196 = arith.constant 0 : i32
        %sign3A_197 = arith.cmpi sgt, %jit3A_189, %sign3A_196 : i32
        %sign3A_198 = arith.extui %sign3A_197 : i1 to i32
        %sign3A_199 = arith.constant 0 : i32
        %sign3A_200 = arith.cmpi slt, %jit3A_189, %sign3A_199 : i32
        %sign3A_201 = arith.extui %sign3A_200 : i1 to i32
        %sign3A_202 = arith.subi %sign3A_198, %sign3A_201 : i32
        %ne3A_203 = arith.cmpi ne, %sign3A_195, %sign3A_202 : i32
        %rem3A_204 = arith.remsi %scan3A_68, %jit3A_189 : i32
        %ne3A_205 = arith.constant 0 : i32
        %ne3A_206 = arith.cmpi ne, %rem3A_204, %ne3A_205 : i32
        %and3A_207 = arith.andi %ne3A_203, %ne3A_206 : i1
        %sub3A = arith.constant 1 : i32
        %sub3A_208 = arith.subi %div3A, %sub3A : i32
        %select_n3A_209 = arith.select %and3A_207, %sub3A_208, %div3A : i32
        %mul3A_210 = arith.constant 24 : i32
        %mul3A_211 = arith.muli %select_n3A_209, %mul3A_210 : i32
        "tpu.region"() ({
          %run_scoped3A = tpu.sem_alloc : memref<!tpu.dma_semaphore, #tpu.memory_space<semaphore_mem>>
          %dma_start3A_212 = arith.constant 0 : i32
          %dma_start3A_213 = tpu.memref_slice %arg4[%arg0, %arg1, %mul3A_211, %dma_start3A_212] : memref<2x16x144x80xi32, #tpu.memory_space<hbm>> -> memref<1x1x24x80xi32, #tpu.memory_space<hbm>>
          %dma_start3A_214 = tpu.memref_squeeze %dma_start3A_213 : memref<1x1x24x80xi32, #tpu.memory_space<hbm>> -> memref<24x80xi32, #tpu.memory_space<hbm>>
          %dma_start3A_215 = arith.constant 0 : i32
          %dma_start3A_216 = tpu.memref_slice %arg4[%arg0, %arg1, %mul3A_211, %dma_start3A_215] : memref<2x16x144x80xi32, #tpu.memory_space<hbm>> -> memref<1x1x24x80xi32, #tpu.memory_space<hbm>>
          %dma_start3A_217 = tpu.memref_squeeze %dma_start3A_216 : memref<1x1x24x80xi32, #tpu.memory_space<hbm>> -> memref<24x80xi32, #tpu.memory_space<hbm>>
          tpu.enqueue_dma source(%dma_start3A_217 : memref<24x80xi32, #tpu.memory_space<hbm>>) target(%arg7 : memref<24x80xi32, #tpu.memory_space<vmem>>) target_semaphore(%run_scoped3A : memref<!tpu.dma_semaphore, #tpu.memory_space<semaphore_mem>>)
          %dma_wait3A_218 = arith.constant 0 : i32
          %dma_wait3A_219 = tpu.memref_slice %arg4[%arg0, %arg1, %mul3A_211, %dma_wait3A_218] : memref<2x16x144x80xi32, #tpu.memory_space<hbm>> -> memref<1x1x24x80xi32, #tpu.memory_space<hbm>>
          %dma_wait3A_220 = tpu.memref_squeeze %dma_wait3A_219 : memref<1x1x24x80xi32, #tpu.memory_space<hbm>> -> memref<24x80xi32, #tpu.memory_space<hbm>>
          %dma_wait3A_221 = arith.constant 0 : i32
          %dma_wait3A_222 = tpu.memref_slice %arg4[%arg0, %arg1, %mul3A_211, %dma_wait3A_221] : memref<2x16x144x80xi32, #tpu.memory_space<hbm>> -> memref<1x1x24x80xi32, #tpu.memory_space<hbm>>
          %dma_wait3A_223 = tpu.memref_squeeze %dma_wait3A_222 : memref<1x1x24x80xi32, #tpu.memory_space<hbm>> -> memref<24x80xi32, #tpu.memory_space<hbm>>
          tpu.wait_dma2 semaphore(%run_scoped3A : memref<!tpu.dma_semaphore, #tpu.memory_space<semaphore_mem>>) src(%dma_wait3A_223 : memref<24x80xi32, #tpu.memory_space<hbm>>) dst(%arg7 : memref<24x80xi32, #tpu.memory_space<vmem>>)
          tpu.yield
        }) : () -> ()
      } else {
      }
      %add3A_90 = arith.constant 0 : i32
      %add3A_91 = arith.addi %mul3A_71, %add3A_90 : i32
      %mul3A_92 = arith.constant 80 : i32
      %mul3A_93 = arith.muli %add3A_91, %mul3A_92 : i32
      %dma_wait3A_94 = tpu.memref_slice %arg6[%mul3A_93] : memref<10000xi32, #tpu.memory_space<vmem>> -> memref<80xi32, #tpu.memory_space<vmem>>
      %dma_wait3A_95 = arith.constant 0 : i32
      %dma_wait3A_96 = arith.constant 0 : i32
      %dma_wait3A_97 = tpu.memref_slice %arg2[%dma_wait3A_95, %dma_wait3A_96] : memref<10240x128xf32, #tpu.memory_space<hbm>> -> memref<10240x128xf32, #tpu.memory_space<hbm>>
      tpu.wait_indirect_dma semaphore(%arg11 : memref<!tpu.dma_semaphore, #tpu.memory_space<semaphore_mem>>) src(%dma_wait3A_97 : memref<10240x128xf32, #tpu.memory_space<hbm>>) dst(%arg8 : memref<80x128xf32, #tpu.memory_space<vmem>>)
      %mul3A_98 = arith.constant 3 : i32
      %mul3A_99 = arith.muli %mul3A_98, %select_n3A_80 : i32
      %add3A_100 = arith.constant 0 : i32
      %add3A_101 = arith.addi %mul3A_99, %add3A_100 : i32
      %dma_start3A_102 = arith.constant 0 : i32
      %dma_start3A_103 = tpu.memref_slice %arg7[%add3A_101, %dma_start3A_102] : memref<24x80xi32, #tpu.memory_space<vmem>> -> memref<1x80xi32, #tpu.memory_space<vmem>>
      %dma_start3A_104 = tpu.memref_squeeze %dma_start3A_103 : memref<1x80xi32, #tpu.memory_space<vmem>> -> memref<80xi32, #tpu.memory_space<vmem>>
      %dma_start3A_105 = arith.constant 0 : i32
      %dma_start3A_106 = arith.constant 0 : i32
      %dma_start3A_107 = tpu.memref_slice %arg17[%dma_start3A_105, %dma_start3A_106] : memref<10240x128xf32, #tpu.memory_space<vmem_shared>> -> memref<10240x128xf32, #tpu.memory_space<vmem_shared>>
      tpu.enqueue_indirect_dma source(%arg8 : memref<80x128xf32, #tpu.memory_space<vmem>>) target(%dma_start3A_107 : memref<10240x128xf32, #tpu.memory_space<vmem_shared>>) offsets(%dma_start3A_104 : memref<80xi32, #tpu.memory_space<vmem>>) semaphore(%arg14 : memref<!tpu.dma_semaphore, #tpu.memory_space<semaphore_mem>>) {add = true}
      %add3A_108 = arith.constant 0 : i32
      %add3A_109 = arith.addi %mul3A_71, %add3A_108 : i32
      %add3A_110 = arith.constant 2 : i32
      %add3A_111 = arith.addi %add3A_109, %add3A_110 : i32
      %mul3A_112 = arith.constant 80 : i32
      %mul3A_113 = arith.muli %add3A_111, %mul3A_112 : i32
      %dma_start3A_114 = tpu.memref_slice %arg6[%mul3A_113] : memref<10000xi32, #tpu.memory_space<vmem>> -> memref<80xi32, #tpu.memory_space<vmem>>
      %dma_start3A_115 = arith.constant 0 : i32
      %dma_start3A_116 = arith.constant 0 : i32
      %dma_start3A_117 = tpu.memref_slice %arg2[%dma_start3A_115, %dma_start3A_116] : memref<10240x128xf32, #tpu.memory_space<hbm>> -> memref<10240x128xf32, #tpu.memory_space<hbm>>
      tpu.enqueue_indirect_dma source(%dma_start3A_117 : memref<10240x128xf32, #tpu.memory_space<hbm>>) target(%arg10 : memref<80x128xf32, #tpu.memory_space<vmem>>) offsets(%dma_start3A_114 : memref<80xi32, #tpu.memory_space<vmem>>) semaphore(%arg13 : memref<!tpu.dma_semaphore, #tpu.memory_space<semaphore_mem>>)
      %dma_wait3A_118 = arith.constant 0 : i32
      %dma_wait3A_119 = arith.constant 0 : i32
      %dma_wait3A_120 = tpu.memref_slice %arg7[%dma_wait3A_118, %dma_wait3A_119] : memref<24x80xi32, #tpu.memory_space<vmem>> -> memref<1x80xi32, #tpu.memory_space<vmem>>
      %dma_wait3A_121 = tpu.memref_squeeze %dma_wait3A_120 : memref<1x80xi32, #tpu.memory_space<vmem>> -> memref<80xi32, #tpu.memory_space<vmem>>
      %dma_wait3A_122 = arith.constant 0 : i32
      %dma_wait3A_123 = arith.constant 0 : i32
      %dma_wait3A_124 = tpu.memref_slice %arg17[%dma_wait3A_122, %dma_wait3A_123] : memref<10240x128xf32, #tpu.memory_space<vmem_shared>> -> memref<10240x128xf32, #tpu.memory_space<vmem_shared>>
      tpu.wait_indirect_dma semaphore(%arg14 : memref<!tpu.dma_semaphore, #tpu.memory_space<semaphore_mem>>) src(%arg8 : memref<80x128xf32, #tpu.memory_space<vmem>>) dst(%dma_wait3A_124 : memref<10240x128xf32, #tpu.memory_space<vmem_shared>>)
      %add3A_125 = arith.constant 1 : i32
      %add3A_126 = arith.addi %mul3A_71, %add3A_125 : i32
      %mul3A_127 = arith.constant 80 : i32
      %mul3A_128 = arith.muli %add3A_126, %mul3A_127 : i32
      %dma_wait3A_129 = tpu.memref_slice %arg6[%mul3A_128] : memref<10000xi32, #tpu.memory_space<vmem>> -> memref<80xi32, #tpu.memory_space<vmem>>
      %dma_wait3A_130 = arith.constant 0 : i32
      %dma_wait3A_131 = arith.constant 0 : i32
      %dma_wait3A_132 = tpu.memref_slice %arg2[%dma_wait3A_130, %dma_wait3A_131] : memref<10240x128xf32, #tpu.memory_space<hbm>> -> memref<10240x128xf32, #tpu.memory_space<hbm>>
      tpu.wait_indirect_dma semaphore(%arg12 : memref<!tpu.dma_semaphore, #tpu.memory_space<semaphore_mem>>) src(%dma_wait3A_132 : memref<10240x128xf32, #tpu.memory_space<hbm>>) dst(%arg9 : memref<80x128xf32, #tpu.memory_space<vmem>>)
      %mul3A_133 = arith.constant 3 : i32
      %mul3A_134 = arith.muli %mul3A_133, %select_n3A_80 : i32
      %add3A_135 = arith.constant 1 : i32
      %add3A_136 = arith.addi %mul3A_134, %add3A_135 : i32
      %dma_start3A_137 = arith.constant 0 : i32
      %dma_start3A_138 = tpu.memref_slice %arg7[%add3A_136, %dma_start3A_137] : memref<24x80xi32, #tpu.memory_space<vmem>> -> memref<1x80xi32, #tpu.memory_space<vmem>>
      %dma_start3A_139 = tpu.memref_squeeze %dma_start3A_138 : memref<1x80xi32, #tpu.memory_space<vmem>> -> memref<80xi32, #tpu.memory_space<vmem>>
      %dma_start3A_140 = arith.constant 0 : i32
      %dma_start3A_141 = arith.constant 0 : i32
      %dma_start3A_142 = tpu.memref_slice %arg17[%dma_start3A_140, %dma_start3A_141] : memref<10240x128xf32, #tpu.memory_space<vmem_shared>> -> memref<10240x128xf32, #tpu.memory_space<vmem_shared>>
      tpu.enqueue_indirect_dma source(%arg9 : memref<80x128xf32, #tpu.memory_space<vmem>>) target(%dma_start3A_142 : memref<10240x128xf32, #tpu.memory_space<vmem_shared>>) offsets(%dma_start3A_139 : memref<80xi32, #tpu.memory_space<vmem>>) semaphore(%arg15 : memref<!tpu.dma_semaphore, #tpu.memory_space<semaphore_mem>>) {add = true}
      %add3A_143 = arith.constant 1 : i32
      %add3A_144 = arith.addi %mul3A_71, %add3A_143 : i32
      %add3A_145 = arith.constant 2 : i32
      %add3A_146 = arith.addi %add3A_144, %add3A_145 : i32
      %mul3A_147 = arith.constant 80 : i32
      %mul3A_148 = arith.muli %add3A_146, %mul3A_147 : i32
      %dma_start3A_149 = tpu.memref_slice %arg6[%mul3A_148] : memref<10000xi32, #tpu.memory_space<vmem>> -> memref<80xi32, #tpu.memory_space<vmem>>
      %dma_start3A_150 = arith.constant 0 : i32
      %dma_start3A_151 = arith.constant 0 : i32
      %dma_start3A_152 = tpu.memref_slice %arg2[%dma_start3A_150, %dma_start3A_151] : memref<10240x128xf32, #tpu.memory_space<hbm>> -> memref<10240x128xf32, #tpu.memory_space<hbm>>
      tpu.enqueue_indirect_dma source(%dma_start3A_152 : memref<10240x128xf32, #tpu.memory_space<hbm>>) target(%arg8 : memref<80x128xf32, #tpu.memory_space<vmem>>) offsets(%dma_start3A_149 : memref<80xi32, #tpu.memory_space<vmem>>) semaphore(%arg11 : memref<!tpu.dma_semaphore, #tpu.memory_space<semaphore_mem>>)
      %dma_wait3A_153 = arith.constant 0 : i32
      %dma_wait3A_154 = arith.constant 0 : i32
      %dma_wait3A_155 = tpu.memref_slice %arg7[%dma_wait3A_153, %dma_wait3A_154] : memref<24x80xi32, #tpu.memory_space<vmem>> -> memref<1x80xi32, #tpu.memory_space<vmem>>
      %dma_wait3A_156 = tpu.memref_squeeze %dma_wait3A_155 : memref<1x80xi32, #tpu.memory_space<vmem>> -> memref<80xi32, #tpu.memory_space<vmem>>
      %dma_wait3A_157 = arith.constant 0 : i32
      %dma_wait3A_158 = arith.constant 0 : i32
      %dma_wait3A_159 = tpu.memref_slice %arg17[%dma_wait3A_157, %dma_wait3A_158] : memref<10240x128xf32, #tpu.memory_space<vmem_shared>> -> memref<10240x128xf32, #tpu.memory_space<vmem_shared>>
      tpu.wait_indirect_dma semaphore(%arg15 : memref<!tpu.dma_semaphore, #tpu.memory_space<semaphore_mem>>) src(%arg9 : memref<80x128xf32, #tpu.memory_space<vmem>>) dst(%dma_wait3A_159 : memref<10240x128xf32, #tpu.memory_space<vmem_shared>>)
      %add3A_160 = arith.constant 2 : i32
      %add3A_161 = arith.addi %mul3A_71, %add3A_160 : i32
      %mul3A_162 = arith.constant 80 : i32
      %mul3A_163 = arith.muli %add3A_161, %mul3A_162 : i32
      %dma_wait3A_164 = tpu.memref_slice %arg6[%mul3A_163] : memref<10000xi32, #tpu.memory_space<vmem>> -> memref<80xi32, #tpu.memory_space<vmem>>
      %dma_wait3A_165 = arith.constant 0 : i32
      %dma_wait3A_166 = arith.constant 0 : i32
      %dma_wait3A_167 = tpu.memref_slice %arg2[%dma_wait3A_165, %dma_wait3A_166] : memref<10240x128xf32, #tpu.memory_space<hbm>> -> memref<10240x128xf32, #tpu.memory_space<hbm>>
      tpu.wait_indirect_dma semaphore(%arg13 : memref<!tpu.dma_semaphore, #tpu.memory_space<semaphore_mem>>) src(%dma_wait3A_167 : memref<10240x128xf32, #tpu.memory_space<hbm>>) dst(%arg10 : memref<80x128xf32, #tpu.memory_space<vmem>>)
      %mul3A_168 = arith.constant 3 : i32
      %mul3A_169 = arith.muli %mul3A_168, %select_n3A_80 : i32
      %add3A_170 = arith.constant 2 : i32
      %add3A_171 = arith.addi %mul3A_169, %add3A_170 : i32
      %dma_start3A_172 = arith.constant 0 : i32
      %dma_start3A_173 = tpu.memref_slice %arg7[%add3A_171, %dma_start3A_172] : memref<24x80xi32, #tpu.memory_space<vmem>> -> memref<1x80xi32, #tpu.memory_space<vmem>>
      %dma_start3A_174 = tpu.memref_squeeze %dma_start3A_173 : memref<1x80xi32, #tpu.memory_space<vmem>> -> memref<80xi32, #tpu.memory_space<vmem>>
      %dma_start3A_175 = arith.constant 0 : i32
      %dma_start3A_176 = arith.constant 0 : i32
      %dma_start3A_177 = tpu.memref_slice %arg17[%dma_start3A_175, %dma_start3A_176] : memref<10240x128xf32, #tpu.memory_space<vmem_shared>> -> memref<10240x128xf32, #tpu.memory_space<vmem_shared>>
      tpu.enqueue_indirect_dma source(%arg10 : memref<80x128xf32, #tpu.memory_space<vmem>>) target(%dma_start3A_177 : memref<10240x128xf32, #tpu.memory_space<vmem_shared>>) offsets(%dma_start3A_174 : memref<80xi32, #tpu.memory_space<vmem>>) semaphore(%arg16 : memref<!tpu.dma_semaphore, #tpu.memory_space<semaphore_mem>>) {add = true}
      %add3A_178 = arith.constant 2 : i32
      %add3A_179 = arith.addi %mul3A_71, %add3A_178 : i32
      %add3A_180 = arith.constant 2 : i32
      %add3A_181 = arith.addi %add3A_179, %add3A_180 : i32
      %mul3A_182 = arith.constant 80 : i32
      %mul3A_183 = arith.muli %add3A_181, %mul3A_182 : i32
      %dma_start3A_184 = tpu.memref_slice %arg6[%mul3A_183] : memref<10000xi32, #tpu.memory_space<vmem>> -> memref<80xi32, #tpu.memory_space<vmem>>
      %dma_start3A_185 = arith.constant 0 : i32
      %dma_start3A_186 = arith.constant 0 : i32
      %dma_start3A_187 = tpu.memref_slice %arg2[%dma_start3A_185, %dma_start3A_186] : memref<10240x128xf32, #tpu.memory_space<hbm>> -> memref<10240x128xf32, #tpu.memory_space<hbm>>
      tpu.enqueue_indirect_dma source(%dma_start3A_187 : memref<10240x128xf32, #tpu.memory_space<hbm>>) target(%arg9 : memref<80x128xf32, #tpu.memory_space<vmem>>) offsets(%dma_start3A_184 : memref<80xi32, #tpu.memory_space<vmem>>) semaphore(%arg12 : memref<!tpu.dma_semaphore, #tpu.memory_space<semaphore_mem>>)
      %scan3A_188 = arith.constant 0 : i32
      scf.yield %scan3A_188 : i32
    }
    %scan3A_22 = arith.constant 41 : i32
    %dma_wait3A = arith.constant 0 : i32
    %dma_wait3A_23 = arith.constant 0 : i32
    %dma_wait3A_24 = tpu.memref_slice %arg7[%dma_wait3A, %dma_wait3A_23] : memref<24x80xi32, #tpu.memory_space<vmem>> -> memref<1x80xi32, #tpu.memory_space<vmem>>
    %dma_wait3A_25 = tpu.memref_squeeze %dma_wait3A_24 : memref<1x80xi32, #tpu.memory_space<vmem>> -> memref<80xi32, #tpu.memory_space<vmem>>
    %dma_wait3A_26 = arith.constant 0 : i32
    %dma_wait3A_27 = arith.constant 0 : i32
    %dma_wait3A_28 = tpu.memref_slice %arg17[%dma_wait3A_26, %dma_wait3A_27] : memref<10240x128xf32, #tpu.memory_space<vmem_shared>> -> memref<10240x128xf32, #tpu.memory_space<vmem_shared>>
    tpu.wait_indirect_dma semaphore(%arg16 : memref<!tpu.dma_semaphore, #tpu.memory_space<semaphore_mem>>) src(%arg10 : memref<80x128xf32, #tpu.memory_space<vmem>>) dst(%dma_wait3A_28 : memref<10240x128xf32, #tpu.memory_space<vmem_shared>>)
    %dma_wait3A_29 = arith.constant 9840 : i32
    %dma_wait3A_30 = tpu.memref_slice %arg6[%dma_wait3A_29] : memref<10000xi32, #tpu.memory_space<vmem>> -> memref<80xi32, #tpu.memory_space<vmem>>
    %dma_wait3A_31 = arith.constant 0 : i32
    %dma_wait3A_32 = arith.constant 0 : i32
    %dma_wait3A_33 = tpu.memref_slice %arg2[%dma_wait3A_31, %dma_wait3A_32] : memref<10240x128xf32, #tpu.memory_space<hbm>> -> memref<10240x128xf32, #tpu.memory_space<hbm>>
    tpu.wait_indirect_dma semaphore(%arg11 : memref<!tpu.dma_semaphore, #tpu.memory_space<semaphore_mem>>) src(%dma_wait3A_33 : memref<10240x128xf32, #tpu.memory_space<hbm>>) dst(%arg8 : memref<80x128xf32, #tpu.memory_space<vmem>>)
    %dma_start3A_34 = arith.constant 3 : i32
    %dma_start3A_35 = arith.constant 0 : i32
    %dma_start3A_36 = tpu.memref_slice %arg7[%dma_start3A_34, %dma_start3A_35] : memref<24x80xi32, #tpu.memory_space<vmem>> -> memref<1x80xi32, #tpu.memory_space<vmem>>
    %dma_start3A_37 = tpu.memref_squeeze %dma_start3A_36 : memref<1x80xi32, #tpu.memory_space<vmem>> -> memref<80xi32, #tpu.memory_space<vmem>>
    %dma_start3A_38 = arith.constant 0 : i32
    %dma_start3A_39 = arith.constant 0 : i32
    %dma_start3A_40 = tpu.memref_slice %arg17[%dma_start3A_38, %dma_start3A_39] : memref<10240x128xf32, #tpu.memory_space<vmem_shared>> -> memref<10240x128xf32, #tpu.memory_space<vmem_shared>>
    tpu.enqueue_indirect_dma source(%arg8 : memref<80x128xf32, #tpu.memory_space<vmem>>) target(%dma_start3A_40 : memref<10240x128xf32, #tpu.memory_space<vmem_shared>>) offsets(%dma_start3A_37 : memref<80xi32, #tpu.memory_space<vmem>>) semaphore(%arg14 : memref<!tpu.dma_semaphore, #tpu.memory_space<semaphore_mem>>) {add = true}
    %dma_wait3A_41 = arith.constant 0 : i32
    %dma_wait3A_42 = arith.constant 0 : i32
    %dma_wait3A_43 = tpu.memref_slice %arg7[%dma_wait3A_41, %dma_wait3A_42] : memref<24x80xi32, #tpu.memory_space<vmem>> -> memref<1x80xi32, #tpu.memory_space<vmem>>
    %dma_wait3A_44 = tpu.memref_squeeze %dma_wait3A_43 : memref<1x80xi32, #tpu.memory_space<vmem>> -> memref<80xi32, #tpu.memory_space<vmem>>
    %dma_wait3A_45 = arith.constant 0 : i32
    %dma_wait3A_46 = arith.constant 0 : i32
    %dma_wait3A_47 = tpu.memref_slice %arg17[%dma_wait3A_45, %dma_wait3A_46] : memref<10240x128xf32, #tpu.memory_space<vmem_shared>> -> memref<10240x128xf32, #tpu.memory_space<vmem_shared>>
    tpu.wait_indirect_dma semaphore(%arg14 : memref<!tpu.dma_semaphore, #tpu.memory_space<semaphore_mem>>) src(%arg8 : memref<80x128xf32, #tpu.memory_space<vmem>>) dst(%dma_wait3A_47 : memref<10240x128xf32, #tpu.memory_space<vmem_shared>>)
    %dma_wait3A_48 = arith.constant 9920 : i32
    %dma_wait3A_49 = tpu.memref_slice %arg6[%dma_wait3A_48] : memref<10000xi32, #tpu.memory_space<vmem>> -> memref<80xi32, #tpu.memory_space<vmem>>
    %dma_wait3A_50 = arith.constant 0 : i32
    %dma_wait3A_51 = arith.constant 0 : i32
    %dma_wait3A_52 = tpu.memref_slice %arg2[%dma_wait3A_50, %dma_wait3A_51] : memref<10240x128xf32, #tpu.memory_space<hbm>> -> memref<10240x128xf32, #tpu.memory_space<hbm>>
    tpu.wait_indirect_dma semaphore(%arg12 : memref<!tpu.dma_semaphore, #tpu.memory_space<semaphore_mem>>) src(%dma_wait3A_52 : memref<10240x128xf32, #tpu.memory_space<hbm>>) dst(%arg9 : memref<80x128xf32, #tpu.memory_space<vmem>>)
    %dma_start3A_53 = arith.constant 4 : i32
    %dma_start3A_54 = arith.constant 0 : i32
    %dma_start3A_55 = tpu.memref_slice %arg7[%dma_start3A_53, %dma_start3A_54] : memref<24x80xi32, #tpu.memory_space<vmem>> -> memref<1x80xi32, #tpu.memory_space<vmem>>
    %dma_start3A_56 = tpu.memref_squeeze %dma_start3A_55 : memref<1x80xi32, #tpu.memory_space<vmem>> -> memref<80xi32, #tpu.memory_space<vmem>>
    %dma_start3A_57 = arith.constant 0 : i32
    %dma_start3A_58 = arith.constant 0 : i32
    %dma_start3A_59 = tpu.memref_slice %arg17[%dma_start3A_57, %dma_start3A_58] : memref<10240x128xf32, #tpu.memory_space<vmem_shared>> -> memref<10240x128xf32, #tpu.memory_space<vmem_shared>>
    tpu.enqueue_indirect_dma source(%arg9 : memref<80x128xf32, #tpu.memory_space<vmem>>) target(%dma_start3A_59 : memref<10240x128xf32, #tpu.memory_space<vmem_shared>>) offsets(%dma_start3A_56 : memref<80xi32, #tpu.memory_space<vmem>>) semaphore(%arg15 : memref<!tpu.dma_semaphore, #tpu.memory_space<semaphore_mem>>) {add = true}
    %dma_wait3A_60 = arith.constant 0 : i32
    %dma_wait3A_61 = arith.constant 0 : i32
    %dma_wait3A_62 = tpu.memref_slice %arg7[%dma_wait3A_60, %dma_wait3A_61] : memref<24x80xi32, #tpu.memory_space<vmem>> -> memref<1x80xi32, #tpu.memory_space<vmem>>
    %dma_wait3A_63 = tpu.memref_squeeze %dma_wait3A_62 : memref<1x80xi32, #tpu.memory_space<vmem>> -> memref<80xi32, #tpu.memory_space<vmem>>
    %dma_wait3A_64 = arith.constant 0 : i32
    %dma_wait3A_65 = arith.constant 0 : i32
    %dma_wait3A_66 = tpu.memref_slice %arg17[%dma_wait3A_64, %dma_wait3A_65] : memref<10240x128xf32, #tpu.memory_space<vmem_shared>> -> memref<10240x128xf32, #tpu.memory_space<vmem_shared>>
    tpu.wait_indirect_dma semaphore(%arg15 : memref<!tpu.dma_semaphore, #tpu.memory_space<semaphore_mem>>) src(%arg9 : memref<80x128xf32, #tpu.memory_space<vmem>>) dst(%dma_wait3A_66 : memref<10240x128xf32, #tpu.memory_space<vmem_shared>>)
    %barrier3A_67 = arith.constant 0 : index
    tpu.barrier barrier_id(%barrier3A_67)
    "tpu.region"() ({
      %run_scoped3A = tpu.sem_alloc : memref<!tpu.dma_semaphore, #tpu.memory_space<semaphore_mem>>
      %dma_start3A_68 = arith.constant 0 : i32
      %dma_start3A_69 = tpu.memref_slice %arg5[%arg0, %mul3A_0, %dma_start3A_68] : memref<2x10240x128xf32, #tpu.memory_space<hbm>> -> memref<1x640x128xf32, #tpu.memory_space<hbm>>
      %dma_start3A_70 = tpu.memref_squeeze %dma_start3A_69 : memref<1x640x128xf32, #tpu.memory_space<hbm>> -> memref<640x128xf32, #tpu.memory_space<hbm>>
      %dma_start3A_71 = arith.constant 0 : i32
      %dma_start3A_72 = tpu.memref_slice %arg17[%mul3A_0, %dma_start3A_71] : memref<10240x128xf32, #tpu.memory_space<vmem_shared>> -> memref<640x128xf32, #tpu.memory_space<vmem_shared>>
      tpu.enqueue_dma source(%dma_start3A_72 : memref<640x128xf32, #tpu.memory_space<vmem_shared>>) target(%dma_start3A_70 : memref<640x128xf32, #tpu.memory_space<hbm>>) target_semaphore(%run_scoped3A : memref<!tpu.dma_semaphore, #tpu.memory_space<semaphore_mem>>)
      %dma_wait3A_73 = arith.constant 0 : i32
      %dma_wait3A_74 = tpu.memref_slice %arg5[%arg0, %mul3A_0, %dma_wait3A_73] : memref<2x10240x128xf32, #tpu.memory_space<hbm>> -> memref<1x640x128xf32, #tpu.memory_space<hbm>>
      %dma_wait3A_75 = tpu.memref_squeeze %dma_wait3A_74 : memref<1x640x128xf32, #tpu.memory_space<hbm>> -> memref<640x128xf32, #tpu.memory_space<hbm>>
      %dma_wait3A_76 = arith.constant 0 : i32
      %dma_wait3A_77 = tpu.memref_slice %arg17[%mul3A_0, %dma_wait3A_76] : memref<10240x128xf32, #tpu.memory_space<vmem_shared>> -> memref<640x128xf32, #tpu.memory_space<vmem_shared>>
      tpu.wait_dma2 semaphore(%run_scoped3A : memref<!tpu.dma_semaphore, #tpu.memory_space<semaphore_mem>>) src(%dma_wait3A_77 : memref<640x128xf32, #tpu.memory_space<vmem_shared>>) dst(%dma_wait3A_75 : memref<640x128xf32, #tpu.memory_space<hbm>>)
      tpu.yield
    }) : () -> ()
    return
  }
}

module attributes {stable_mosaic.version = 14 : i64} {
  func.func @body(%arg0: i32, %arg1: memref<2000x128xf32, #tpu.memory_space<vmem>>, %arg2: memref<128x128xf32, #tpu.memory_space<vmem>>, %arg3: memref<2000x2xf32, #tpu.memory_space<vmem>>, %arg4: memref<2000x128xf32, #tpu.memory_space<vmem>>) attributes {dimension_semantics = [#tpu.dimension_semantics<arbitrary>], iteration_bounds = array<i64: 5>, scalar_prefetch = 0 : i64, scratch_operands = 0 : i64, tpu.core_type = #tpu.core_type<tc>, window_params = [{transform_indices = @transform_0, window_bounds = array<i64: 2000, 128>}, {pipeline_mode = #tpu.pipeline_mode<synchronous>, transform_indices = @transform_1, window_bounds = array<i64: 128, 128>}, {transform_indices = @transform_2, window_bounds = array<i64: 2000, 2>}, {transform_indices = @transform_3, window_bounds = array<i64: 2000, 128>}]} {
    %get3A = arith.constant 0 : index
    %get3A_0 = arith.constant 0 : index
    %get3A_1 = vector.load %arg3[%get3A, %get3A_0] : memref<2000x2xf32, #tpu.memory_space<vmem>>, vector<2000x1xf32>
    %get3A_2 = arith.constant 0 : index
    %get3A_3 = arith.constant 1 : index
    %get3A_4 = vector.load %arg3[%get3A_2, %get3A_3] : memref<2000x2xf32, #tpu.memory_space<vmem>>, vector<2000x1xf32>
    %add3A = arith.addf %get3A_1, %get3A_4 : vector<2000x1xf32>
    %add3A_5 = arith.constant 1.000000e+00 : f32
    %add3A_6 = vector.broadcast %add3A_5 : f32 to vector<2000x1xf32>
    %add3A_7 = arith.addf %add3A, %add3A_6 : vector<2000x1xf32>
    %rsqrt3A = math.rsqrt %add3A_7 : vector<2000x1xf32>
    %get3A_8 = arith.constant 0 : index
    %get3A_9 = arith.constant 0 : index
    %get3A_10 = vector.load %arg1[%get3A_8, %get3A_9] : memref<2000x128xf32, #tpu.memory_space<vmem>>, vector<2000x128xf32>
    %get3A_11 = arith.constant 0 : index
    %get3A_12 = arith.constant 0 : index
    %get3A_13 = vector.load %arg2[%get3A_11, %get3A_12] : memref<128x128xf32, #tpu.memory_space<vmem>>, vector<128x128xf32>
    %dot_general3A = arith.constant dense<0.000000e+00> : vector<2000x128xf32>
    %dot_general3A_14 = tpu.matmul %get3A_10, %get3A_13, %dot_general3A {dimension_numbers = #tpu.dot_dimension_numbers<[1], [0], [0], [1], [0, 0, 1, 1], [], []>, transpose_lhs_hint = false} : vector<2000x128xf32>, vector<128x128xf32>, vector<2000x128xf32> -> vector<2000x128xf32>
    %mul3A = vector.broadcast %rsqrt3A : vector<2000x1xf32> to vector<2000x128xf32>
    %mul3A_15 = arith.mulf %dot_general3A_14, %mul3A : vector<2000x128xf32>
    %swap3A = arith.constant 0 : index
    %swap3A_16 = arith.constant 0 : index
    %swap3A_17 = vector.load %arg4[%swap3A, %swap3A_16] : memref<2000x128xf32, #tpu.memory_space<vmem>>, vector<2000x128xf32>
    tpu.vector_store %arg4[%swap3A, %swap3A_16], %mul3A_15 {strides = array<i32>} : memref<2000x128xf32, #tpu.memory_space<vmem>>, vector<2000x128xf32>,
    return
  }
  func.func @transform_0(%arg0: i32) -> (i32, i32) {
    %c0_i32 = arith.constant 0 : i32
    %c0_i32_0 = arith.constant 0 : i32
    return %arg0, %c0_i32 : i32, i32
  }
  func.func @transform_1(%arg0: i32) -> (i32, i32) {
    %c0_i32 = arith.constant 0 : i32
    %c0_i32_0 = arith.constant 0 : i32
    %c0_i32_1 = arith.constant 0 : i32
    return %c0_i32, %c0_i32_0 : i32, i32
  }
  func.func @transform_2(%arg0: i32) -> (i32, i32) {
    %c0_i32 = arith.constant 0 : i32
    %c0_i32_0 = arith.constant 0 : i32
    return %arg0, %c0_i32 : i32, i32
  }
  func.func @transform_3(%arg0: i32) -> (i32, i32) {
    %c0_i32 = arith.constant 0 : i32
    %c0_i32_0 = arith.constant 0 : i32
    return %arg0, %c0_i32 : i32, i32
  }
}

module attributes {stable_mosaic.version = 14 : i64} {
  func.func @body(%arg0: i32, %arg1: memref<1x2000x128xf32, #tpu.memory_space<vmem>>, %arg2: memref<1x2000x128xf32, #tpu.memory_space<vmem>>, %arg3: memref<2000x2xf32, #tpu.memory_space<vmem>>, %arg4: memref<1x128xf32, #tpu.memory_space<vmem>>, %arg5: memref<128x128xf32, #tpu.memory_space<vmem>>, %arg6: memref<2000x128xf32, #tpu.memory_space<vmem>>) attributes {dimension_semantics = [#tpu.dimension_semantics<arbitrary>], iteration_bounds = array<i64: 5>, scalar_prefetch = 0 : i64, scratch_operands = 0 : i64, tpu.core_type = #tpu.core_type<tc>, window_params = [{transform_indices = @transform_0, window_bounds = array<i64: 1, 2000, 128>}, {transform_indices = @transform_1, window_bounds = array<i64: 1, 2000, 128>}, {transform_indices = @transform_2, window_bounds = array<i64: 2000, 2>}, {pipeline_mode = #tpu.pipeline_mode<synchronous>, transform_indices = @transform_3, window_bounds = array<i64: 1, 128>}, {pipeline_mode = #tpu.pipeline_mode<synchronous>, transform_indices = @transform_4, window_bounds = array<i64: 128, 128>}, {transform_indices = @transform_5, window_bounds = array<i64: 2000, 128>}]} {
    %get3A = arith.constant 0 : index
    %get3A_0 = arith.constant 0 : index
    %get3A_1 = vector.load %arg3[%get3A, %get3A_0] : memref<2000x2xf32, #tpu.memory_space<vmem>>, vector<2000x1xf32>
    %get3A_2 = arith.constant 0 : index
    %get3A_3 = arith.constant 1 : index
    %get3A_4 = vector.load %arg3[%get3A_2, %get3A_3] : memref<2000x2xf32, #tpu.memory_space<vmem>>, vector<2000x1xf32>
    %add3A = arith.addf %get3A_1, %get3A_4 : vector<2000x1xf32>
    %add3A_5 = arith.constant 1.000000e+00 : f32
    %add3A_6 = vector.broadcast %add3A_5 : f32 to vector<2000x1xf32>
    %add3A_7 = arith.addf %add3A, %add3A_6 : vector<2000x1xf32>
    %rsqrt3A = math.rsqrt %add3A_7 : vector<2000x1xf32>
    %get3A_8 = arith.constant 0 : index
    %get3A_9 = arith.constant 0 : index
    %get3A_10 = arith.constant 0 : index
    %get3A_11 = vector.load %arg1[%get3A_8, %get3A_9, %get3A_10] : memref<1x2000x128xf32, #tpu.memory_space<vmem>>, vector<1x2000x128xf32>
    %get3A_12 = vector.shape_cast %get3A_11 : vector<1x2000x128xf32> to vector<2000x128xf32>
    %get3A_13 = arith.constant 0 : index
    %get3A_14 = arith.constant 0 : index
    %get3A_15 = arith.constant 0 : index
    %get3A_16 = vector.load %arg2[%get3A_13, %get3A_14, %get3A_15] : memref<1x2000x128xf32, #tpu.memory_space<vmem>>, vector<1x2000x128xf32>
    %get3A_17 = vector.shape_cast %get3A_16 : vector<1x2000x128xf32> to vector<2000x128xf32>
    %add3A_18 = arith.addf %get3A_12, %get3A_17 : vector<2000x128xf32>
    %mul3A = vector.broadcast %rsqrt3A : vector<2000x1xf32> to vector<2000x128xf32>
    %mul3A_19 = arith.mulf %add3A_18, %mul3A : vector<2000x128xf32>
    %get3A_20 = arith.constant 0 : index
    %get3A_21 = arith.constant 0 : index
    %get3A_22 = vector.load %arg4[%get3A_20, %get3A_21] : memref<1x128xf32, #tpu.memory_space<vmem>>, vector<1x128xf32>
    %add3A_23 = vector.broadcast %get3A_22 : vector<1x128xf32> to vector<2000x128xf32>
    %add3A_24 = arith.addf %mul3A_19, %add3A_23 : vector<2000x128xf32>
    %max3A = arith.constant 0.000000e+00 : f32
    %max3A_25 = vector.broadcast %max3A : f32 to vector<2000x128xf32>
    %max3A_26 = arith.maximumf %add3A_24, %max3A_25 : vector<2000x128xf32>
    %get3A_27 = arith.constant 0 : index
    %get3A_28 = arith.constant 0 : index
    %get3A_29 = vector.load %arg5[%get3A_27, %get3A_28] : memref<128x128xf32, #tpu.memory_space<vmem>>, vector<128x128xf32>
    %dot_general3A = arith.constant dense<0.000000e+00> : vector<2000x128xf32>
    %dot_general3A_30 = tpu.matmul %max3A_26, %get3A_29, %dot_general3A {dimension_numbers = #tpu.dot_dimension_numbers<[1], [0], [0], [1], [0, 0, 1, 1], [], []>, transpose_lhs_hint = false} : vector<2000x128xf32>, vector<128x128xf32>, vector<2000x128xf32> -> vector<2000x128xf32>
    %mul3A_31 = vector.broadcast %rsqrt3A : vector<2000x1xf32> to vector<2000x128xf32>
    %mul3A_32 = arith.mulf %dot_general3A_30, %mul3A_31 : vector<2000x128xf32>
    %swap3A = arith.constant 0 : index
    %swap3A_33 = arith.constant 0 : index
    %swap3A_34 = vector.load %arg6[%swap3A, %swap3A_33] : memref<2000x128xf32, #tpu.memory_space<vmem>>, vector<2000x128xf32>
    tpu.vector_store %arg6[%swap3A, %swap3A_33], %mul3A_32 {strides = array<i32>} : memref<2000x128xf32, #tpu.memory_space<vmem>>, vector<2000x128xf32>,
    return
  }
  func.func @transform_0(%arg0: i32) -> (i32, i32, i32) {
    %c0_i32 = arith.constant 0 : i32
    %c0_i32_0 = arith.constant 0 : i32
    %c0_i32_1 = arith.constant 0 : i32
    return %c0_i32, %arg0, %c0_i32_0 : i32, i32, i32
  }
  func.func @transform_1(%arg0: i32) -> (i32, i32, i32) {
    %c1_i32 = arith.constant 1 : i32
    %c0_i32 = arith.constant 0 : i32
    %c0_i32_0 = arith.constant 0 : i32
    return %c1_i32, %arg0, %c0_i32 : i32, i32, i32
  }
  func.func @transform_2(%arg0: i32) -> (i32, i32) {
    %c0_i32 = arith.constant 0 : i32
    %c0_i32_0 = arith.constant 0 : i32
    return %arg0, %c0_i32 : i32, i32
  }
  func.func @transform_3(%arg0: i32) -> (i32, i32) {
    %c0_i32 = arith.constant 0 : i32
    %c0_i32_0 = arith.constant 0 : i32
    %c0_i32_1 = arith.constant 0 : i32
    return %c0_i32, %c0_i32_0 : i32, i32
  }
  func.func @transform_4(%arg0: i32) -> (i32, i32) {
    %c0_i32 = arith.constant 0 : i32
    %c0_i32_0 = arith.constant 0 : i32
    %c0_i32_1 = arith.constant 0 : i32
    return %c0_i32, %c0_i32_0 : i32, i32
  }
  func.func @transform_5(%arg0: i32) -> (i32, i32) {
    %c0_i32 = arith.constant 0 : i32
    %c0_i32_0 = arith.constant 0 : i32
    return %arg0, %c0_i32 : i32, i32
  }
}

module attributes {stable_mosaic.version = 14 : i64} {
  func.func @body(%arg0: i32, %arg1: memref<1x2000x128xf32, #tpu.memory_space<vmem>>, %arg2: memref<1x2000x128xf32, #tpu.memory_space<vmem>>, %arg3: memref<2000x2xf32, #tpu.memory_space<vmem>>, %arg4: memref<1x128xf32, #tpu.memory_space<vmem>>, %arg5: memref<128x128xf32, #tpu.memory_space<vmem>>, %arg6: memref<1x128xf32, #tpu.memory_space<vmem>>, %arg7: memref<1x128xf32, #tpu.memory_space<vmem>>, %arg8: memref<8x128xf32, #tpu.memory_space<vmem>>) attributes {dimension_semantics = [#tpu.dimension_semantics<arbitrary>], iteration_bounds = array<i64: 5>, scalar_prefetch = 0 : i64, scratch_operands = 1 : i64, tpu.core_type = #tpu.core_type<tc>, window_params = [{transform_indices = @transform_0, window_bounds = array<i64: 1, 2000, 128>}, {transform_indices = @transform_1, window_bounds = array<i64: 1, 2000, 128>}, {transform_indices = @transform_2, window_bounds = array<i64: 2000, 2>}, {pipeline_mode = #tpu.pipeline_mode<synchronous>, transform_indices = @transform_3, window_bounds = array<i64: 1, 128>}, {pipeline_mode = #tpu.pipeline_mode<synchronous>, transform_indices = @transform_4, window_bounds = array<i64: 128, 128>}, {pipeline_mode = #tpu.pipeline_mode<synchronous>, transform_indices = @transform_5, window_bounds = array<i64: 1, 128>}, {pipeline_mode = #tpu.pipeline_mode<synchronous>, transform_indices = @transform_6, window_bounds = array<i64: 1, 128>}]} {
    %get3A = arith.constant 0 : index
    %get3A_0 = arith.constant 0 : index
    %get3A_1 = vector.load %arg3[%get3A, %get3A_0] : memref<2000x2xf32, #tpu.memory_space<vmem>>, vector<2000x1xf32>
    %get3A_2 = arith.constant 0 : index
    %get3A_3 = arith.constant 1 : index
    %get3A_4 = vector.load %arg3[%get3A_2, %get3A_3] : memref<2000x2xf32, #tpu.memory_space<vmem>>, vector<2000x1xf32>
    %add3A = arith.addf %get3A_1, %get3A_4 : vector<2000x1xf32>
    %add3A_5 = arith.constant 1.000000e+00 : f32
    %add3A_6 = vector.broadcast %add3A_5 : f32 to vector<2000x1xf32>
    %add3A_7 = arith.addf %add3A, %add3A_6 : vector<2000x1xf32>
    %rsqrt3A = math.rsqrt %add3A_7 : vector<2000x1xf32>
    %get3A_8 = arith.constant 0 : index
    %get3A_9 = arith.constant 0 : index
    %get3A_10 = arith.constant 0 : index
    %get3A_11 = vector.load %arg1[%get3A_8, %get3A_9, %get3A_10] : memref<1x2000x128xf32, #tpu.memory_space<vmem>>, vector<1x2000x128xf32>
    %get3A_12 = vector.shape_cast %get3A_11 : vector<1x2000x128xf32> to vector<2000x128xf32>
    %get3A_13 = arith.constant 0 : index
    %get3A_14 = arith.constant 0 : index
    %get3A_15 = arith.constant 0 : index
    %get3A_16 = vector.load %arg2[%get3A_13, %get3A_14, %get3A_15] : memref<1x2000x128xf32, #tpu.memory_space<vmem>>, vector<1x2000x128xf32>
    %get3A_17 = vector.shape_cast %get3A_16 : vector<1x2000x128xf32> to vector<2000x128xf32>
    %add3A_18 = arith.addf %get3A_12, %get3A_17 : vector<2000x128xf32>
    %mul3A = vector.broadcast %rsqrt3A : vector<2000x1xf32> to vector<2000x128xf32>
    %mul3A_19 = arith.mulf %add3A_18, %mul3A : vector<2000x128xf32>
    %get3A_20 = arith.constant 0 : index
    %get3A_21 = arith.constant 0 : index
    %get3A_22 = vector.load %arg4[%get3A_20, %get3A_21] : memref<1x128xf32, #tpu.memory_space<vmem>>, vector<1x128xf32>
    %add3A_23 = vector.broadcast %get3A_22 : vector<1x128xf32> to vector<2000x128xf32>
    %add3A_24 = arith.addf %mul3A_19, %add3A_23 : vector<2000x128xf32>
    %max3A = arith.constant 0.000000e+00 : f32
    %max3A_25 = vector.broadcast %max3A : f32 to vector<2000x128xf32>
    %max3A_26 = arith.maximumf %add3A_24, %max3A_25 : vector<2000x128xf32>
    %reduce_sum3A = arith.constant dense<0.000000e+00> : vector<128xf32>
    %reduce_sum3A_27 = vector.multi_reduction <add>, %max3A_26, %reduce_sum3A [0] : vector<2000x128xf32> to vector<128xf32>
    %broadcast_in_dim3A = vector.shape_cast %reduce_sum3A_27 : vector<128xf32> to vector<1x128xf32>
    %eq3A = arith.constant 0 : i32
    %eq3A_28 = arith.cmpi eq, %arg0, %eq3A : i32
    %convert_element_type3A = arith.extui %eq3A_28 : i1 to i32
    %cond3A = arith.constant 0 : i32
    %cond3A_29 = arith.cmpi ne, %convert_element_type3A, %cond3A : i32
    scf.if %cond3A_29 {
      %broadcast_in_dim3A_41 = arith.constant 0.000000e+00 : f32
      %broadcast_in_dim3A_42 = vector.broadcast %broadcast_in_dim3A_41 : f32 to vector<8x128xf32>
      %swap3A_43 = arith.constant 0 : index
      %swap3A_44 = arith.constant 0 : index
      %swap3A_45 = vector.load %arg8[%swap3A_43, %swap3A_44] : memref<8x128xf32, #tpu.memory_space<vmem>>, vector<8x128xf32>
      tpu.vector_store %arg8[%swap3A_43, %swap3A_44], %broadcast_in_dim3A_42 {strides = array<i32>} : memref<8x128xf32, #tpu.memory_space<vmem>>, vector<8x128xf32>,
    } else {
    }
    %get3A_30 = arith.constant 0 : index
    %get3A_31 = arith.constant 0 : index
    %get3A_32 = vector.load %arg8[%get3A_30, %get3A_31] : memref<8x128xf32, #tpu.memory_space<vmem>>, vector<1x128xf32>
    %add3A_33 = arith.addf %get3A_32, %broadcast_in_dim3A : vector<1x128xf32>
    %swap3A = arith.constant 0 : index
    %swap3A_34 = arith.constant 0 : index
    %swap3A_35 = vector.load %arg8[%swap3A, %swap3A_34] : memref<8x128xf32, #tpu.memory_space<vmem>>, vector<1x128xf32>
    tpu.vector_store %arg8[%swap3A, %swap3A_34], %add3A_33 {strides = array<i32>} : memref<8x128xf32, #tpu.memory_space<vmem>>, vector<1x128xf32>,
    %eq3A_36 = arith.constant 4 : i32
    %eq3A_37 = arith.cmpi eq, %arg0, %eq3A_36 : i32
    %convert_element_type3A_38 = arith.extui %eq3A_37 : i1 to i32
    %cond3A_39 = arith.constant 0 : i32
    %cond3A_40 = arith.cmpi ne, %convert_element_type3A_38, %cond3A_39 : i32
    scf.if %cond3A_40 {
      %get3A_41 = arith.constant 0 : index
      %get3A_42 = arith.constant 0 : index
      %get3A_43 = vector.load %arg8[%get3A_41, %get3A_42] : memref<8x128xf32, #tpu.memory_space<vmem>>, vector<1x128xf32>
      %mul3A_44 = arith.constant 9.99999974E-5 : f32
      %mul3A_45 = vector.broadcast %mul3A_44 : f32 to vector<1x128xf32>
      %mul3A_46 = arith.mulf %get3A_43, %mul3A_45 : vector<1x128xf32>
      %get3A_47 = arith.constant 0 : index
      %get3A_48 = arith.constant 0 : index
      %get3A_49 = vector.load %arg5[%get3A_47, %get3A_48] : memref<128x128xf32, #tpu.memory_space<vmem>>, vector<128x128xf32>
      %dot_general3A = arith.constant dense<0.000000e+00> : vector<1x128xf32>
      %dot_general3A_50 = tpu.matmul %mul3A_46, %get3A_49, %dot_general3A {dimension_numbers = #tpu.dot_dimension_numbers<[1], [0], [0], [1], [0, 0, 1, 1], [], []>, transpose_lhs_hint = false} : vector<1x128xf32>, vector<128x128xf32>, vector<1x128xf32> -> vector<1x128xf32>
      %get3A_51 = arith.constant 0 : index
      %get3A_52 = arith.constant 0 : index
      %get3A_53 = vector.load %arg6[%get3A_51, %get3A_52] : memref<1x128xf32, #tpu.memory_space<vmem>>, vector<1x128xf32>
      %add3A_54 = arith.addf %dot_general3A_50, %get3A_53 : vector<1x128xf32>
      %swap3A_55 = arith.constant 0 : index
      %swap3A_56 = arith.constant 0 : index
      %swap3A_57 = vector.load %arg7[%swap3A_55, %swap3A_56] : memref<1x128xf32, #tpu.memory_space<vmem>>, vector<1x128xf32>
      tpu.vector_store %arg7[%swap3A_55, %swap3A_56], %add3A_54 {strides = array<i32>} : memref<1x128xf32, #tpu.memory_space<vmem>>, vector<1x128xf32>,
    } else {
    }
    return
  }
  func.func @transform_0(%arg0: i32) -> (i32, i32, i32) {
    %c0_i32 = arith.constant 0 : i32
    %c0_i32_0 = arith.constant 0 : i32
    %c0_i32_1 = arith.constant 0 : i32
    return %c0_i32, %arg0, %c0_i32_0 : i32, i32, i32
  }
  func.func @transform_1(%arg0: i32) -> (i32, i32, i32) {
    %c1_i32 = arith.constant 1 : i32
    %c0_i32 = arith.constant 0 : i32
    %c0_i32_0 = arith.constant 0 : i32
    return %c1_i32, %arg0, %c0_i32 : i32, i32, i32
  }
  func.func @transform_2(%arg0: i32) -> (i32, i32) {
    %c0_i32 = arith.constant 0 : i32
    %c0_i32_0 = arith.constant 0 : i32
    return %arg0, %c0_i32 : i32, i32
  }
  func.func @transform_3(%arg0: i32) -> (i32, i32) {
    %c0_i32 = arith.constant 0 : i32
    %c0_i32_0 = arith.constant 0 : i32
    %c0_i32_1 = arith.constant 0 : i32
    return %c0_i32, %c0_i32_0 : i32, i32
  }
  func.func @transform_4(%arg0: i32) -> (i32, i32) {
    %c0_i32 = arith.constant 0 : i32
    %c0_i32_0 = arith.constant 0 : i32
    %c0_i32_1 = arith.constant 0 : i32
    return %c0_i32, %c0_i32_0 : i32, i32
  }
  func.func @transform_5(%arg0: i32) -> (i32, i32) {
    %c0_i32 = arith.constant 0 : i32
    %c0_i32_0 = arith.constant 0 : i32
    %c0_i32_1 = arith.constant 0 : i32
    return %c0_i32, %c0_i32_0 : i32, i32
  }
  func.func @transform_6(%arg0: i32) -> (i32, i32) {
    %c0_i32 = arith.constant 0 : i32
    %c0_i32_0 = arith.constant 0 : i32
    %c0_i32_1 = arith.constant 0 : i32
    return %c0_i32, %c0_i32_0 : i32, i32
  }
}

</mosaic_0001>

<sc_bundles>
// kernel: kernel.11.cloned.1.call-start
scs
__scs_entry_jumppad:
0x0: {  	(pc) =	sbr.rel $0x88, $3  }
0x1: {  	(tag) =	ssettag $0x0;
	lr =	simm.s32 $0x1  }
0x2: {  	[smem:$0x3F99] =	sst lr;
	_ =	strace $0xD0000000  }
0x3: {  	_ = 	snop  }
0x4: {  	_ = 	snop  }
0x5: {  	_ = 	snop  }
0x6: {  	_ = 	snop  }
0x7: {  	_ = 	snop  }
__scs_overlays_trampoline_lowered:
0x8: {  	[smem:$0x3FA8] =	sst s0  }
0x9: {  	[smem:$0x3FA9] =	sst s1  }
0xa: {  	[smem:$0x3FAA] =	sst s2  }
0xb: {  	[smem:$0x3FAB] =	sst s3  }
0xc: {  	[smem:$0x3FAC] =	sst s4  }
0xd: {  	[smem:$0x3FAD] =	sst s5  }
0xe: {  	[smem:$0x3FAE] =	sst s6  }
0xf: {  	[smem:$0x3FAF] =	sst s7  }
0x10: {  	[smem:$0x3FB0] =	sst s8  }
0x11: {  	[smem:$0x3FB1] =	sst s9;
	s0 =	simm.s32 @!p0 $0x0  }
0x12: {  	s1 =	sld [smem:$0x3F97];
	s0 =	simm.s32 @p0 $0x1  }
0x13: {  	[smem:$0x3FB2] =	sst s0;
	s0 =	simm.s32 @!p1 $0x0  }
0x14: {  	s2 =	sld [smem:$0x3F96];
	s0 =	simm.s32 @p1 $0x1  }
0x15: {  	[smem:$0x3FB3] =	sst s0;
	s0 =	simm.s32 @!p2 $0x0  }
0x16: {  	s3 =	sld [smem:$0x3FDB];
	s0 =	simm.s32 @p2 $0x1  }
0x17: {  	s4 =	simm.s32 $0x1BF5;
	[smem:$0x3FB5] =	sst s0  }
0x18: {  	s0 =	sld [smem:$0x3F98];
	_ =	swait.ge [sflag:s4], $0x0  }
0x19: {  	s7 =	sld [smem:$0x3F99]  }
0x1a: {  	s8 =	sadd.s32 $0xFFFFE003, lr  }
0x1b: {  	s9 =	sadd.s32 $0xFFFFFEF7, lr;
	s5 =	simm.s32 $0xFFFFFFFF;
	p2 =	slt.u32 s8, $0xFFFFF086  }
0x1c: {  	p1 =	slt.u32 s9, $0xF7A;
	s5 =	simm.s32 @!p2 $0x0  }
0x1d: {  	s5 =	simm.s32 @p1 $0x1;
	p0 =	seq.s32 s7, s2  }
0x1e: {  	s7 =	smul.u32 @!p0 $0xF7A, s2;
	p2 =	seq.s32 @!p0 s5, $0x0  }
0x1f: {  	s9 =	smul.u32 $0xF7A, s1;
	s8 =	simm.s32 @!p0 $0x1BF5;
	p2 =	por !p2, p0  }
0x20: {  	[sflag:s8] =	ssyncset.s32 @!p0 $0xFFFFF086;
	s6 =	sadd.s32 @!p0 s3, s7;
	s7 =	simm.s32 @!p0 $0x108  }
0x21: {  	s3 =	sadd.s32 s3, s9;
	s6 =	sadd.s32 @!p0 $0x88, s6;
	s7 =	simm.s32 @p2 $0x1082  }
0x22: {  	[simem:s7], [sflag:s8] =	dma.local @!p0 [hbm:s6], $0xF7A  }
0x23: {  	s9 =	sor.u32 $0xD0000000, s2;
	s6 =	simm.s32 $0x108;
	_ =	swait.ge @!p0 [sflag:s8], $0x0  }
0x24: {  	s3 =	sadd.s32 $0x88, s3;
	s6 =	simm.s32 @!p1 $0x1082;
	[sflag:s4] =	ssyncset.s32 $0xFFFFF086  }
0x25: {  	[simem:s6], [sflag:s4] =	dma.local [hbm:s3], $0xF7A  }
0x26: {  	[smem:$0x3F99] =	sst s1;
	(tag) =	ssettag s2;
	_ =	strace s9  }
0x27: {  	s1 =	sld [smem:$0x3FA9]  }
0x28: {  	s2 =	sld [smem:$0x3FAA]  }
0x29: {  	s4 =	sld [smem:$0x3FAC]  }
0x2a: {  	p0 =	seq.s32 s5, $0x0;
	s5 =	sld [smem:$0x3FAD]  }
0x2b: {  	s6 =	sld [smem:$0x3FAE]  }
0x2c: {  	s7 =	sld [smem:$0x3FAF]  }
0x2d: {  	s3 =	simm.s32 $0x108;
	s8 =	sld [smem:$0x3FB0]  }
0x2e: {  	s3 =	simm.s32 @!p0 $0x1082;
	s9 =	sld [smem:$0x3FB1]  }
0x2f: {  	lr =	sadd.s32 s0, s3;
	s0 =	sld [smem:$0x3FA8]  }
0x30: {  	s3 =	sld [smem:$0x3FAB]  }
0x31: {  	[smem:$0x3FB4] =	sst s10  }
0x32: {  	s10 =	sld [smem:$0x3FB2];
	_ =	sdelay $0x3  }
0x33: {  	p0 =	seq.s32 s10, $0x1;
	s10 =	sld [smem:$0x3FB4];
	_ =	sdelay $0x3  }
0x34: {  	[smem:$0x3FB4] =	sst s10  }
0x35: {  	s10 =	sld [smem:$0x3FB3];
	_ =	sdelay $0x3  }
0x36: {  	p1 =	seq.s32 s10, $0x1;
	s10 =	sld [smem:$0x3FB4];
	_ =	sdelay $0x3  }
0x37: {  	[smem:$0x3FB4] =	sst s10  }
0x38: {  	s10 =	sld [smem:$0x3FB5]  }
0x39: {  	_ = 	snop;
	(pc) =	sbr.ind lr, $3  }
0x3a: {  	_ = 	snop  }
0x3b: {  	_ = 	snop  }
0x3c: {  	p2 =	seq.s32 s10, $0x1;
	s10 =	sld [smem:$0x3FB4]  }
0x3d: {  	_ =	shalt  }
0x3e: {  	_ =	shalt  }
0x3f: {  	_ =	shalt  }
0x40: {  	_ =	shalt  }
0x41: {  	_ =	shalt  }
0x42: {  	_ =	shalt  }
0x43: {  	_ =	shalt  }
0x44: {  	_ =	shalt  }
0x45: {  	_ =	shalt  }
0x46: {  	_ =	shalt  }
0x47: {  	_ =	shalt  }
0x48: {  	_ =	shalt  }
0x49: {  	_ =	shalt  }
0x4a: {  	_ =	shalt  }
0x4b: {  	_ =	shalt  }
0x4c: {  	_ =	shalt  }
0x4d: {  	_ =	shalt  }
0x4e: {  	_ =	shalt  }
0x4f: {  	_ =	shalt  }
0x50: {  	_ =	shalt  }
0x51: {  	_ =	shalt  }
0x52: {  	_ =	shalt  }
0x53: {  	_ =	shalt  }
0x54: {  	_ =	shalt  }
0x55: {  	_ =	shalt  }
0x56: {  	_ =	shalt  }
0x57: {  	_ =	shalt  }
0x58: {  	_ =	shalt  }
0x59: {  	_ =	shalt  }
0x5a: {  	_ =	shalt  }
0x5b: {  	_ =	shalt  }
0x5c: {  	_ =	shalt  }
0x5d: {  	_ =	shalt  }
0x5e: {  	_ =	shalt  }
0x5f: {  	_ =	shalt  }
0x60: {  	_ =	shalt  }
0x61: {  	_ =	shalt  }
0x62: {  	_ =	shalt  }
0x63: {  	_ =	shalt  }
0x64: {  	_ =	shalt  }
0x65: {  	_ =	shalt  }
0x66: {  	_ =	shalt  }
0x67: {  	_ =	shalt  }
0x68: {  	_ =	shalt  }
0x69: {  	_ =	shalt  }
0x6a: {  	_ =	shalt  }
0x6b: {  	_ =	shalt  }
0x6c: {  	_ =	shalt  }
0x6d: {  	_ =	shalt  }
0x6e: {  	_ =	shalt  }
0x6f: {  	_ =	shalt  }
0x70: {  	_ =	shalt  }
0x71: {  	_ =	shalt  }
0x72: {  	_ =	shalt  }
0x73: {  	_ =	shalt  }
0x74: {  	_ =	shalt  }
0x75: {  	_ =	shalt  }
0x76: {  	_ =	shalt  }
0x77: {  	_ =	shalt  }
0x78: {  	_ =	shalt  }
0x79: {  	_ =	shalt  }
0x7a: {  	_ =	shalt  }
0x7b: {  	_ =	shalt  }
0x7c: {  	_ =	shalt  }
0x7d: {  	_ =	shalt  }
0x7e: {  	_ =	shalt  }
0x7f: {  	_ =	shalt  }
0x80: {  	_ =	shalt  }
0x81: {  	_ =	shalt  }
0x82: {  	_ =	shalt  }
0x83: {  	_ =	shalt  }
0x84: {  	_ =	shalt  }
0x85: {  	_ =	shalt  }
0x86: {  	_ =	shalt  }
0x87: {  	_ =	shalt  }
.Lfunc_end0:
.L_simem_size_0:
called_computation.1_lowered:
.L_overlay_start_0:
0x88: {  	s2 =	sld [smem:$0x3FD9]  }
0x89: {  	s3 =	sld [smem:$0x3FFE];
	_ =	sdelay $0x1  }
0x8a: {  	s1 =	srdreg.scid  }
0x8b: {  	s0 =	sand.u32 $0x1, s1  }
0x8c: {  	s16 =	sshll.u32 s0, $0xA;
	s2 =	sadd.s32 s3, s2  }
0x8d: {  	s2 =	sadd.s32 s2, s16  }
0x8e: {  	[smem:$0x3FC0] =	sst s2  }
0x8f: {  	_ = 	snop  }
0x90: {  	(tm) =	ssettm $0x1  }
0x91: {  	s17 =	sld [smem:$0x3FFB];
	_ =	sdelay $0x3  }
0x92: {  	_ =	strace s17  }
0x93: {  	s2 =	sld [smem:$0x3FFC];
	_ =	sdelay $0x3  }
0x94: {  	_ =	strace s2  }
0x95: {  	s2 =	sld [smem:$0x3FFD];
	_ =	sdelay $0x3  }
0x96: {  	_ =	strace s2  }
0x97: {  	_ =	strace $0x8FFFFFFF  }
0x98: {  	s18 =	sld [smem:$0x3FDB];
	_ =	sdelay $0x1  }
0x99: {  	s19 =	simm.s32 $_scs_section_size  }
0x9a: {  	s4 =	simm.s32 $_size__tile_overlayer_lowered;
	s5 =	simm.s32 $_tile_overlayer_lowered  }
0x9b: {  	s22 =	simm.s32 $0x1BFF;
	s21 =	sshll.u32 s5, $0x1;
	s2 =	sadd.s32 s19, s18  }
0x9c: {  	s6 =	simm.s32 $0x0;
	s20 =	sshll.u32 s4, $0x1;
	s4 =	sadd.s32 s21, s2  }
0x9d: {  	[timem:s6], [sflag:s22] =	dma.local [hbm:s4], s20  }
0x9e: {  	_ =	swait.ge [sflag:s22], s20  }
0x9f: {  	s3 =	ssub.s32 $0x0, s20;
	[sflag:s22] =	ssyncset.done $0x0  }
0xa0: {  	[sflag:s22] =	ssyncadd.s32 s3;
	_ =	sdelay $0x1  }
0xa1: {  	s23 =	simm.s32 $0x1B8B  }
0xa2: {  	_ =	swait.ge [sflag:s23], $0x1  }
0xa3: {  	[sflag:s23] =	ssyncset.done $0x0  }
0xa4: {  	s25 =	simm.s32 $0x1B8E;
	s24 =	sld [smem:$0x3FFE];
	[sflag:s23] =	ssyncadd.s32 $0xFFFFFFFF  }
0xa5: {  	s26 =	simm.s32 $execute0_lowered;
	[smem:$0x3FD2] =	sst s25  }
0xa6: {  	s4 =	sshll.u32 s26, $0x1;
	_ =	strace $0x80000049;
	[dreg:$0x1] =	wrdreg $0xFFFFFFFF  }
0xa7: {  	s28 =	simm.s32 $_size_execute0_lowered;
	s2 =	sadd.s32 s2, s4;
	[dreg:$0x0] =	wrdreg $0x0  }
0xa8: {  	s4 =	sshll.u32 s28, $0x1;
	[dreg:$0x2] =	wrdreg s2  }
0xa9: {  	[dreg:$0x3] =	wrdreg s4  }
0xaa: {  	[dreg:$0x4] =	wrdreg $0xC0  }
0xab: {  	_ =	task [dreg:s6], $0x5FFFF  }
0xac: {  	[dreg:$0x1] =	wrdreg $0xFFFFFFFF  }
0xad: {  	[dreg:$0x0] =	wrdreg $0x60  }
0xae: {  	[dreg:$0x2] =	wrdreg s24  }
0xaf: {  	[dreg:$0x3] =	wrdreg $0xAB800  }
0xb0: {  	[dreg:$0x4] =	wrdreg $0x9  }
0xb1: {  	_ =	task.clear_ibuf [dreg:s6], $0x5FFFF;
	_ =	strace $0x90000049  }
0xb2: {  	s29 =	simm.s32 $0x9;
	_ =	strace $0x8000004B  }
0xb3: {  	_ =	swait.ge [sflag:s29], $0x1  }
0xb4: {  	[sflag:s29] =	ssyncadd.s32 $0xFFFFFFFF  }
0xb5: {  	_ =	strace $0x9000004B  }
0xb6: {  	_ =	sfence  }
0xb7: {  	s30 =	sld [smem:$0x0];
	_ =	sdelay $0x2  }
0xb8: {  	s31 =	sshll.u32 s1, $0xD;
	s1 =	sshrl.u32 s1, $0x2  }
0xb9: {  	s3 =	sand.u32 $0x4000, s31;
	s1 =	sadd.s32 s1, s30  }
0xba: {  	s0 =	sor.u32 s3, s0;
	s1 =	sshll.u32 s1, $0x11  }
0xbb: {  	s0 =	sor.u32 s1, s0  }
0xbc: {  	s0 =	sadd.s32 $0x8F2B, s0  }
0xbd: {  	[sflag:s0] =	ssyncadd.remote.s32 $0x1  }
0xbe: {  	_ =	sfence.sel $0xFFFF  }
0xbf: {  	[dreg:$0x0] =	wrdreg $0xFFFFFFFF;
	(pc) =	sbr.abs _section_cstart, $3  }
0xc0: {  	[dreg:$0x1] =	wrdreg $0xFFFFFFFF  }
0xc1: {  	_ =	task.clear_ibuf [dreg:s6], $0x2FFFF;
	_ =	strace $0x9FFFFFFF  }
0xc2: {  	(tm) =	ssettm $0x7FFFFFFF  }
0xc3: {  	_ =	shalt  }
tec
execute0_lowered:
.L_overlay_start_1:
0x0: {  	(tag) =	ssettag $0x1  }
0x1: {  	s0 =	stileid.u32  }
0x2: {  	s1 =	srdreg.scid;
	s8 =	smul.u32 $0x14000, s0  }
0x3: {  	s6 =	rddreg [dreg:$0x0];
	s11 =	smul.u32 $0x50000, s0  }
0x4: {  	s2 =	rddreg [dreg:$0x1];
	s18 =	smul.u32 $0x2800, s0  }
0x5: {  	s29 =	simm.s32 $0x8380;
	s1 =	sand.u32 $0x1, s1;
	s21 =	smul.u32 $0x4800, s0  }
0x6: {  	s30 =	simm.s32 $0x4;
	s3 =	sshrl.u32 s0, $0x3;
	s4 =	smul.u32 $0x27800, s1  }
0x7: {  	s31 =	simm.s32 $0x2;
	s7 =	sshll.u32 s0, $0x7;
	s5 =	smul.u32 $0x13C00, s3  }
0x8: {  	s3 =	simm.s32 $0x0;
	s12 =	sand.u32 $0x380, s7;
	s13 =	smul.u32 $0x140000, s1  }
0x9: {  	s15 =	ssub.s32 $0x2, s1;
	p0 =	seq.s32 s1, $0x1;
	s1 =	smul.u32 $0x48000, s1  }
0xa: {  	[smem:$0x7FF] =	sst s3;
	s10 =	sshrl.u32 s15, $0x1;
	s17 =	sshrl.u32 s11, $0x2  }
0xb: {  	s4 =	sadd.s32 s4, s5;
	_ =	strace $0x8000004A;
	s14 =	sadd.s32 s8, s13  }
0xc: {  	s10 =	ssub.s32 s15, s10;
	s7 =	sadd.s32 s17, s2;
	s15 =	sadd.s32 s21, s1  }
0xd: {  	s21 =	simm.s32 $0x6;
	s5 =	sor.u32 s12, s4;
	s20 =	sadd.s32 $0x2800, s7  }
0xe: {  	s4 =	sadd.s32 $0x2E800, s6;
	s22 =	sadd.s32 $0x5000, s7;
	[dreg:$0x5] =	wrdreg s20  }
0xf: {  	s8 =	sshrl.u32 s14, $0x3;
	s23 =	sadd.s32 $0x7800, s7;
	[dreg:$0x6] =	wrdreg s22  }
0x10: {  	s24 =	sadd.s32 $0xA000, s7;
	s25 =	sadd.s32 $0xC800, s7;
	[dreg:$0x7] =	wrdreg s23  }
0x11: {  	s26 =	sadd.s32 $0xF000, s7;
	s28 =	sadd.s32 $0x11800, s7;
	[dreg:$0x8] =	wrdreg s24  }
0x12: {  	s1 =	sshrl.u32 s15, $0x3;
	s12 =	simm.s32 $0x1;
	[dreg:$0x9] =	wrdreg s25  }
0x13: {  	s5 =	sshrl.u32 s5, $0x3;
	s8 =	sadd.s32 s8, s6;
	[dreg:$0xa] =	wrdreg s26  }
0x14: {  	s19 =	sadd.s32 s4, s18;
	[dreg:$0xb] =	wrdreg s28;
	s18 =	smax.u32 s10, $0x1  }
0x15: {  	s22 =	simm.s32 $0x7;
	s23 =	simm.s32 $0x3380;
	s24 =	simm.s32 $0x50  }
0x16: {  	s25 =	simm.s32 $0x5B80;
	s26 =	simm.s32 $0x2780;
	s10 =	simm.s32 $0x3  }
0x17: {  	s9 =	sadd.s32 s5, s6;
	s5 =	sadd.s32 $0x1C800, s6;
	[dreg:$0x4] =	wrdreg s19  }
0x18: {  	s17 =	sadd.s32 $0x56800, s8;
	s16 =	sadd.s32 $0x12A00, s9;
	s19 =	sadd.s32 s5, s1  }
0x19: {  	v0 =	vimm.f32 $0.0e+00;
	s9 =	simm.s32 $0x5;
	[dreg:$0x3] =	wrdreg s16;
	s16 =	simm.s32 $0x0  }
.LBB2_1:
0x1a: {  	s0 =	rddreg [dreg:$0x3]  }
.Ltmp0:
0x1b: {  	s1 =	simm.s32 $0x80;
	s6 =	simm.s32 $0x400;
	(pc) =	sbr.rel @!p0 .LBB2_2-.Ltmp0, $4  }
0x1c: {  	[tilespmem:s3], [sflag:$0x7] =	stream.strided.gather [hbm4b:s0+s1], $0x2780, s6, s1, $0x38;
	[tilespmem:$0x1EB80] =	vst v63  }
0x1d: {  	_ =	swait.ge [sflag:s22], $0x2780  }
0x1e: {  	[sflag:s22] =	ssyncset.done $0x0  }
0x1f: {  	[sflag:s22] =	ssyncadd.s32 $0xFFFFD880  }
0x20: {  	s1 =	sand.u32 $0xFE00, s3  }
0x21: {  	s8 =	sand.u32 $0x70, s3;
	s11 =	sshrl.u32 s1, $0x2  }
0x22: {  	s1 =	simm.s32 $0x40;
	s11 =	sor.u32 s8, s11;
	s8 =	simm.s32 $0x0  }
.LBB2_4:
0x23: {  	p1 =	sne.s32 s1, $0x9FC0  }
0x24: {  	[tilespmem:s11+$0x3380] =	vst v0;
	s8 =	sadd.s32 $0x10, s8;
	s11 =	smov.u32 s1;
	s1 =	sadd.s32 $0x40, s1  }
.Ltmp1:
0x25: {  	(pc) =	sbr.rel @p1 .LBB2_4-.Ltmp1, $4  }
0x26: {  	_ = 	snop  }
0x27: {  	s11 =	sand.u32 $0xFE00, s11  }
0x28: {  	s13 =	sand.u32 $0x70, s8;
	s11 =	sshrl.u32 s11, $0x2  }
0x29: {  	s11 =	sor.u32 s13, s11  }
0x2a: {  	[tilespmem:s11+$0x3380] =	vst v0  }
0x2b: {  	[spmem:s7] =	stream.linear.scatter [tilespmem:s23], [sflag:$0x7], $0x2800, $0x38;
	[tilespmem:$0x1EB80] =	vst v63  }
0x2c: {  	_ =	swait.ge [sflag:s22], $0x2800  }
0x2d: {  	[sflag:s22] =	ssyncset.done $0x0  }
0x2e: {  	s0 =	rddreg [dreg:$0x5];
	[sflag:s22] =	ssyncadd.s32 $0xFFFFD800  }
0x2f: {  	[spmem:s0] =	stream.linear.scatter [tilespmem:s23], [sflag:$0x7], $0x2800, $0x38;
	[tilespmem:$0x1EB80] =	vst v63  }
0x30: {  	_ =	swait.ge [sflag:s22], $0x2800  }
0x31: {  	[sflag:s22] =	ssyncset.done $0x0  }
0x32: {  	s8 =	rddreg [dreg:$0x6];
	[sflag:s22] =	ssyncadd.s32 $0xFFFFD800  }
0x33: {  	[spmem:s8] =	stream.linear.scatter [tilespmem:s23], [sflag:$0x7], $0x2800, $0x38;
	[tilespmem:$0x1EB80] =	vst v63  }
0x34: {  	_ =	swait.ge [sflag:s22], $0x2800  }
0x35: {  	[sflag:s22] =	ssyncset.done $0x0  }
0x36: {  	s11 =	rddreg [dreg:$0x7];
	[sflag:s22] =	ssyncadd.s32 $0xFFFFD800  }
0x37: {  	[spmem:s11] =	stream.linear.scatter [tilespmem:s23], [sflag:$0x7], $0x2800, $0x38;
	[tilespmem:$0x1EB80] =	vst v63  }
0x38: {  	_ =	swait.ge [sflag:s22], $0x2800  }
0x39: {  	[sflag:s22] =	ssyncset.done $0x0  }
0x3a: {  	s13 =	rddreg [dreg:$0x8];
	[sflag:s22] =	ssyncadd.s32 $0xFFFFD800  }
0x3b: {  	[spmem:s13] =	stream.linear.scatter [tilespmem:s23], [sflag:$0x7], $0x2800, $0x38;
	[tilespmem:$0x1EB80] =	vst v63  }
0x3c: {  	_ =	swait.ge [sflag:s22], $0x2800  }
0x3d: {  	[sflag:s22] =	ssyncset.done $0x0  }
0x3e: {  	s14 =	rddreg [dreg:$0x9];
	[sflag:s22] =	ssyncadd.s32 $0xFFFFD800  }
0x3f: {  	[spmem:s14] =	stream.linear.scatter [tilespmem:s23], [sflag:$0x7], $0x2800, $0x38;
	[tilespmem:$0x1EB80] =	vst v63  }
0x40: {  	_ =	swait.ge [sflag:s22], $0x2800  }
0x41: {  	[sflag:s22] =	ssyncset.done $0x0  }
0x42: {  	s20 =	rddreg [dreg:$0xa];
	[sflag:s22] =	ssyncadd.s32 $0xFFFFD800  }
0x43: {  	[spmem:s20] =	stream.linear.scatter [tilespmem:s23], [sflag:$0x7], $0x2800, $0x38;
	[tilespmem:$0x1EB80] =	vst v63  }
.Ltmp2:
0x44: {  	_ = 	snop;
	(pc) =	sbr.rel .LBB2_6-.Ltmp2, $4  }
0x45: {  	_ =	swait.ge [sflag:s22], $0x2800  }
0x46: {  	[sflag:s22] =	ssyncset.done $0x0  }
0x47: {  	s28 =	rddreg [dreg:$0xb];
	[sflag:s22] =	ssyncadd.s32 $0xFFFFD800  }
0x48: {  	[spmem:s28] =	stream.linear.scatter [tilespmem:s23], [sflag:$0x7], $0x2800, $0x38;
	[tilespmem:$0x1EB80] =	vst v63  }
.LBB2_2:
0x49: {  	s0 =	stileid.u32  }
0x4a: {  	s1 =	sshll.u32 s0, $0x6  }
0x4b: {  	s8 =	sshrl.u32 s7, $0x3;
	s28 =	rddreg [dreg:$0x4];
	s1 =	sor.u32 $0x1C07, s1  }
0x4c: {  	[spmem:s8], [sflag:s1] =	dma.local [hbm:s28], $0x2800  }
.LBB2_6:
0x4d: {  	_ =	swait.ge [sflag:s22], $0x2800  }
0x4e: {  	[sflag:s22] =	ssyncset.done $0x0  }
0x4f: {  	[sflag:s22] =	ssyncadd.s32 $0xFFFFD800  }
0x50: {  	[bflag:$0x0] =	sbarrier.arrive $0xFFFF  }
0x51: {  	[tilespmem:s23], [sflag:$0x1] =	stream.indirect.gather [hbm4b:s4+s24], $0x80, s3, s24, $0xb8;
	[tilespmem:$0x1EB80] =	vst v63  }
0x52: {  	_ = 	snop  }
0x53: {  	[tilespmem:s25], [sflag:$0x2] =	stream.indirect.gather [hbm4b:s4+s24], $0x80, s24, s24, $0xb8;
	[tilespmem:$0x1EB80] =	vst v63  }
0x54: {  	_ = 	snop  }
0x55: {  	[tilespmem:s26], [sflag:$0x7] =	stream.linear.gather [hbm4b:s19+s3], $0xC00, $0x38;
	[tilespmem:$0x1EB80] =	vst v63  }
0x56: {  	_ =	swait.ge [sflag:s22], $0xC00  }
0x57: {  	[sflag:s22] =	ssyncset.done $0x0  }
0x58: {  	s1 =	simm.s32 $0x1;
	[sflag:s22] =	ssyncadd.s32 $0xFFFFF400  }
0x59: {  	_ =	swait.ge [sflag:s1], $0x2800  }
0x5a: {  	[sflag:s1] =	ssyncset.done $0x0  }
0x5b: {  	[sflag:s1] =	ssyncadd.s32 $0xFFFFD800  }
0x5c: {  	[spmem:s2] =	stream.indirect.scatter.add.f32 [tilespmem:s23], [sflag:$0x4], $0x80, s26, s24, $0xb8;
	[tilespmem:$0x1EB80] =	vst v63  }
0x5d: {  	s0 =	simm.s32 $0xA0  }
0x5e: {  	[tilespmem:s29], [sflag:$0x3] =	stream.indirect.gather [hbm4b:s4+s24], $0x80, s0, s24, $0xb8;
	[tilespmem:$0x1EB80] =	vst v63  }
0x5f: {  	_ =	swait.ge [sflag:s30], $0x2800  }
0x60: {  	[sflag:s30] =	ssyncset.done $0x0  }
0x61: {  	[sflag:s30] =	ssyncadd.s32 $0xFFFFD800  }
0x62: {  	_ =	swait.ge [sflag:s31], $0x2800  }
0x63: {  	[sflag:s31] =	ssyncset.done $0x0  }
0x64: {  	s11 =	simm.s32 $0x2800;
	[sflag:s31] =	ssyncadd.s32 $0xFFFFD800  }
0x65: {  	[spmem:s2] =	stream.indirect.scatter.add.f32 [tilespmem:s25], [sflag:$0x5], $0x80, s11, s24, $0xb8;
	[tilespmem:$0x1EB80] =	vst v63  }
0x66: {  	s13 =	simm.s32 $0xF0  }
0x67: {  	[tilespmem:s23], [sflag:$0x1] =	stream.indirect.gather [hbm4b:s4+s24], $0x80, s13, s24, $0xb8;
	[tilespmem:$0x1EB80] =	vst v63  }
0x68: {  	_ =	swait.ge [sflag:s9], $0x2800  }
0x69: {  	[sflag:s9] =	ssyncset.done $0x0  }
0x6a: {  	s1 =	sand.u32 $0x7, s1;
	[sflag:s9] =	ssyncadd.s32 $0xFFFFD800  }
0x6b: {  	p1 =	sne.s32 s1, $0x0;
	_ =	swait.ge [sflag:s10], $0x2800  }
0x6c: {  	s8 =	simm.s32 @!p1 $0x0;
	[sflag:s10] =	ssyncset.done $0x0  }
0x6d: {  	s14 =	simm.s32 $0x2880;
	s8 =	smul.u32 @!p1 $0xC00, s8;
	[sflag:s10] =	ssyncadd.s32 $0xFFFFD800  }
0x6e: {  	[spmem:s2] =	stream.indirect.scatter.add.f32 [tilespmem:s29], [sflag:$0x6], $0x80, s14, s24, $0xb8;
	[tilespmem:$0x1EB80] =	vst v63  }
0x6f: {  	s20 =	simm.s32 $0x140;
	s8 =	sadd.s32 @!p1 s8, s15  }
0x70: {  	[tilespmem:s25], [sflag:$0x2] =	stream.indirect.gather [hbm4b:s4+s24], $0x80, s20, s24, $0xb8;
	[tilespmem:$0x1EB80] =	vst v63  }
0x71: {  	s8 =	sshrl.u32 @!p1 s8, $0x3;
	_ =	swait.ge [sflag:s21], $0x2800  }
0x72: {  	s8 =	sadd.s32 @!p1 s5, s8;
	s11 =	simm.s32 @!p1 $0x7;
	[sflag:s21] =	ssyncset.done $0x0  }
0x73: {  	s13 =	simm.s32 @!p1 $0x0;
	s20 =	simm.s32 @!p1 $0x2780;
	[sflag:s21] =	ssyncadd.s32 $0xFFFFD800  }
0x74: {  	[tilespmem:s20], [sflag:$0x7] =	stream.linear.gather @!p1 [hbm4b:s8+s13], $0xC00, $0x38;
	[tilespmem:$0x1EB80] =	vst v63  }
0x75: {  	_ =	swait.ge @!p1 [sflag:s11], $0xC00  }
0x76: {  	[sflag:s11] =	ssyncset.done @!p1 $0x0  }
0x77: {  	s1 =	smul.u32 $0x600, s1;
	[sflag:s11] =	ssyncadd.s32 @!p1 $0xFFFFF400  }
0x78: {  	_ =	swait.ge [sflag:s12], $0x2800  }
0x79: {  	s6 =	sshrl.u32 s1, $0x2;
	[sflag:s12] =	ssyncset.done $0x0  }
0x7a: {  	s1 =	sadd.s32 $0x2780, s6;
	[sflag:s12] =	ssyncadd.s32 $0xFFFFD800  }
0x7b: {  	[spmem:s2] =	stream.indirect.scatter.add.f32 [tilespmem:s23], [sflag:$0x4], $0x80, s1, s24, $0xb8;
	[tilespmem:$0x1EB80] =	vst v63  }
0x7c: {  	s8 =	simm.s32 $0x190  }
0x7d: {  	[tilespmem:s29], [sflag:$0x3] =	stream.indirect.gather [hbm4b:s4+s24], $0x80, s8, s24, $0xb8;
	[tilespmem:$0x1EB80] =	vst v63  }
0x7e: {  	_ =	swait.ge [sflag:s30], $0x2800  }
0x7f: {  	[sflag:s30] =	ssyncset.done $0x0  }
0x80: {  	[sflag:s30] =	ssyncadd.s32 $0xFFFFD800  }
0x81: {  	_ =	swait.ge [sflag:s31], $0x2800  }
0x82: {  	[sflag:s31] =	ssyncset.done $0x0  }
0x83: {  	s11 =	sadd.s32 $0x2800, s6;
	[sflag:s31] =	ssyncadd.s32 $0xFFFFD800  }
0x84: {  	[spmem:s2] =	stream.indirect.scatter.add.f32 [tilespmem:s25], [sflag:$0x5], $0x80, s11, s24, $0xb8;
	[tilespmem:$0x1EB80] =	vst v63  }
0x85: {  	s14 =	simm.s32 $0x1E0  }
0x86: {  	[tilespmem:s23], [sflag:$0x1] =	stream.indirect.gather [hbm4b:s4+s24], $0x80, s14, s24, $0xb8;
	[tilespmem:$0x1EB80] =	vst v63  }
0x87: {  	s28 =	simm.s32 $0x320;
	_ =	swait.ge [sflag:s9], $0x2800  }
0x88: {  	s20 =	simm.s32 $0x2;
	s13 =	sadd.s32 $0x2880, s6;
	[sflag:s9] =	ssyncset.done $0x0  }
0x89: {  	s1 =	simm.s32 $0x230;
	s11 =	sand.u32 $0x7, s20;
	[sflag:s9] =	ssyncadd.s32 $0xFFFFD800  }
0x8a: {  	s8 =	simm.s32 $0x3;
	p2 =	sne.s32 s11, $0x0;
	_ =	swait.ge [sflag:s10], $0x2800  }
0x8b: {  	s11 =	smul.u32 $0x600, s11;
	s20 =	simm.s32 @!p2 $0x0;
	[sflag:s10] =	ssyncset.done $0x0  }
.LBB2_7:
0x8c: {  	s14 =	smul.u32 @!p2 $0xC00, s20  }
0x8d: {  	[sflag:s10] =	ssyncadd.s32 $0xFFFFD800;
	s20 =	smov.u32 s8;
	s8 =	sadd.s32 $0x1, s8  }
0x8e: {  	[spmem:s2] =	stream.indirect.scatter.add.f32 [tilespmem:s29], [sflag:$0x6], $0x80, s13, s24, $0xb8;
	[tilespmem:$0x1EB80] =	vst v63  }
0x8f: {  	p1 =	sne.s32 s8, $0x29;
	s13 =	sadd.s32 @!p2 s14, s15  }
0x90: {  	s13 =	sshrl.u32 @!p2 s13, $0x3  }
0x91: {  	[tilespmem:s25], [sflag:$0x2] =	stream.indirect.gather [hbm4b:s4+s24], $0x80, s1, s24, $0xb8;
	[tilespmem:$0x1EB80] =	vst v63  }
0x92: {  	s13 =	sadd.s32 @!p2 s5, s13;
	s1 =	smov.u32 s28;
	_ =	swait.ge [sflag:s21], $0x2800  }
0x93: {  	s14 =	simm.s32 @!p2 $0x7;
	[sflag:s21] =	ssyncset.done $0x0  }
0x94: {  	s0 =	simm.s32 @!p2 $0x0;
	s6 =	simm.s32 @!p2 $0x2780;
	[sflag:s21] =	ssyncadd.s32 $0xFFFFD800  }
0x95: {  	[tilespmem:s6], [sflag:$0x7] =	stream.linear.gather @!p2 [hbm4b:s13+s0], $0xC00, $0x38;
	[tilespmem:$0x1EB80] =	vst v63  }
0x96: {  	_ =	swait.ge @!p2 [sflag:s14], $0xC00  }
0x97: {  	[sflag:s14] =	ssyncset.done @!p2 $0x0  }
0x98: {  	[sflag:s14] =	ssyncadd.s32 @!p2 $0xFFFFF400  }
0x99: {  	_ =	swait.ge [sflag:s12], $0x2800  }
0x9a: {  	s0 =	sshrl.u32 s11, $0x2;
	[sflag:s12] =	ssyncset.done $0x0  }
0x9b: {  	s6 =	sadd.s32 $0x2780, s0;
	[sflag:s12] =	ssyncadd.s32 $0xFFFFD800  }
0x9c: {  	[spmem:s2] =	stream.indirect.scatter.add.f32 [tilespmem:s23], [sflag:$0x4], $0x80, s6, s24, $0xb8;
	[tilespmem:$0x1EB80] =	vst v63  }
0x9d: {  	s6 =	sadd.s32 $0xFFFFFF60, s28  }
0x9e: {  	[tilespmem:s29], [sflag:$0x3] =	stream.indirect.gather [hbm4b:s4+s24], $0x80, s6, s24, $0xb8;
	[tilespmem:$0x1EB80] =	vst v63  }
0x9f: {  	_ =	swait.ge [sflag:s30], $0x2800  }
0xa0: {  	[sflag:s30] =	ssyncset.done $0x0  }
0xa1: {  	[sflag:s30] =	ssyncadd.s32 $0xFFFFD800  }
0xa2: {  	_ =	swait.ge [sflag:s31], $0x2800  }
0xa3: {  	[sflag:s31] =	ssyncset.done $0x0  }
0xa4: {  	s6 =	sadd.s32 $0x2800, s0;
	[sflag:s31] =	ssyncadd.s32 $0xFFFFD800  }
0xa5: {  	[spmem:s2] =	stream.indirect.scatter.add.f32 [tilespmem:s25], [sflag:$0x5], $0x80, s6, s24, $0xb8;
	[tilespmem:$0x1EB80] =	vst v63  }
0xa6: {  	s6 =	sadd.s32 $0xFFFFFFB0, s28  }
0xa7: {  	[tilespmem:s23], [sflag:$0x1] =	stream.indirect.gather [hbm4b:s4+s24], $0x80, s6, s24, $0xb8;
	[tilespmem:$0x1EB80] =	vst v63  }
.Ltmp3:
0xa8: {  	_ =	swait.ge [sflag:s9], $0x2800;
	(pc) =	sbr.rel @p1 .LBB2_7-.Ltmp3, $4  }
0xa9: {  	[sflag:s9] =	ssyncset.done $0x0  }
0xaa: {  	s28 =	sadd.s32 $0xF0, s28;
	s6 =	sand.u32 $0x7, s20;
	[sflag:s9] =	ssyncadd.s32 $0xFFFFD800  }
0xab: {  	p2 =	sne.s32 s6, $0x0;
	s11 =	smul.u32 $0x600, s6;
	_ =	swait.ge [sflag:s10], $0x2800  }
0xac: {  	s13 =	sadd.s32 $0x2880, s0;
	s20 =	sshrl.u32 @!p2 s20, $0x3;
	[sflag:s10] =	ssyncset.done $0x0  }
0xad: {  	[sflag:s10] =	ssyncadd.s32 $0xFFFFD800  }
0xae: {  	[spmem:s2] =	stream.indirect.scatter.add.f32 [tilespmem:s29], [sflag:$0x6], $0x80, s13, s24, $0xb8;
	[tilespmem:$0x1EB80] =	vst v63  }
0xaf: {  	s0 =	smul.u32 @!p2 $0xC00, s20  }
0xb0: {  	[tilespmem:s25], [sflag:$0x2] =	stream.indirect.gather [hbm4b:s4+s24], $0x80, s1, s24, $0xb8;
	[tilespmem:$0x1EB80] =	vst v63  }
0xb1: {  	s0 =	sadd.s32 @!p2 s0, s15;
	_ =	swait.ge [sflag:s21], $0x2800  }
0xb2: {  	s6 =	simm.s32 @!p2 $0x2780;
	s0 =	sshrl.u32 @!p2 s0, $0x3;
	[sflag:s21] =	ssyncset.done $0x0  }
0xb3: {  	s1 =	simm.s32 @!p2 $0x0;
	s0 =	sadd.s32 @!p2 s5, s0;
	[sflag:s21] =	ssyncadd.s32 $0xFFFFD800  }
0xb4: {  	[tilespmem:s6], [sflag:$0x7] =	stream.linear.gather @!p2 [hbm4b:s0+s1], $0xC00, $0x38;
	[tilespmem:$0x1EB80] =	vst v63  }
0xb5: {  	s0 =	simm.s32 @!p2 $0x7  }
0xb6: {  	_ =	swait.ge @!p2 [sflag:s0], $0xC00  }
0xb7: {  	[sflag:s0] =	ssyncset.done @!p2 $0x0  }
0xb8: {  	[sflag:s0] =	ssyncadd.s32 @!p2 $0xFFFFF400  }
0xb9: {  	_ =	swait.ge [sflag:s12], $0x2800  }
0xba: {  	s14 =	sshrl.u32 s11, $0x2;
	[sflag:s12] =	ssyncset.done $0x0  }
0xbb: {  	s20 =	sadd.s32 $0x2780, s14;
	[sflag:s12] =	ssyncadd.s32 $0xFFFFD800  }
0xbc: {  	[spmem:s2] =	stream.indirect.scatter.add.f32 [tilespmem:s23], [sflag:$0x4], $0x80, s20, s24, $0xb8;
	[tilespmem:$0x1EB80] =	vst v63  }
0xbd: {  	s6 =	sadd.s32 $0xFFFFFF60, s28  }
0xbe: {  	[tilespmem:s29], [sflag:$0x3] =	stream.indirect.gather [hbm4b:s4+s24], $0x80, s6, s24, $0xb8;
	[tilespmem:$0x1EB80] =	vst v63  }
0xbf: {  	_ =	swait.ge [sflag:s30], $0x2800  }
0xc0: {  	[sflag:s30] =	ssyncset.done $0x0  }
0xc1: {  	[sflag:s30] =	ssyncadd.s32 $0xFFFFD800  }
0xc2: {  	_ =	swait.ge [sflag:s31], $0x2800  }
0xc3: {  	[sflag:s31] =	ssyncset.done $0x0  }
0xc4: {  	s8 =	sadd.s32 $0x2800, s14;
	[sflag:s31] =	ssyncadd.s32 $0xFFFFD800  }
0xc5: {  	[spmem:s2] =	stream.indirect.scatter.add.f32 [tilespmem:s25], [sflag:$0x5], $0x80, s8, s24, $0xb8;
	[tilespmem:$0x1EB80] =	vst v63  }
0xc6: {  	s11 =	sadd.s32 $0xFFFFFFB0, s28  }
0xc7: {  	[tilespmem:s23], [sflag:$0x1] =	stream.indirect.gather [hbm4b:s4+s24], $0x80, s11, s24, $0xb8;
	[tilespmem:$0x1EB80] =	vst v63  }
0xc8: {  	_ =	swait.ge [sflag:s9], $0x2800  }
0xc9: {  	[sflag:s9] =	ssyncset.done $0x0  }
0xca: {  	[sflag:s9] =	ssyncadd.s32 $0xFFFFD800  }
0xcb: {  	_ =	swait.ge [sflag:s10], $0x2800  }
0xcc: {  	[sflag:s10] =	ssyncset.done $0x0  }
0xcd: {  	s0 =	sadd.s32 $0x2880, s14;
	[sflag:s10] =	ssyncadd.s32 $0xFFFFD800  }
0xce: {  	[spmem:s2] =	stream.indirect.scatter.add.f32 [tilespmem:s29], [sflag:$0x6], $0x80, s0, s24, $0xb8;
	[tilespmem:$0x1EB80] =	vst v63  }
0xcf: {  	_ = 	snop  }
0xd0: {  	[tilespmem:s25], [sflag:$0x2] =	stream.indirect.gather [hbm4b:s4+s24], $0x80, s28, s24, $0xb8;
	[tilespmem:$0x1EB80] =	vst v63  }
0xd1: {  	_ =	swait.ge [sflag:s21], $0x2800  }
0xd2: {  	[sflag:s21] =	ssyncset.done $0x0  }
0xd3: {  	[sflag:s21] =	ssyncadd.s32 $0xFFFFD800  }
0xd4: {  	_ =	swait.ge [sflag:s12], $0x2800  }
0xd5: {  	[sflag:s12] =	ssyncset.done $0x0  }
0xd6: {  	s13 =	simm.s32 $0x2900;
	[sflag:s12] =	ssyncadd.s32 $0xFFFFD800  }
0xd7: {  	[spmem:s2] =	stream.indirect.scatter.add.f32 [tilespmem:s23], [sflag:$0x4], $0x80, s13, s24, $0xb8;
	[tilespmem:$0x1EB80] =	vst v63  }
0xd8: {  	_ =	swait.ge [sflag:s30], $0x2800  }
0xd9: {  	[sflag:s30] =	ssyncset.done $0x0  }
0xda: {  	[sflag:s30] =	ssyncadd.s32 $0xFFFFD800  }
0xdb: {  	_ =	swait.ge [sflag:s31], $0x2800  }
0xdc: {  	[sflag:s31] =	ssyncset.done $0x0  }
0xdd: {  	s14 =	simm.s32 $0x2980;
	[sflag:s31] =	ssyncadd.s32 $0xFFFFD800  }
0xde: {  	[spmem:s2] =	stream.indirect.scatter.add.f32 [tilespmem:s25], [sflag:$0x5], $0x80, s14, s24, $0xb8;
	[tilespmem:$0x1EB80] =	vst v63  }
0xdf: {  	s20 =	stileid.u32;
	_ =	swait.ge [sflag:s9], $0x2800  }
0xe0: {  	s16 =	sadd.s32 $0x1, s16;
	s0 =	sshll.u32 s20, $0x6;
	[sflag:s9] =	ssyncset.done $0x0  }
0xe1: {  	p1 =	sne.s32 s16, s18;
	s0 =	sor.u32 $0x1C07, s0;
	[sflag:s9] =	ssyncadd.s32 $0xFFFFD800  }
.Ltmp4:
0xe2: {  	s28 =	sshrl.u32 s7, $0x3;
	[bflag:$0x0] =	sbarrier.arrive $0xFFFF;
	(pc) =	sbr.rel @p1 .LBB2_1-.Ltmp4, $4  }
0xe3: {  	[hbm:s17], [sflag:s0] =	dma.local [spmem:s28], $0x2800  }
0xe4: {  	_ =	swait.ge [sflag:s22], $0x2800  }
0xe5: {  	[sflag:s22] =	ssyncset.done $0x0  }
0xe6: {  	[sflag:s22] =	ssyncadd.s32 $0xFFFFD800  }
0xe7: {  	_ =	sfence.sel $0x180000  }
0xe8: {  	[bflag:$0x0] =	sbarrier.arrive $0xFFFF  }
0xe9: {  	_ =	strace $0x9000004A  }
0xea: {  	s0 =	stileid.u32;
	[bflag:$0x2] =	sbarrier.arrive $0xFFFF  }
0xeb: {  	p0 =	sne.s32 s0, $0x0;
	s0 =	rddreg [dreg:$0x2]  }
0xec: {  	s0 =	sadd.s32 @!p0 $0x100000, s0  }
0xed: {  	[sflag:s0] =	ssyncadd.tile.s32 @!p0 $0x1;
	_ =	shalt  }
.Lfunc_end2:
_tile_overlayer_lowered:
.L_overlay_start_2:
0xee: {  	(tag) =	ssettag $0x2  }
0xef: {  	s0 =	rddreg [dreg:$0x0];
	s2 =	stileid.u32  }
0xf0: {  	s1 =	rddreg [dreg:$0x1];
	p0 =	sne.s32 s2, $0x0  }
0xf1: {  	s3 =	rddreg [dreg:$0x2];
	[bflag:$0x3] =	sbarrier.arrive $0xFFFF;
	s2 =	simm.s32 @!p0 $0x1C07  }
0xf2: {  	[timem:s3], [sflag:s2] =	dma.local @!p0 [hbm:s0], s1  }
0xf3: {  	s0 =	simm.s32 @!p0 $0x7  }
0xf4: {  	_ =	swait.ge @!p0 [sflag:s0], s1  }
0xf5: {  	s1 =	ssub.s32 @!p0 $0x0, s1;
	[sflag:s0] =	ssyncset.done @!p0 $0x0  }
0xf6: {  	[sflag:s0] =	ssyncadd.s32 @!p0 s1  }
0xf7: {  	[bflag:$0x3] =	sbarrier.arrive $0xFFFF  }
0xf8: {  	_ =	shalt  }

// kernel: kernel.14.cloned.1.call-start
scs
__scs_entry_jumppad:
0x0: {  	(pc) =	sbr.rel $0x88, $3  }
0x1: {  	(tag) =	ssettag $0x0;
	lr =	simm.s32 $0x1  }
0x2: {  	[smem:$0x3F99] =	sst lr;
	_ =	strace $0xD0000000  }
0x3: {  	_ = 	snop  }
0x4: {  	_ = 	snop  }
0x5: {  	_ = 	snop  }
0x6: {  	_ = 	snop  }
0x7: {  	_ = 	snop  }
__scs_overlays_trampoline_lowered:
0x8: {  	[smem:$0x3FA8] =	sst s0  }
0x9: {  	[smem:$0x3FA9] =	sst s1  }
0xa: {  	[smem:$0x3FAA] =	sst s2  }
0xb: {  	[smem:$0x3FAB] =	sst s3  }
0xc: {  	[smem:$0x3FAC] =	sst s4  }
0xd: {  	[smem:$0x3FAD] =	sst s5  }
0xe: {  	[smem:$0x3FAE] =	sst s6  }
0xf: {  	[smem:$0x3FAF] =	sst s7  }
0x10: {  	[smem:$0x3FB0] =	sst s8  }
0x11: {  	[smem:$0x3FB1] =	sst s9;
	s0 =	simm.s32 @!p0 $0x0  }
0x12: {  	s1 =	sld [smem:$0x3F97];
	s0 =	simm.s32 @p0 $0x1  }
0x13: {  	[smem:$0x3FB2] =	sst s0;
	s0 =	simm.s32 @!p1 $0x0  }
0x14: {  	s2 =	sld [smem:$0x3F96];
	s0 =	simm.s32 @p1 $0x1  }
0x15: {  	[smem:$0x3FB3] =	sst s0;
	s0 =	simm.s32 @!p2 $0x0  }
0x16: {  	s3 =	sld [smem:$0x3FDB];
	s0 =	simm.s32 @p2 $0x1  }
0x17: {  	s4 =	simm.s32 $0x1BF5;
	[smem:$0x3FB5] =	sst s0  }
0x18: {  	s0 =	sld [smem:$0x3F98];
	_ =	swait.ge [sflag:s4], $0x0  }
0x19: {  	s7 =	sld [smem:$0x3F99]  }
0x1a: {  	s8 =	sadd.s32 $0xFFFFE003, lr  }
0x1b: {  	s9 =	sadd.s32 $0xFFFFFEF7, lr;
	s5 =	simm.s32 $0xFFFFFFFF;
	p2 =	slt.u32 s8, $0xFFFFF086  }
0x1c: {  	p1 =	slt.u32 s9, $0xF7A;
	s5 =	simm.s32 @!p2 $0x0  }
0x1d: {  	s5 =	simm.s32 @p1 $0x1;
	p0 =	seq.s32 s7, s2  }
0x1e: {  	s7 =	smul.u32 @!p0 $0xF7A, s2;
	p2 =	seq.s32 @!p0 s5, $0x0  }
0x1f: {  	s9 =	smul.u32 $0xF7A, s1;
	s8 =	simm.s32 @!p0 $0x1BF5;
	p2 =	por !p2, p0  }
0x20: {  	[sflag:s8] =	ssyncset.s32 @!p0 $0xFFFFF086;
	s6 =	sadd.s32 @!p0 s3, s7;
	s7 =	simm.s32 @!p0 $0x108  }
0x21: {  	s3 =	sadd.s32 s3, s9;
	s6 =	sadd.s32 @!p0 $0x88, s6;
	s7 =	simm.s32 @p2 $0x1082  }
0x22: {  	[simem:s7], [sflag:s8] =	dma.local @!p0 [hbm:s6], $0xF7A  }
0x23: {  	s9 =	sor.u32 $0xD0000000, s2;
	s6 =	simm.s32 $0x108;
	_ =	swait.ge @!p0 [sflag:s8], $0x0  }
0x24: {  	s3 =	sadd.s32 $0x88, s3;
	s6 =	simm.s32 @!p1 $0x1082;
	[sflag:s4] =	ssyncset.s32 $0xFFFFF086  }
0x25: {  	[simem:s6], [sflag:s4] =	dma.local [hbm:s3], $0xF7A  }
0x26: {  	[smem:$0x3F99] =	sst s1;
	(tag) =	ssettag s2;
	_ =	strace s9  }
0x27: {  	s1 =	sld [smem:$0x3FA9]  }
0x28: {  	s2 =	sld [smem:$0x3FAA]  }
0x29: {  	s4 =	sld [smem:$0x3FAC]  }
0x2a: {  	p0 =	seq.s32 s5, $0x0;
	s5 =	sld [smem:$0x3FAD]  }
0x2b: {  	s6 =	sld [smem:$0x3FAE]  }
0x2c: {  	s7 =	sld [smem:$0x3FAF]  }
0x2d: {  	s3 =	simm.s32 $0x108;
	s8 =	sld [smem:$0x3FB0]  }
0x2e: {  	s3 =	simm.s32 @!p0 $0x1082;
	s9 =	sld [smem:$0x3FB1]  }
0x2f: {  	lr =	sadd.s32 s0, s3;
	s0 =	sld [smem:$0x3FA8]  }
0x30: {  	s3 =	sld [smem:$0x3FAB]  }
0x31: {  	[smem:$0x3FB4] =	sst s10  }
0x32: {  	s10 =	sld [smem:$0x3FB2];
	_ =	sdelay $0x3  }
0x33: {  	p0 =	seq.s32 s10, $0x1;
	s10 =	sld [smem:$0x3FB4];
	_ =	sdelay $0x3  }
0x34: {  	[smem:$0x3FB4] =	sst s10  }
0x35: {  	s10 =	sld [smem:$0x3FB3];
	_ =	sdelay $0x3  }
0x36: {  	p1 =	seq.s32 s10, $0x1;
	s10 =	sld [smem:$0x3FB4];
	_ =	sdelay $0x3  }
0x37: {  	[smem:$0x3FB4] =	sst s10  }
0x38: {  	s10 =	sld [smem:$0x3FB5]  }
0x39: {  	_ = 	snop;
	(pc) =	sbr.ind lr, $3  }
0x3a: {  	_ = 	snop  }
0x3b: {  	_ = 	snop  }
0x3c: {  	p2 =	seq.s32 s10, $0x1;
	s10 =	sld [smem:$0x3FB4]  }
0x3d: {  	_ =	shalt  }
0x3e: {  	_ =	shalt  }
0x3f: {  	_ =	shalt  }
0x40: {  	_ =	shalt  }
0x41: {  	_ =	shalt  }
0x42: {  	_ =	shalt  }
0x43: {  	_ =	shalt  }
0x44: {  	_ =	shalt  }
0x45: {  	_ =	shalt  }
0x46: {  	_ =	shalt  }
0x47: {  	_ =	shalt  }
0x48: {  	_ =	shalt  }
0x49: {  	_ =	shalt  }
0x4a: {  	_ =	shalt  }
0x4b: {  	_ =	shalt  }
0x4c: {  	_ =	shalt  }
0x4d: {  	_ =	shalt  }
0x4e: {  	_ =	shalt  }
0x4f: {  	_ =	shalt  }
0x50: {  	_ =	shalt  }
0x51: {  	_ =	shalt  }
0x52: {  	_ =	shalt  }
0x53: {  	_ =	shalt  }
0x54: {  	_ =	shalt  }
0x55: {  	_ =	shalt  }
0x56: {  	_ =	shalt  }
0x57: {  	_ =	shalt  }
0x58: {  	_ =	shalt  }
0x59: {  	_ =	shalt  }
0x5a: {  	_ =	shalt  }
0x5b: {  	_ =	shalt  }
0x5c: {  	_ =	shalt  }
0x5d: {  	_ =	shalt  }
0x5e: {  	_ =	shalt  }
0x5f: {  	_ =	shalt  }
0x60: {  	_ =	shalt  }
0x61: {  	_ =	shalt  }
0x62: {  	_ =	shalt  }
0x63: {  	_ =	shalt  }
0x64: {  	_ =	shalt  }
0x65: {  	_ =	shalt  }
0x66: {  	_ =	shalt  }
0x67: {  	_ =	shalt  }
0x68: {  	_ =	shalt  }
0x69: {  	_ =	shalt  }
0x6a: {  	_ =	shalt  }
0x6b: {  	_ =	shalt  }
0x6c: {  	_ =	shalt  }
0x6d: {  	_ =	shalt  }
0x6e: {  	_ =	shalt  }
0x6f: {  	_ =	shalt  }
0x70: {  	_ =	shalt  }
0x71: {  	_ =	shalt  }
0x72: {  	_ =	shalt  }
0x73: {  	_ =	shalt  }
0x74: {  	_ =	shalt  }
0x75: {  	_ =	shalt  }
0x76: {  	_ =	shalt  }
0x77: {  	_ =	shalt  }
0x78: {  	_ =	shalt  }
0x79: {  	_ =	shalt  }
0x7a: {  	_ =	shalt  }
0x7b: {  	_ =	shalt  }
0x7c: {  	_ =	shalt  }
0x7d: {  	_ =	shalt  }
0x7e: {  	_ =	shalt  }
0x7f: {  	_ =	shalt  }
0x80: {  	_ =	shalt  }
0x81: {  	_ =	shalt  }
0x82: {  	_ =	shalt  }
0x83: {  	_ =	shalt  }
0x84: {  	_ =	shalt  }
0x85: {  	_ =	shalt  }
0x86: {  	_ =	shalt  }
0x87: {  	_ =	shalt  }
.Lfunc_end0:
.L_simem_size_0:
called_computation.2_lowered:
.L_overlay_start_0:
0x88: {  	s2 =	sld [smem:$0x3FD9]  }
0x89: {  	s3 =	sld [smem:$0x3FFE];
	_ =	sdelay $0x1  }
0x8a: {  	s1 =	srdreg.scid  }
0x8b: {  	s0 =	sand.u32 $0x1, s1  }
0x8c: {  	s16 =	sshll.u32 s0, $0xA;
	s2 =	sadd.s32 s3, s2  }
0x8d: {  	s2 =	sadd.s32 s2, s16  }
0x8e: {  	[smem:$0x3FC0] =	sst s2  }
0x8f: {  	_ = 	snop  }
0x90: {  	(tm) =	ssettm $0x1  }
0x91: {  	s17 =	sld [smem:$0x3FFB];
	_ =	sdelay $0x3  }
0x92: {  	_ =	strace s17  }
0x93: {  	s2 =	sld [smem:$0x3FFC];
	_ =	sdelay $0x3  }
0x94: {  	_ =	strace s2  }
0x95: {  	s2 =	sld [smem:$0x3FFD];
	_ =	sdelay $0x3  }
0x96: {  	_ =	strace s2  }
0x97: {  	_ =	strace $0x8FFFFFFF  }
0x98: {  	s18 =	sld [smem:$0x3FDB];
	_ =	sdelay $0x1  }
0x99: {  	s19 =	simm.s32 $_scs_section_size  }
0x9a: {  	s4 =	simm.s32 $_size__tile_overlayer_lowered;
	s5 =	simm.s32 $_tile_overlayer_lowered  }
0x9b: {  	s22 =	simm.s32 $0x1BFF;
	s21 =	sshll.u32 s5, $0x1;
	s2 =	sadd.s32 s19, s18  }
0x9c: {  	s6 =	simm.s32 $0x0;
	s20 =	sshll.u32 s4, $0x1;
	s4 =	sadd.s32 s21, s2  }
0x9d: {  	[timem:s6], [sflag:s22] =	dma.local [hbm:s4], s20  }
0x9e: {  	_ =	swait.ge [sflag:s22], s20  }
0x9f: {  	s3 =	ssub.s32 $0x0, s20;
	[sflag:s22] =	ssyncset.done $0x0  }
0xa0: {  	[sflag:s22] =	ssyncadd.s32 s3;
	_ =	sdelay $0x1  }
0xa1: {  	s23 =	simm.s32 $0x1B8B  }
0xa2: {  	_ =	swait.ge [sflag:s23], $0x1  }
0xa3: {  	[sflag:s23] =	ssyncset.done $0x0  }
0xa4: {  	s25 =	simm.s32 $0x1B8E;
	s24 =	sld [smem:$0x3FFE];
	[sflag:s23] =	ssyncadd.s32 $0xFFFFFFFF  }
0xa5: {  	s26 =	simm.s32 $execute0_lowered;
	[smem:$0x3FD2] =	sst s25  }
0xa6: {  	s4 =	sshll.u32 s26, $0x1;
	_ =	strace $0x8000004C;
	[dreg:$0x1] =	wrdreg $0xFFFFFFFF  }
0xa7: {  	s28 =	simm.s32 $_size_execute0_lowered;
	s2 =	sadd.s32 s2, s4;
	[dreg:$0x0] =	wrdreg $0x0  }
0xa8: {  	s4 =	sshll.u32 s28, $0x1;
	[dreg:$0x2] =	wrdreg s2  }
0xa9: {  	[dreg:$0x3] =	wrdreg s4  }
0xaa: {  	[dreg:$0x4] =	wrdreg $0xC0  }
0xab: {  	_ =	task [dreg:s6], $0x5FFFF  }
0xac: {  	[dreg:$0x1] =	wrdreg $0xFFFFFFFF  }
0xad: {  	[dreg:$0x0] =	wrdreg $0x60  }
0xae: {  	[dreg:$0x2] =	wrdreg s24  }
0xaf: {  	[dreg:$0x3] =	wrdreg $0xAB800  }
0xb0: {  	[dreg:$0x4] =	wrdreg $0x9  }
0xb1: {  	_ =	task.clear_ibuf [dreg:s6], $0x5FFFF;
	_ =	strace $0x9000004C  }
0xb2: {  	s29 =	simm.s32 $0x9;
	_ =	strace $0x8000004E  }
0xb3: {  	_ =	swait.ge [sflag:s29], $0x1  }
0xb4: {  	[sflag:s29] =	ssyncadd.s32 $0xFFFFFFFF  }
0xb5: {  	_ =	strace $0x9000004E  }
0xb6: {  	_ =	sfence  }
0xb7: {  	s30 =	sld [smem:$0x0];
	_ =	sdelay $0x2  }
0xb8: {  	s31 =	sshll.u32 s1, $0xD;
	s1 =	sshrl.u32 s1, $0x2  }
0xb9: {  	s3 =	sand.u32 $0x4000, s31;
	s1 =	sadd.s32 s1, s30  }
0xba: {  	s0 =	sor.u32 s3, s0;
	s1 =	sshll.u32 s1, $0x11  }
0xbb: {  	s0 =	sor.u32 s1, s0  }
0xbc: {  	s0 =	sadd.s32 $0x8F2B, s0  }
0xbd: {  	[sflag:s0] =	ssyncadd.remote.s32 $0x1  }
0xbe: {  	_ =	sfence.sel $0xFFFF  }
0xbf: {  	[dreg:$0x0] =	wrdreg $0xFFFFFFFF;
	(pc) =	sbr.abs _section_cstart, $3  }
0xc0: {  	[dreg:$0x1] =	wrdreg $0xFFFFFFFF  }
0xc1: {  	_ =	task.clear_ibuf [dreg:s6], $0x2FFFF;
	_ =	strace $0x9FFFFFFF  }
0xc2: {  	(tm) =	ssettm $0x7FFFFFFF  }
0xc3: {  	_ =	shalt  }
tec
execute0_lowered:
.L_overlay_start_1:
0x0: {  	(tag) =	ssettag $0x1  }
0x1: {  	s0 =	stileid.u32  }
0x2: {  	s1 =	srdreg.scid;
	s8 =	smul.u32 $0x14000, s0  }
0x3: {  	s6 =	rddreg [dreg:$0x0];
	s11 =	smul.u32 $0x50000, s0  }
0x4: {  	s2 =	rddreg [dreg:$0x1];
	s18 =	smul.u32 $0x2800, s0  }
0x5: {  	s29 =	simm.s32 $0x8380;
	s1 =	sand.u32 $0x1, s1;
	s21 =	smul.u32 $0x4800, s0  }
0x6: {  	s30 =	simm.s32 $0x4;
	s3 =	sshrl.u32 s0, $0x3;
	s4 =	smul.u32 $0x27800, s1  }
0x7: {  	s31 =	simm.s32 $0x2;
	s7 =	sshll.u32 s0, $0x7;
	s5 =	smul.u32 $0x13C00, s3  }
0x8: {  	s3 =	simm.s32 $0x0;
	s12 =	sand.u32 $0x380, s7;
	s13 =	smul.u32 $0x140000, s1  }
0x9: {  	s15 =	ssub.s32 $0x2, s1;
	p0 =	seq.s32 s1, $0x1;
	s1 =	smul.u32 $0x48000, s1  }
0xa: {  	[smem:$0x7FF] =	sst s3;
	s10 =	sshrl.u32 s15, $0x1;
	s17 =	sshrl.u32 s11, $0x2  }
0xb: {  	s4 =	sadd.s32 s4, s5;
	_ =	strace $0x8000004D;
	s14 =	sadd.s32 s8, s13  }
0xc: {  	s10 =	ssub.s32 s15, s10;
	s7 =	sadd.s32 s17, s2;
	s15 =	sadd.s32 s21, s1  }
0xd: {  	s21 =	simm.s32 $0x6;
	s5 =	sor.u32 s12, s4;
	s20 =	sadd.s32 $0x2800, s7  }
0xe: {  	s4 =	sadd.s32 $0x2E800, s6;
	s22 =	sadd.s32 $0x5000, s7;
	[dreg:$0x5] =	wrdreg s20  }
0xf: {  	s8 =	sshrl.u32 s14, $0x3;
	s23 =	sadd.s32 $0x7800, s7;
	[dreg:$0x6] =	wrdreg s22  }
0x10: {  	s24 =	sadd.s32 $0xA000, s7;
	s25 =	sadd.s32 $0xC800, s7;
	[dreg:$0x7] =	wrdreg s23  }
0x11: {  	s26 =	sadd.s32 $0xF000, s7;
	s28 =	sadd.s32 $0x11800, s7;
	[dreg:$0x8] =	wrdreg s24  }
0x12: {  	s1 =	sshrl.u32 s15, $0x3;
	s12 =	simm.s32 $0x1;
	[dreg:$0x9] =	wrdreg s25  }
0x13: {  	s5 =	sshrl.u32 s5, $0x3;
	s8 =	sadd.s32 s8, s6;
	[dreg:$0xa] =	wrdreg s26  }
0x14: {  	s19 =	sadd.s32 s4, s18;
	[dreg:$0xb] =	wrdreg s28;
	s18 =	smax.u32 s10, $0x1  }
0x15: {  	s22 =	simm.s32 $0x7;
	s23 =	simm.s32 $0x3380;
	s24 =	simm.s32 $0x50  }
0x16: {  	s25 =	simm.s32 $0x5B80;
	s26 =	simm.s32 $0x2780;
	s10 =	simm.s32 $0x3  }
0x17: {  	s9 =	sadd.s32 s5, s6;
	s5 =	sadd.s32 $0x1C800, s6;
	[dreg:$0x4] =	wrdreg s19  }
0x18: {  	s17 =	sadd.s32 $0x56800, s8;
	s16 =	sadd.s32 $0x12A00, s9;
	s19 =	sadd.s32 s5, s1  }
0x19: {  	v0 =	vimm.f32 $0.0e+00;
	s9 =	simm.s32 $0x5;
	[dreg:$0x3] =	wrdreg s16;
	s16 =	simm.s32 $0x0  }
.LBB2_1:
0x1a: {  	s0 =	rddreg [dreg:$0x3]  }
.Ltmp0:
0x1b: {  	s1 =	simm.s32 $0x80;
	s6 =	simm.s32 $0x400;
	(pc) =	sbr.rel @!p0 .LBB2_2-.Ltmp0, $4  }
0x1c: {  	[tilespmem:s3], [sflag:$0x7] =	stream.strided.gather [hbm4b:s0+s1], $0x2780, s6, s1, $0x38;
	[tilespmem:$0x1EB80] =	vst v63  }
0x1d: {  	_ =	swait.ge [sflag:s22], $0x2780  }
0x1e: {  	[sflag:s22] =	ssyncset.done $0x0  }
0x1f: {  	[sflag:s22] =	ssyncadd.s32 $0xFFFFD880  }
0x20: {  	s1 =	sand.u32 $0xFE00, s3  }
0x21: {  	s8 =	sand.u32 $0x70, s3;
	s11 =	sshrl.u32 s1, $0x2  }
0x22: {  	s1 =	simm.s32 $0x40;
	s11 =	sor.u32 s8, s11;
	s8 =	simm.s32 $0x0  }
.LBB2_4:
0x23: {  	p1 =	sne.s32 s1, $0x9FC0  }
0x24: {  	[tilespmem:s11+$0x3380] =	vst v0;
	s8 =	sadd.s32 $0x10, s8;
	s11 =	smov.u32 s1;
	s1 =	sadd.s32 $0x40, s1  }
.Ltmp1:
0x25: {  	(pc) =	sbr.rel @p1 .LBB2_4-.Ltmp1, $4  }
0x26: {  	_ = 	snop  }
0x27: {  	s11 =	sand.u32 $0xFE00, s11  }
0x28: {  	s13 =	sand.u32 $0x70, s8;
	s11 =	sshrl.u32 s11, $0x2  }
0x29: {  	s11 =	sor.u32 s13, s11  }
0x2a: {  	[tilespmem:s11+$0x3380] =	vst v0  }
0x2b: {  	[spmem:s7] =	stream.linear.scatter [tilespmem:s23], [sflag:$0x7], $0x2800, $0x38;
	[tilespmem:$0x1EB80] =	vst v63  }
0x2c: {  	_ =	swait.ge [sflag:s22], $0x2800  }
0x2d: {  	[sflag:s22] =	ssyncset.done $0x0  }
0x2e: {  	s0 =	rddreg [dreg:$0x5];
	[sflag:s22] =	ssyncadd.s32 $0xFFFFD800  }
0x2f: {  	[spmem:s0] =	stream.linear.scatter [tilespmem:s23], [sflag:$0x7], $0x2800, $0x38;
	[tilespmem:$0x1EB80] =	vst v63  }
0x30: {  	_ =	swait.ge [sflag:s22], $0x2800  }
0x31: {  	[sflag:s22] =	ssyncset.done $0x0  }
0x32: {  	s8 =	rddreg [dreg:$0x6];
	[sflag:s22] =	ssyncadd.s32 $0xFFFFD800  }
0x33: {  	[spmem:s8] =	stream.linear.scatter [tilespmem:s23], [sflag:$0x7], $0x2800, $0x38;
	[tilespmem:$0x1EB80] =	vst v63  }
0x34: {  	_ =	swait.ge [sflag:s22], $0x2800  }
0x35: {  	[sflag:s22] =	ssyncset.done $0x0  }
0x36: {  	s11 =	rddreg [dreg:$0x7];
	[sflag:s22] =	ssyncadd.s32 $0xFFFFD800  }
0x37: {  	[spmem:s11] =	stream.linear.scatter [tilespmem:s23], [sflag:$0x7], $0x2800, $0x38;
	[tilespmem:$0x1EB80] =	vst v63  }
0x38: {  	_ =	swait.ge [sflag:s22], $0x2800  }
0x39: {  	[sflag:s22] =	ssyncset.done $0x0  }
0x3a: {  	s13 =	rddreg [dreg:$0x8];
	[sflag:s22] =	ssyncadd.s32 $0xFFFFD800  }
0x3b: {  	[spmem:s13] =	stream.linear.scatter [tilespmem:s23], [sflag:$0x7], $0x2800, $0x38;
	[tilespmem:$0x1EB80] =	vst v63  }
0x3c: {  	_ =	swait.ge [sflag:s22], $0x2800  }
0x3d: {  	[sflag:s22] =	ssyncset.done $0x0  }
0x3e: {  	s14 =	rddreg [dreg:$0x9];
	[sflag:s22] =	ssyncadd.s32 $0xFFFFD800  }
0x3f: {  	[spmem:s14] =	stream.linear.scatter [tilespmem:s23], [sflag:$0x7], $0x2800, $0x38;
	[tilespmem:$0x1EB80] =	vst v63  }
0x40: {  	_ =	swait.ge [sflag:s22], $0x2800  }
0x41: {  	[sflag:s22] =	ssyncset.done $0x0  }
0x42: {  	s20 =	rddreg [dreg:$0xa];
	[sflag:s22] =	ssyncadd.s32 $0xFFFFD800  }
0x43: {  	[spmem:s20] =	stream.linear.scatter [tilespmem:s23], [sflag:$0x7], $0x2800, $0x38;
	[tilespmem:$0x1EB80] =	vst v63  }
.Ltmp2:
0x44: {  	_ = 	snop;
	(pc) =	sbr.rel .LBB2_6-.Ltmp2, $4  }
0x45: {  	_ =	swait.ge [sflag:s22], $0x2800  }
0x46: {  	[sflag:s22] =	ssyncset.done $0x0  }
0x47: {  	s28 =	rddreg [dreg:$0xb];
	[sflag:s22] =	ssyncadd.s32 $0xFFFFD800  }
0x48: {  	[spmem:s28] =	stream.linear.scatter [tilespmem:s23], [sflag:$0x7], $0x2800, $0x38;
	[tilespmem:$0x1EB80] =	vst v63  }
.LBB2_2:
0x49: {  	s0 =	stileid.u32  }
0x4a: {  	s1 =	sshll.u32 s0, $0x6  }
0x4b: {  	s8 =	sshrl.u32 s7, $0x3;
	s28 =	rddreg [dreg:$0x4];
	s1 =	sor.u32 $0x1C07, s1  }
0x4c: {  	[spmem:s8], [sflag:s1] =	dma.local [hbm:s28], $0x2800  }
.LBB2_6:
0x4d: {  	_ =	swait.ge [sflag:s22], $0x2800  }
0x4e: {  	[sflag:s22] =	ssyncset.done $0x0  }
0x4f: {  	[sflag:s22] =	ssyncadd.s32 $0xFFFFD800  }
0x50: {  	[bflag:$0x0] =	sbarrier.arrive $0xFFFF  }
0x51: {  	[tilespmem:s23], [sflag:$0x1] =	stream.indirect.gather [hbm4b:s4+s24], $0x80, s3, s24, $0xb8;
	[tilespmem:$0x1EB80] =	vst v63  }
0x52: {  	_ = 	snop  }
0x53: {  	[tilespmem:s25], [sflag:$0x2] =	stream.indirect.gather [hbm4b:s4+s24], $0x80, s24, s24, $0xb8;
	[tilespmem:$0x1EB80] =	vst v63  }
0x54: {  	_ = 	snop  }
0x55: {  	[tilespmem:s26], [sflag:$0x7] =	stream.linear.gather [hbm4b:s19+s3], $0xC00, $0x38;
	[tilespmem:$0x1EB80] =	vst v63  }
0x56: {  	_ =	swait.ge [sflag:s22], $0xC00  }
0x57: {  	[sflag:s22] =	ssyncset.done $0x0  }
0x58: {  	s1 =	simm.s32 $0x1;
	[sflag:s22] =	ssyncadd.s32 $0xFFFFF400  }
0x59: {  	_ =	swait.ge [sflag:s1], $0x2800  }
0x5a: {  	[sflag:s1] =	ssyncset.done $0x0  }
0x5b: {  	[sflag:s1] =	ssyncadd.s32 $0xFFFFD800  }
0x5c: {  	[spmem:s2] =	stream.indirect.scatter.add.f32 [tilespmem:s23], [sflag:$0x4], $0x80, s26, s24, $0xb8;
	[tilespmem:$0x1EB80] =	vst v63  }
0x5d: {  	s0 =	simm.s32 $0xA0  }
0x5e: {  	[tilespmem:s29], [sflag:$0x3] =	stream.indirect.gather [hbm4b:s4+s24], $0x80, s0, s24, $0xb8;
	[tilespmem:$0x1EB80] =	vst v63  }
0x5f: {  	_ =	swait.ge [sflag:s30], $0x2800  }
0x60: {  	[sflag:s30] =	ssyncset.done $0x0  }
0x61: {  	[sflag:s30] =	ssyncadd.s32 $0xFFFFD800  }
0x62: {  	_ =	swait.ge [sflag:s31], $0x2800  }
0x63: {  	[sflag:s31] =	ssyncset.done $0x0  }
0x64: {  	s11 =	simm.s32 $0x2800;
	[sflag:s31] =	ssyncadd.s32 $0xFFFFD800  }
0x65: {  	[spmem:s2] =	stream.indirect.scatter.add.f32 [tilespmem:s25], [sflag:$0x5], $0x80, s11, s24, $0xb8;
	[tilespmem:$0x1EB80] =	vst v63  }
0x66: {  	s13 =	simm.s32 $0xF0  }
0x67: {  	[tilespmem:s23], [sflag:$0x1] =	stream.indirect.gather [hbm4b:s4+s24], $0x80, s13, s24, $0xb8;
	[tilespmem:$0x1EB80] =	vst v63  }
0x68: {  	_ =	swait.ge [sflag:s9], $0x2800  }
0x69: {  	[sflag:s9] =	ssyncset.done $0x0  }
0x6a: {  	s1 =	sand.u32 $0x7, s1;
	[sflag:s9] =	ssyncadd.s32 $0xFFFFD800  }
0x6b: {  	p1 =	sne.s32 s1, $0x0;
	_ =	swait.ge [sflag:s10], $0x2800  }
0x6c: {  	s8 =	simm.s32 @!p1 $0x0;
	[sflag:s10] =	ssyncset.done $0x0  }
0x6d: {  	s14 =	simm.s32 $0x2880;
	s8 =	smul.u32 @!p1 $0xC00, s8;
	[sflag:s10] =	ssyncadd.s32 $0xFFFFD800  }
0x6e: {  	[spmem:s2] =	stream.indirect.scatter.add.f32 [tilespmem:s29], [sflag:$0x6], $0x80, s14, s24, $0xb8;
	[tilespmem:$0x1EB80] =	vst v63  }
0x6f: {  	s20 =	simm.s32 $0x140;
	s8 =	sadd.s32 @!p1 s8, s15  }
0x70: {  	[tilespmem:s25], [sflag:$0x2] =	stream.indirect.gather [hbm4b:s4+s24], $0x80, s20, s24, $0xb8;
	[tilespmem:$0x1EB80] =	vst v63  }
0x71: {  	s8 =	sshrl.u32 @!p1 s8, $0x3;
	_ =	swait.ge [sflag:s21], $0x2800  }
0x72: {  	s8 =	sadd.s32 @!p1 s5, s8;
	s11 =	simm.s32 @!p1 $0x7;
	[sflag:s21] =	ssyncset.done $0x0  }
0x73: {  	s13 =	simm.s32 @!p1 $0x0;
	s20 =	simm.s32 @!p1 $0x2780;
	[sflag:s21] =	ssyncadd.s32 $0xFFFFD800  }
0x74: {  	[tilespmem:s20], [sflag:$0x7] =	stream.linear.gather @!p1 [hbm4b:s8+s13], $0xC00, $0x38;
	[tilespmem:$0x1EB80] =	vst v63  }
0x75: {  	_ =	swait.ge @!p1 [sflag:s11], $0xC00  }
0x76: {  	[sflag:s11] =	ssyncset.done @!p1 $0x0  }
0x77: {  	s1 =	smul.u32 $0x600, s1;
	[sflag:s11] =	ssyncadd.s32 @!p1 $0xFFFFF400  }
0x78: {  	_ =	swait.ge [sflag:s12], $0x2800  }
0x79: {  	s6 =	sshrl.u32 s1, $0x2;
	[sflag:s12] =	ssyncset.done $0x0  }
0x7a: {  	s1 =	sadd.s32 $0x2780, s6;
	[sflag:s12] =	ssyncadd.s32 $0xFFFFD800  }
0x7b: {  	[spmem:s2] =	stream.indirect.scatter.add.f32 [tilespmem:s23], [sflag:$0x4], $0x80, s1, s24, $0xb8;
	[tilespmem:$0x1EB80] =	vst v63  }
0x7c: {  	s8 =	simm.s32 $0x190  }
0x7d: {  	[tilespmem:s29], [sflag:$0x3] =	stream.indirect.gather [hbm4b:s4+s24], $0x80, s8, s24, $0xb8;
	[tilespmem:$0x1EB80] =	vst v63  }
0x7e: {  	_ =	swait.ge [sflag:s30], $0x2800  }
0x7f: {  	[sflag:s30] =	ssyncset.done $0x0  }
0x80: {  	[sflag:s30] =	ssyncadd.s32 $0xFFFFD800  }
0x81: {  	_ =	swait.ge [sflag:s31], $0x2800  }
0x82: {  	[sflag:s31] =	ssyncset.done $0x0  }
0x83: {  	s11 =	sadd.s32 $0x2800, s6;
	[sflag:s31] =	ssyncadd.s32 $0xFFFFD800  }
0x84: {  	[spmem:s2] =	stream.indirect.scatter.add.f32 [tilespmem:s25], [sflag:$0x5], $0x80, s11, s24, $0xb8;
	[tilespmem:$0x1EB80] =	vst v63  }
0x85: {  	s14 =	simm.s32 $0x1E0  }
0x86: {  	[tilespmem:s23], [sflag:$0x1] =	stream.indirect.gather [hbm4b:s4+s24], $0x80, s14, s24, $0xb8;
	[tilespmem:$0x1EB80] =	vst v63  }
0x87: {  	s28 =	simm.s32 $0x320;
	_ =	swait.ge [sflag:s9], $0x2800  }
0x88: {  	s20 =	simm.s32 $0x2;
	s13 =	sadd.s32 $0x2880, s6;
	[sflag:s9] =	ssyncset.done $0x0  }
0x89: {  	s1 =	simm.s32 $0x230;
	s11 =	sand.u32 $0x7, s20;
	[sflag:s9] =	ssyncadd.s32 $0xFFFFD800  }
0x8a: {  	s8 =	simm.s32 $0x3;
	p2 =	sne.s32 s11, $0x0;
	_ =	swait.ge [sflag:s10], $0x2800  }
0x8b: {  	s11 =	smul.u32 $0x600, s11;
	s20 =	simm.s32 @!p2 $0x0;
	[sflag:s10] =	ssyncset.done $0x0  }
.LBB2_7:
0x8c: {  	s14 =	smul.u32 @!p2 $0xC00, s20  }
0x8d: {  	[sflag:s10] =	ssyncadd.s32 $0xFFFFD800;
	s20 =	smov.u32 s8;
	s8 =	sadd.s32 $0x1, s8  }
0x8e: {  	[spmem:s2] =	stream.indirect.scatter.add.f32 [tilespmem:s29], [sflag:$0x6], $0x80, s13, s24, $0xb8;
	[tilespmem:$0x1EB80] =	vst v63  }
0x8f: {  	p1 =	sne.s32 s8, $0x29;
	s13 =	sadd.s32 @!p2 s14, s15  }
0x90: {  	s13 =	sshrl.u32 @!p2 s13, $0x3  }
0x91: {  	[tilespmem:s25], [sflag:$0x2] =	stream.indirect.gather [hbm4b:s4+s24], $0x80, s1, s24, $0xb8;
	[tilespmem:$0x1EB80] =	vst v63  }
0x92: {  	s13 =	sadd.s32 @!p2 s5, s13;
	s1 =	smov.u32 s28;
	_ =	swait.ge [sflag:s21], $0x2800  }
0x93: {  	s14 =	simm.s32 @!p2 $0x7;
	[sflag:s21] =	ssyncset.done $0x0  }
0x94: {  	s0 =	simm.s32 @!p2 $0x0;
	s6 =	simm.s32 @!p2 $0x2780;
	[sflag:s21] =	ssyncadd.s32 $0xFFFFD800  }
0x95: {  	[tilespmem:s6], [sflag:$0x7] =	stream.linear.gather @!p2 [hbm4b:s13+s0], $0xC00, $0x38;
	[tilespmem:$0x1EB80] =	vst v63  }
0x96: {  	_ =	swait.ge @!p2 [sflag:s14], $0xC00  }
0x97: {  	[sflag:s14] =	ssyncset.done @!p2 $0x0  }
0x98: {  	[sflag:s14] =	ssyncadd.s32 @!p2 $0xFFFFF400  }
0x99: {  	_ =	swait.ge [sflag:s12], $0x2800  }
0x9a: {  	s0 =	sshrl.u32 s11, $0x2;
	[sflag:s12] =	ssyncset.done $0x0  }
0x9b: {  	s6 =	sadd.s32 $0x2780, s0;
	[sflag:s12] =	ssyncadd.s32 $0xFFFFD800  }
0x9c: {  	[spmem:s2] =	stream.indirect.scatter.add.f32 [tilespmem:s23], [sflag:$0x4], $0x80, s6, s24, $0xb8;
	[tilespmem:$0x1EB80] =	vst v63  }
0x9d: {  	s6 =	sadd.s32 $0xFFFFFF60, s28  }
0x9e: {  	[tilespmem:s29], [sflag:$0x3] =	stream.indirect.gather [hbm4b:s4+s24], $0x80, s6, s24, $0xb8;
	[tilespmem:$0x1EB80] =	vst v63  }
0x9f: {  	_ =	swait.ge [sflag:s30], $0x2800  }
0xa0: {  	[sflag:s30] =	ssyncset.done $0x0  }
0xa1: {  	[sflag:s30] =	ssyncadd.s32 $0xFFFFD800  }
0xa2: {  	_ =	swait.ge [sflag:s31], $0x2800  }
0xa3: {  	[sflag:s31] =	ssyncset.done $0x0  }
0xa4: {  	s6 =	sadd.s32 $0x2800, s0;
	[sflag:s31] =	ssyncadd.s32 $0xFFFFD800  }
0xa5: {  	[spmem:s2] =	stream.indirect.scatter.add.f32 [tilespmem:s25], [sflag:$0x5], $0x80, s6, s24, $0xb8;
	[tilespmem:$0x1EB80] =	vst v63  }
0xa6: {  	s6 =	sadd.s32 $0xFFFFFFB0, s28  }
0xa7: {  	[tilespmem:s23], [sflag:$0x1] =	stream.indirect.gather [hbm4b:s4+s24], $0x80, s6, s24, $0xb8;
	[tilespmem:$0x1EB80] =	vst v63  }
.Ltmp3:
0xa8: {  	_ =	swait.ge [sflag:s9], $0x2800;
	(pc) =	sbr.rel @p1 .LBB2_7-.Ltmp3, $4  }
0xa9: {  	[sflag:s9] =	ssyncset.done $0x0  }
0xaa: {  	s28 =	sadd.s32 $0xF0, s28;
	s6 =	sand.u32 $0x7, s20;
	[sflag:s9] =	ssyncadd.s32 $0xFFFFD800  }
0xab: {  	p2 =	sne.s32 s6, $0x0;
	s11 =	smul.u32 $0x600, s6;
	_ =	swait.ge [sflag:s10], $0x2800  }
0xac: {  	s13 =	sadd.s32 $0x2880, s0;
	s20 =	sshrl.u32 @!p2 s20, $0x3;
	[sflag:s10] =	ssyncset.done $0x0  }
0xad: {  	[sflag:s10] =	ssyncadd.s32 $0xFFFFD800  }
0xae: {  	[spmem:s2] =	stream.indirect.scatter.add.f32 [tilespmem:s29], [sflag:$0x6], $0x80, s13, s24, $0xb8;
	[tilespmem:$0x1EB80] =	vst v63  }
0xaf: {  	s0 =	smul.u32 @!p2 $0xC00, s20  }
0xb0: {  	[tilespmem:s25], [sflag:$0x2] =	stream.indirect.gather [hbm4b:s4+s24], $0x80, s1, s24, $0xb8;
	[tilespmem:$0x1EB80] =	vst v63  }
0xb1: {  	s0 =	sadd.s32 @!p2 s0, s15;
	_ =	swait.ge [sflag:s21], $0x2800  }
0xb2: {  	s6 =	simm.s32 @!p2 $0x2780;
	s0 =	sshrl.u32 @!p2 s0, $0x3;
	[sflag:s21] =	ssyncset.done $0x0  }
0xb3: {  	s1 =	simm.s32 @!p2 $0x0;
	s0 =	sadd.s32 @!p2 s5, s0;
	[sflag:s21] =	ssyncadd.s32 $0xFFFFD800  }
0xb4: {  	[tilespmem:s6], [sflag:$0x7] =	stream.linear.gather @!p2 [hbm4b:s0+s1], $0xC00, $0x38;
	[tilespmem:$0x1EB80] =	vst v63  }
0xb5: {  	s0 =	simm.s32 @!p2 $0x7  }
0xb6: {  	_ =	swait.ge @!p2 [sflag:s0], $0xC00  }
0xb7: {  	[sflag:s0] =	ssyncset.done @!p2 $0x0  }
0xb8: {  	[sflag:s0] =	ssyncadd.s32 @!p2 $0xFFFFF400  }
0xb9: {  	_ =	swait.ge [sflag:s12], $0x2800  }
0xba: {  	s14 =	sshrl.u32 s11, $0x2;
	[sflag:s12] =	ssyncset.done $0x0  }
0xbb: {  	s20 =	sadd.s32 $0x2780, s14;
	[sflag:s12] =	ssyncadd.s32 $0xFFFFD800  }
0xbc: {  	[spmem:s2] =	stream.indirect.scatter.add.f32 [tilespmem:s23], [sflag:$0x4], $0x80, s20, s24, $0xb8;
	[tilespmem:$0x1EB80] =	vst v63  }
0xbd: {  	s6 =	sadd.s32 $0xFFFFFF60, s28  }
0xbe: {  	[tilespmem:s29], [sflag:$0x3] =	stream.indirect.gather [hbm4b:s4+s24], $0x80, s6, s24, $0xb8;
	[tilespmem:$0x1EB80] =	vst v63  }
0xbf: {  	_ =	swait.ge [sflag:s30], $0x2800  }
0xc0: {  	[sflag:s30] =	ssyncset.done $0x0  }
0xc1: {  	[sflag:s30] =	ssyncadd.s32 $0xFFFFD800  }
0xc2: {  	_ =	swait.ge [sflag:s31], $0x2800  }
0xc3: {  	[sflag:s31] =	ssyncset.done $0x0  }
0xc4: {  	s8 =	sadd.s32 $0x2800, s14;
	[sflag:s31] =	ssyncadd.s32 $0xFFFFD800  }
0xc5: {  	[spmem:s2] =	stream.indirect.scatter.add.f32 [tilespmem:s25], [sflag:$0x5], $0x80, s8, s24, $0xb8;
	[tilespmem:$0x1EB80] =	vst v63  }
0xc6: {  	s11 =	sadd.s32 $0xFFFFFFB0, s28  }
0xc7: {  	[tilespmem:s23], [sflag:$0x1] =	stream.indirect.gather [hbm4b:s4+s24], $0x80, s11, s24, $0xb8;
	[tilespmem:$0x1EB80] =	vst v63  }
0xc8: {  	_ =	swait.ge [sflag:s9], $0x2800  }
0xc9: {  	[sflag:s9] =	ssyncset.done $0x0  }
0xca: {  	[sflag:s9] =	ssyncadd.s32 $0xFFFFD800  }
0xcb: {  	_ =	swait.ge [sflag:s10], $0x2800  }
0xcc: {  	[sflag:s10] =	ssyncset.done $0x0  }
0xcd: {  	s0 =	sadd.s32 $0x2880, s14;
	[sflag:s10] =	ssyncadd.s32 $0xFFFFD800  }
0xce: {  	[spmem:s2] =	stream.indirect.scatter.add.f32 [tilespmem:s29], [sflag:$0x6], $0x80, s0, s24, $0xb8;
	[tilespmem:$0x1EB80] =	vst v63  }
0xcf: {  	_ = 	snop  }
0xd0: {  	[tilespmem:s25], [sflag:$0x2] =	stream.indirect.gather [hbm4b:s4+s24], $0x80, s28, s24, $0xb8;
	[tilespmem:$0x1EB80] =	vst v63  }
0xd1: {  	_ =	swait.ge [sflag:s21], $0x2800  }
0xd2: {  	[sflag:s21] =	ssyncset.done $0x0  }
0xd3: {  	[sflag:s21] =	ssyncadd.s32 $0xFFFFD800  }
0xd4: {  	_ =	swait.ge [sflag:s12], $0x2800  }
0xd5: {  	[sflag:s12] =	ssyncset.done $0x0  }
0xd6: {  	s13 =	simm.s32 $0x2900;
	[sflag:s12] =	ssyncadd.s32 $0xFFFFD800  }
0xd7: {  	[spmem:s2] =	stream.indirect.scatter.add.f32 [tilespmem:s23], [sflag:$0x4], $0x80, s13, s24, $0xb8;
	[tilespmem:$0x1EB80] =	vst v63  }
0xd8: {  	_ =	swait.ge [sflag:s30], $0x2800  }
0xd9: {  	[sflag:s30] =	ssyncset.done $0x0  }
0xda: {  	[sflag:s30] =	ssyncadd.s32 $0xFFFFD800  }
0xdb: {  	_ =	swait.ge [sflag:s31], $0x2800  }
0xdc: {  	[sflag:s31] =	ssyncset.done $0x0  }
0xdd: {  	s14 =	simm.s32 $0x2980;
	[sflag:s31] =	ssyncadd.s32 $0xFFFFD800  }
0xde: {  	[spmem:s2] =	stream.indirect.scatter.add.f32 [tilespmem:s25], [sflag:$0x5], $0x80, s14, s24, $0xb8;
	[tilespmem:$0x1EB80] =	vst v63  }
0xdf: {  	s20 =	stileid.u32;
	_ =	swait.ge [sflag:s9], $0x2800  }
0xe0: {  	s16 =	sadd.s32 $0x1, s16;
	s0 =	sshll.u32 s20, $0x6;
	[sflag:s9] =	ssyncset.done $0x0  }
0xe1: {  	p1 =	sne.s32 s16, s18;
	s0 =	sor.u32 $0x1C07, s0;
	[sflag:s9] =	ssyncadd.s32 $0xFFFFD800  }
.Ltmp4:
0xe2: {  	s28 =	sshrl.u32 s7, $0x3;
	[bflag:$0x0] =	sbarrier.arrive $0xFFFF;
	(pc) =	sbr.rel @p1 .LBB2_1-.Ltmp4, $4  }
0xe3: {  	[hbm:s17], [sflag:s0] =	dma.local [spmem:s28], $0x2800  }
0xe4: {  	_ =	swait.ge [sflag:s22], $0x2800  }
0xe5: {  	[sflag:s22] =	ssyncset.done $0x0  }
0xe6: {  	[sflag:s22] =	ssyncadd.s32 $0xFFFFD800  }
0xe7: {  	_ =	sfence.sel $0x180000  }
0xe8: {  	[bflag:$0x0] =	sbarrier.arrive $0xFFFF  }
0xe9: {  	_ =	strace $0x9000004D  }
0xea: {  	s0 =	stileid.u32;
	[bflag:$0x2] =	sbarrier.arrive $0xFFFF  }
0xeb: {  	p0 =	sne.s32 s0, $0x0;
	s0 =	rddreg [dreg:$0x2]  }
0xec: {  	s0 =	sadd.s32 @!p0 $0x100000, s0  }
0xed: {  	[sflag:s0] =	ssyncadd.tile.s32 @!p0 $0x1;
	_ =	shalt  }
.Lfunc_end2:
_tile_overlayer_lowered:
.L_overlay_start_2:
0xee: {  	(tag) =	ssettag $0x2  }
0xef: {  	s0 =	rddreg [dreg:$0x0];
	s2 =	stileid.u32  }
0xf0: {  	s1 =	rddreg [dreg:$0x1];
	p0 =	sne.s32 s2, $0x0  }
0xf1: {  	s3 =	rddreg [dreg:$0x2];
	[bflag:$0x3] =	sbarrier.arrive $0xFFFF;
	s2 =	simm.s32 @!p0 $0x1C07  }
0xf2: {  	[timem:s3], [sflag:s2] =	dma.local @!p0 [hbm:s0], s1  }
0xf3: {  	s0 =	simm.s32 @!p0 $0x7  }
0xf4: {  	_ =	swait.ge @!p0 [sflag:s0], s1  }
0xf5: {  	s1 =	ssub.s32 @!p0 $0x0, s1;
	[sflag:s0] =	ssyncset.done @!p0 $0x0  }
0xf6: {  	[sflag:s0] =	ssyncadd.s32 @!p0 s1  }
0xf7: {  	[bflag:$0x3] =	sbarrier.arrive $0xFFFF  }
0xf8: {  	_ =	shalt  }

// kernel: kernel.8.cloned.1.call-start
scs
__scs_entry_jumppad:
0x0: {  	(pc) =	sbr.rel $0x88, $3  }
0x1: {  	(tag) =	ssettag $0x0;
	lr =	simm.s32 $0x1  }
0x2: {  	[smem:$0x3F99] =	sst lr;
	_ =	strace $0xD0000000  }
0x3: {  	_ = 	snop  }
0x4: {  	_ = 	snop  }
0x5: {  	_ = 	snop  }
0x6: {  	_ = 	snop  }
0x7: {  	_ = 	snop  }
__scs_overlays_trampoline_lowered:
0x8: {  	[smem:$0x3FA8] =	sst s0  }
0x9: {  	[smem:$0x3FA9] =	sst s1  }
0xa: {  	[smem:$0x3FAA] =	sst s2  }
0xb: {  	[smem:$0x3FAB] =	sst s3  }
0xc: {  	[smem:$0x3FAC] =	sst s4  }
0xd: {  	[smem:$0x3FAD] =	sst s5  }
0xe: {  	[smem:$0x3FAE] =	sst s6  }
0xf: {  	[smem:$0x3FAF] =	sst s7  }
0x10: {  	[smem:$0x3FB0] =	sst s8  }
0x11: {  	[smem:$0x3FB1] =	sst s9;
	s0 =	simm.s32 @!p0 $0x0  }
0x12: {  	s1 =	sld [smem:$0x3F97];
	s0 =	simm.s32 @p0 $0x1  }
0x13: {  	[smem:$0x3FB2] =	sst s0;
	s0 =	simm.s32 @!p1 $0x0  }
0x14: {  	s2 =	sld [smem:$0x3F96];
	s0 =	simm.s32 @p1 $0x1  }
0x15: {  	[smem:$0x3FB3] =	sst s0;
	s0 =	simm.s32 @!p2 $0x0  }
0x16: {  	s3 =	sld [smem:$0x3FDB];
	s0 =	simm.s32 @p2 $0x1  }
0x17: {  	s4 =	simm.s32 $0x1BF5;
	[smem:$0x3FB5] =	sst s0  }
0x18: {  	s0 =	sld [smem:$0x3F98];
	_ =	swait.ge [sflag:s4], $0x0  }
0x19: {  	s7 =	sld [smem:$0x3F99]  }
0x1a: {  	s8 =	sadd.s32 $0xFFFFE003, lr  }
0x1b: {  	s9 =	sadd.s32 $0xFFFFFEF7, lr;
	s5 =	simm.s32 $0xFFFFFFFF;
	p2 =	slt.u32 s8, $0xFFFFF086  }
0x1c: {  	p1 =	slt.u32 s9, $0xF7A;
	s5 =	simm.s32 @!p2 $0x0  }
0x1d: {  	s5 =	simm.s32 @p1 $0x1;
	p0 =	seq.s32 s7, s2  }
0x1e: {  	s7 =	smul.u32 @!p0 $0xF7A, s2;
	p2 =	seq.s32 @!p0 s5, $0x0  }
0x1f: {  	s9 =	smul.u32 $0xF7A, s1;
	s8 =	simm.s32 @!p0 $0x1BF5;
	p2 =	por !p2, p0  }
0x20: {  	[sflag:s8] =	ssyncset.s32 @!p0 $0xFFFFF086;
	s6 =	sadd.s32 @!p0 s3, s7;
	s7 =	simm.s32 @!p0 $0x108  }
0x21: {  	s3 =	sadd.s32 s3, s9;
	s6 =	sadd.s32 @!p0 $0x88, s6;
	s7 =	simm.s32 @p2 $0x1082  }
0x22: {  	[simem:s7], [sflag:s8] =	dma.local @!p0 [hbm:s6], $0xF7A  }
0x23: {  	s9 =	sor.u32 $0xD0000000, s2;
	s6 =	simm.s32 $0x108;
	_ =	swait.ge @!p0 [sflag:s8], $0x0  }
0x24: {  	s3 =	sadd.s32 $0x88, s3;
	s6 =	simm.s32 @!p1 $0x1082;
	[sflag:s4] =	ssyncset.s32 $0xFFFFF086  }
0x25: {  	[simem:s6], [sflag:s4] =	dma.local [hbm:s3], $0xF7A  }
0x26: {  	[smem:$0x3F99] =	sst s1;
	(tag) =	ssettag s2;
	_ =	strace s9  }
0x27: {  	s1 =	sld [smem:$0x3FA9]  }
0x28: {  	s2 =	sld [smem:$0x3FAA]  }
0x29: {  	s4 =	sld [smem:$0x3FAC]  }
0x2a: {  	p0 =	seq.s32 s5, $0x0;
	s5 =	sld [smem:$0x3FAD]  }
0x2b: {  	s6 =	sld [smem:$0x3FAE]  }
0x2c: {  	s7 =	sld [smem:$0x3FAF]  }
0x2d: {  	s3 =	simm.s32 $0x108;
	s8 =	sld [smem:$0x3FB0]  }
0x2e: {  	s3 =	simm.s32 @!p0 $0x1082;
	s9 =	sld [smem:$0x3FB1]  }
0x2f: {  	lr =	sadd.s32 s0, s3;
	s0 =	sld [smem:$0x3FA8]  }
0x30: {  	s3 =	sld [smem:$0x3FAB]  }
0x31: {  	[smem:$0x3FB4] =	sst s10  }
0x32: {  	s10 =	sld [smem:$0x3FB2];
	_ =	sdelay $0x3  }
0x33: {  	p0 =	seq.s32 s10, $0x1;
	s10 =	sld [smem:$0x3FB4];
	_ =	sdelay $0x3  }
0x34: {  	[smem:$0x3FB4] =	sst s10  }
0x35: {  	s10 =	sld [smem:$0x3FB3];
	_ =	sdelay $0x3  }
0x36: {  	p1 =	seq.s32 s10, $0x1;
	s10 =	sld [smem:$0x3FB4];
	_ =	sdelay $0x3  }
0x37: {  	[smem:$0x3FB4] =	sst s10  }
0x38: {  	s10 =	sld [smem:$0x3FB5]  }
0x39: {  	_ = 	snop;
	(pc) =	sbr.ind lr, $3  }
0x3a: {  	_ = 	snop  }
0x3b: {  	_ = 	snop  }
0x3c: {  	p2 =	seq.s32 s10, $0x1;
	s10 =	sld [smem:$0x3FB4]  }
0x3d: {  	_ =	shalt  }
0x3e: {  	_ =	shalt  }
0x3f: {  	_ =	shalt  }
0x40: {  	_ =	shalt  }
0x41: {  	_ =	shalt  }
0x42: {  	_ =	shalt  }
0x43: {  	_ =	shalt  }
0x44: {  	_ =	shalt  }
0x45: {  	_ =	shalt  }
0x46: {  	_ =	shalt  }
0x47: {  	_ =	shalt  }
0x48: {  	_ =	shalt  }
0x49: {  	_ =	shalt  }
0x4a: {  	_ =	shalt  }
0x4b: {  	_ =	shalt  }
0x4c: {  	_ =	shalt  }
0x4d: {  	_ =	shalt  }
0x4e: {  	_ =	shalt  }
0x4f: {  	_ =	shalt  }
0x50: {  	_ =	shalt  }
0x51: {  	_ =	shalt  }
0x52: {  	_ =	shalt  }
0x53: {  	_ =	shalt  }
0x54: {  	_ =	shalt  }
0x55: {  	_ =	shalt  }
0x56: {  	_ =	shalt  }
0x57: {  	_ =	shalt  }
0x58: {  	_ =	shalt  }
0x59: {  	_ =	shalt  }
0x5a: {  	_ =	shalt  }
0x5b: {  	_ =	shalt  }
0x5c: {  	_ =	shalt  }
0x5d: {  	_ =	shalt  }
0x5e: {  	_ =	shalt  }
0x5f: {  	_ =	shalt  }
0x60: {  	_ =	shalt  }
0x61: {  	_ =	shalt  }
0x62: {  	_ =	shalt  }
0x63: {  	_ =	shalt  }
0x64: {  	_ =	shalt  }
0x65: {  	_ =	shalt  }
0x66: {  	_ =	shalt  }
0x67: {  	_ =	shalt  }
0x68: {  	_ =	shalt  }
0x69: {  	_ =	shalt  }
0x6a: {  	_ =	shalt  }
0x6b: {  	_ =	shalt  }
0x6c: {  	_ =	shalt  }
0x6d: {  	_ =	shalt  }
0x6e: {  	_ =	shalt  }
0x6f: {  	_ =	shalt  }
0x70: {  	_ =	shalt  }
0x71: {  	_ =	shalt  }
0x72: {  	_ =	shalt  }
0x73: {  	_ =	shalt  }
0x74: {  	_ =	shalt  }
0x75: {  	_ =	shalt  }
0x76: {  	_ =	shalt  }
0x77: {  	_ =	shalt  }
0x78: {  	_ =	shalt  }
0x79: {  	_ =	shalt  }
0x7a: {  	_ =	shalt  }
0x7b: {  	_ =	shalt  }
0x7c: {  	_ =	shalt  }
0x7d: {  	_ =	shalt  }
0x7e: {  	_ =	shalt  }
0x7f: {  	_ =	shalt  }
0x80: {  	_ =	shalt  }
0x81: {  	_ =	shalt  }
0x82: {  	_ =	shalt  }
0x83: {  	_ =	shalt  }
0x84: {  	_ =	shalt  }
0x85: {  	_ =	shalt  }
0x86: {  	_ =	shalt  }
0x87: {  	_ =	shalt  }
.Lfunc_end0:
.L_simem_size_0:
called_computation_lowered:
.L_overlay_start_0:
0x88: {  	s2 =	sld [smem:$0x3FD9]  }
0x89: {  	s3 =	sld [smem:$0x3FFE];
	_ =	sdelay $0x1  }
0x8a: {  	s1 =	srdreg.scid  }
0x8b: {  	s0 =	sand.u32 $0x1, s1  }
0x8c: {  	s16 =	sshll.u32 s0, $0xA;
	s2 =	sadd.s32 s3, s2  }
0x8d: {  	s2 =	sadd.s32 s2, s16  }
0x8e: {  	[smem:$0x3FC0] =	sst s2  }
0x8f: {  	_ = 	snop  }
0x90: {  	(tm) =	ssettm $0x1  }
0x91: {  	s17 =	sld [smem:$0x3FFB];
	_ =	sdelay $0x3  }
0x92: {  	_ =	strace s17  }
0x93: {  	s2 =	sld [smem:$0x3FFC];
	_ =	sdelay $0x3  }
0x94: {  	_ =	strace s2  }
0x95: {  	s2 =	sld [smem:$0x3FFD];
	_ =	sdelay $0x3  }
0x96: {  	_ =	strace s2  }
0x97: {  	_ =	strace $0x8FFFFFFF  }
0x98: {  	s18 =	sld [smem:$0x3FDB];
	_ =	sdelay $0x1  }
0x99: {  	s19 =	simm.s32 $_scs_section_size  }
0x9a: {  	s4 =	simm.s32 $_size__tile_overlayer_lowered;
	s5 =	simm.s32 $_tile_overlayer_lowered  }
0x9b: {  	s22 =	simm.s32 $0x1BFF;
	s21 =	sshll.u32 s5, $0x1;
	s2 =	sadd.s32 s19, s18  }
0x9c: {  	s6 =	simm.s32 $0x0;
	s20 =	sshll.u32 s4, $0x1;
	s4 =	sadd.s32 s21, s2  }
0x9d: {  	[timem:s6], [sflag:s22] =	dma.local [hbm:s4], s20  }
0x9e: {  	_ =	swait.ge [sflag:s22], s20  }
0x9f: {  	s3 =	ssub.s32 $0x0, s20;
	[sflag:s22] =	ssyncset.done $0x0  }
0xa0: {  	[sflag:s22] =	ssyncadd.s32 s3;
	_ =	sdelay $0x1  }
0xa1: {  	s23 =	simm.s32 $0x1B8B  }
0xa2: {  	_ =	swait.ge [sflag:s23], $0x1  }
0xa3: {  	[sflag:s23] =	ssyncset.done $0x0  }
0xa4: {  	s25 =	simm.s32 $0x1B8E;
	s24 =	sld [smem:$0x3FFE];
	[sflag:s23] =	ssyncadd.s32 $0xFFFFFFFF  }
0xa5: {  	s26 =	simm.s32 $execute0_lowered;
	[smem:$0x3FD2] =	sst s25  }
0xa6: {  	s4 =	sshll.u32 s26, $0x1;
	_ =	strace $0x80000046;
	[dreg:$0x1] =	wrdreg $0xFFFFFFFF  }
0xa7: {  	s28 =	simm.s32 $_size_execute0_lowered;
	s2 =	sadd.s32 s2, s4;
	[dreg:$0x0] =	wrdreg $0x0  }
0xa8: {  	s4 =	sshll.u32 s28, $0x1;
	[dreg:$0x2] =	wrdreg s2  }
0xa9: {  	[dreg:$0x3] =	wrdreg s4  }
0xaa: {  	[dreg:$0x4] =	wrdreg $0xC0  }
0xab: {  	_ =	task [dreg:s6], $0x5FFFF  }
0xac: {  	[dreg:$0x1] =	wrdreg $0xFFFFFFFF  }
0xad: {  	[dreg:$0x0] =	wrdreg $0x60  }
0xae: {  	[dreg:$0x2] =	wrdreg s24  }
0xaf: {  	[dreg:$0x3] =	wrdreg $0x43000  }
0xb0: {  	[dreg:$0x4] =	wrdreg $0x9  }
0xb1: {  	_ =	task.clear_ibuf [dreg:s6], $0x5FFFF;
	_ =	strace $0x90000046  }
0xb2: {  	s29 =	simm.s32 $0x9;
	_ =	strace $0x80000048  }
0xb3: {  	_ =	swait.ge [sflag:s29], $0x1  }
0xb4: {  	[sflag:s29] =	ssyncadd.s32 $0xFFFFFFFF  }
0xb5: {  	_ =	strace $0x90000048  }
0xb6: {  	_ =	sfence  }
0xb7: {  	s30 =	sld [smem:$0x0];
	_ =	sdelay $0x2  }
0xb8: {  	s31 =	sshll.u32 s1, $0xD;
	s1 =	sshrl.u32 s1, $0x2  }
0xb9: {  	s3 =	sand.u32 $0x4000, s31;
	s1 =	sadd.s32 s1, s30  }
0xba: {  	s0 =	sor.u32 s3, s0;
	s1 =	sshll.u32 s1, $0x11  }
0xbb: {  	s0 =	sor.u32 s1, s0  }
0xbc: {  	s0 =	sadd.s32 $0x8F2B, s0  }
0xbd: {  	[sflag:s0] =	ssyncadd.remote.s32 $0x1  }
0xbe: {  	_ =	sfence.sel $0xFFFF  }
0xbf: {  	[dreg:$0x0] =	wrdreg $0xFFFFFFFF;
	(pc) =	sbr.abs _section_cstart, $3  }
0xc0: {  	[dreg:$0x1] =	wrdreg $0xFFFFFFFF  }
0xc1: {  	_ =	task.clear_ibuf [dreg:s6], $0x2FFFF;
	_ =	strace $0x9FFFFFFF  }
0xc2: {  	(tm) =	ssettm $0x7FFFFFFF  }
0xc3: {  	_ =	shalt  }
tec
execute0_lowered:
.L_overlay_start_1:
0x0: {  	(tag) =	ssettag $0x1  }
0x1: {  	s4 =	rddreg [dreg:$0x0]  }
0x2: {  	s2 =	rddreg [dreg:$0x1]  }
0x3: {  	s0 =	rddreg [dreg:$0x2];
	s1 =	stileid.u32  }
0x4: {  	s5 =	srdreg.scid;
	s3 =	simm.s32 $0x0;
	s10 =	simm.s32 $0x50  }
0x5: {  	s11 =	simm.s32 $0x4280;
	s14 =	simm.s32 $0x20;
	s15 =	simm.s32 $0x10  }
0x6: {  	s16 =	simm.s32 $0x0;
	s5 =	sand.u32 $0x1, s5;
	s6 =	smul.u32 $0x500, s1  }
0x7: {  	[smem:$0x7FF] =	sst s3;
	s8 =	sshll.u32 s1, $0xB;
	s28 =	smul.u32 $0xA00, s1  }
0x8: {  	s12 =	sshll.u32 s1, $0x6;
	s7 =	sshll.u32 s5, $0x7;
	_ =	strace $0x80000047  }
0x9: {  	s26 =	sadd.s32 s8, s4;
	s29 =	ssub.s32 $0x2, s5;
	s5 =	sshll.u32 s5, $0xF  }
0xa: {  	s8 =	simm.s32 $0x1;
	s12 =	sor.u32 $0x1C01, s12;
	s6 =	sor.u32 s7, s6  }
0xb: {  	s9 =	sshrl.u32 s29, $0x1;
	s5 =	sadd.s32 s5, s26;
	s30 =	sshrl.u32 s28, $0x2  }
0xc: {  	s6 =	sshrl.u32 s6, $0x3;
	s31 =	ssub.s32 s29, s9;
	s9 =	simm.s32 $0x4000  }
0xd: {  	s6 =	sadd.s32 s6, s4;
	s4 =	sadd.s32 $0x2000, s5;
	s5 =	sadd.s32 s30, s2  }
0xe: {  	v0 =	vimm.f32 $0.0e+00;
	v1 =	vimm.f32 $1.000000000e+00;
	s7 =	smax.u32 s31, $0x1;
	s6 =	sadd.s32 $0x12000, s6;
	s13 =	sshrl.u32 s5, $0x3  }
.LBB2_1:
0xf: {  	[tilespmem:$0x4000] =	vst v0  }
0x10: {  	[tilespmem:$0x4010] =	vst v0  }
0x11: {  	[tilespmem:$0x4020] =	vst v0  }
0x12: {  	[tilespmem:$0x4030] =	vst v0  }
0x13: {  	[tilespmem:$0x4040] =	vst v0  }
0x14: {  	[tilespmem:$0x4050] =	vst v0  }
0x15: {  	[tilespmem:$0x4060] =	vst v0  }
0x16: {  	[tilespmem:$0x4070] =	vst v0  }
0x17: {  	[tilespmem:$0x4080] =	vst v0  }
0x18: {  	[tilespmem:$0x4090] =	vst v0  }
0x19: {  	[tilespmem:$0x40A0] =	vst v0  }
0x1a: {  	[tilespmem:$0x40B0] =	vst v0  }
0x1b: {  	[tilespmem:$0x40C0] =	vst v0  }
0x1c: {  	[tilespmem:$0x40D0] =	vst v0  }
0x1d: {  	[tilespmem:$0x40E0] =	vst v0  }
0x1e: {  	[tilespmem:$0x40F0] =	vst v0  }
0x1f: {  	[tilespmem:$0x4100] =	vst v0  }
0x20: {  	[tilespmem:$0x4110] =	vst v0  }
0x21: {  	[tilespmem:$0x4120] =	vst v0  }
0x22: {  	[tilespmem:$0x4130] =	vst v0  }
0x23: {  	[tilespmem:$0x4140] =	vst v0  }
0x24: {  	[tilespmem:$0x4150] =	vst v0  }
0x25: {  	[tilespmem:$0x4160] =	vst v0  }
0x26: {  	[tilespmem:$0x4170] =	vst v0  }
0x27: {  	[tilespmem:$0x4180] =	vst v0  }
0x28: {  	[tilespmem:$0x4190] =	vst v0  }
0x29: {  	[tilespmem:$0x41A0] =	vst v0  }
0x2a: {  	[tilespmem:$0x41B0] =	vst v0  }
0x2b: {  	[tilespmem:$0x41C0] =	vst v0  }
0x2c: {  	[tilespmem:$0x41D0] =	vst v0  }
0x2d: {  	[tilespmem:$0x41E0] =	vst v0  }
0x2e: {  	[tilespmem:$0x41F0] =	vst v0  }
0x2f: {  	[tilespmem:$0x4200] =	vst v0  }
0x30: {  	[tilespmem:$0x4210] =	vst v0  }
0x31: {  	[tilespmem:$0x4220] =	vst v0  }
0x32: {  	[tilespmem:$0x4230] =	vst v0  }
0x33: {  	[tilespmem:$0x4240] =	vst v0  }
0x34: {  	[tilespmem:$0x4250] =	vst v0  }
0x35: {  	[tilespmem:$0x4260] =	vst v0  }
0x36: {  	[tilespmem:$0x4270] =	vst v0  }
0x37: {  	[tilespmem:$0x4280] =	vst v1  }
0x38: {  	[tilespmem:$0x4290] =	vst v1  }
0x39: {  	[tilespmem:$0x42A0] =	vst v1  }
0x3a: {  	[tilespmem:$0x42B0] =	vst v1  }
0x3b: {  	[tilespmem:$0x42C0] =	vst v1  }
0x3c: {  	[tilespmem:s3], [sflag:$0x1] =	stream.linear.gather [hbm4b:s4+s3], $0x3E80, $0x38;
	[tilespmem:$0x4580] =	vst v63  }
0x3d: {  	_ =	swait.ge [sflag:s8], $0x3E80  }
0x3e: {  	[sflag:s8] =	ssyncset.done $0x0  }
0x3f: {  	[sflag:s8] =	ssyncadd.s32 $0xFFFFC180  }
0x40: {  	[spmem:s5] =	stream.linear.scatter [tilespmem:s9], [sflag:$0x1], $0x280, $0x38;
	[tilespmem:$0x4580] =	vst v63  }
0x41: {  	_ =	swait.ge [sflag:s8], $0x280  }
0x42: {  	[sflag:s8] =	ssyncset.done $0x0  }
0x43: {  	[sflag:s8] =	ssyncadd.s32 $0xFFFFFD80  }
0x44: {  	s17 =	simm.s32 $0x0;
	[bflag:$0x0] =	sbarrier.arrive $0xFFFF  }
0x45: {  	[spmem:s2] =	stream.indirect.scatter.add.f32 [tilespmem:s11], [sflag:$0x1], $0x1, s17, s10, $0xb8;
	[tilespmem:$0x4580] =	vst v63  }
0x46: {  	_ =	swait.ge [sflag:s8], $0x50  }
0x47: {  	s17 =	simm.s32 $0x200;
	[sflag:s8] =	ssyncset.done $0x0  }
.LBB2_2:
0x48: {  	s18 =	sshra.s32 s17, $0x2;
	[sflag:s8] =	ssyncadd.s32 $0xFFFFFFB0;
	p0 =	sne.s32 s17, $0xF800  }
0x49: {  	[spmem:s2] =	stream.indirect.scatter.add.f32 [tilespmem:s11], [sflag:$0x1], $0x1, s18, s10, $0xb8;
	[tilespmem:$0x4580] =	vst v63  }
.Ltmp0:
0x4a: {  	_ = 	snop;
	(pc) =	sbr.rel @p0 .LBB2_2-.Ltmp0, $4  }
0x4b: {  	_ = 	snop  }
0x4c: {  	s17 =	sadd.s32 $0x200, s17  }
0x4d: {  	_ =	swait.ge [sflag:s8], $0x50  }
0x4e: {  	[sflag:s8] =	ssyncset.done $0x0  }
0x4f: {  	s16 =	sadd.s32 $0x1, s16  }
0x50: {  	[sflag:s8] =	ssyncadd.s32 $0xFFFFFFB0;
	p0 =	sne.s32 s16, s7  }
.Ltmp1:
0x51: {  	[bflag:$0x0] =	sbarrier.arrive $0xFFFF;
	(pc) =	sbr.rel @p0 .LBB2_1-.Ltmp1, $4  }
0x52: {  	[hbm:s6@s14], [sflag:s12] =	dma.strided [spmem:s13@s15], $0x50, s8, $0x10   }
0x53: {  	_ =	swait.ge [sflag:s8], $0x50  }
0x54: {  	[sflag:s8] =	ssyncset.done $0x0  }
0x55: {  	[sflag:s8] =	ssyncadd.s32 $0xFFFFFFB0  }
0x56: {  	_ =	sfence.sel $0x180000  }
0x57: {  	[bflag:$0x0] =	sbarrier.arrive $0xFFFF  }
0x58: {  	p0 =	sne.s32 s1, $0x0;
	_ =	strace $0x90000047  }
0x59: {  	s0 =	sadd.s32 @!p0 $0x100000, s0;
	[bflag:$0x2] =	sbarrier.arrive $0xFFFF  }
0x5a: {  	[sflag:s0] =	ssyncadd.tile.s32 @!p0 $0x1;
	_ =	shalt  }
.Lfunc_end2:
_tile_overlayer_lowered:
.L_overlay_start_2:
0x5b: {  	(tag) =	ssettag $0x2  }
0x5c: {  	s0 =	rddreg [dreg:$0x0];
	s2 =	stileid.u32  }
0x5d: {  	s1 =	rddreg [dreg:$0x1];
	p0 =	sne.s32 s2, $0x0  }
0x5e: {  	s3 =	rddreg [dreg:$0x2];
	[bflag:$0x3] =	sbarrier.arrive $0xFFFF;
	s2 =	simm.s32 @!p0 $0x1C01  }
0x5f: {  	[timem:s3], [sflag:s2] =	dma.local @!p0 [hbm:s0], s1  }
0x60: {  	s0 =	simm.s32 @!p0 $0x1  }
0x61: {  	_ =	swait.ge @!p0 [sflag:s0], s1  }
0x62: {  	s1 =	ssub.s32 @!p0 $0x0, s1;
	[sflag:s0] =	ssyncset.done @!p0 $0x0  }
0x63: {  	[sflag:s0] =	ssyncadd.s32 @!p0 s1  }
0x64: {  	[bflag:$0x3] =	sbarrier.arrive $0xFFFF  }
0x65: {  	_ =	shalt  }

</sc_bundles>
